<compile_context>
chip_gen: v7x
topology: tpu7x:2x2x1
jax: 0.10.2.dev20260603
libtpu: 0.0.44.dev20260713+nightly
codegen_flags: <defaults>
</compile_context>

<pallas_src>
import functools

import jax
import jax.numpy as jnp
from jax import lax
from jax.experimental import pallas as pl
from jax.experimental.pallas import tpu as pltpu
from jax.experimental.pallas import tpu_sc as plsc

N_NODES = 100000
N_PAD = 102400
N_EDGES = 6400000
EROWS = N_EDGES // 128
CHUNK_ROWS = 16
N_CHUNKS = EROWS // CHUNK_ROWS
NW = 32
TILE_ITERS = -(-N_CHUNKS // NW)
D = 8
TC_BLK = 4096
TC_GRID = N_PAD // TC_BLK


def _sc_degree_body(edge_hbm, zeros_hbm, ones_hbm, deg_out, idx_v, ones_v, deg_sh, sem):
    cid = lax.axis_index("c")
    sid = lax.axis_index("s")
    wid = sid * 2 + cid

    @pl.when(sid == 0)
    def _():
        pltpu.sync_copy(zeros_hbm, deg_sh)

    pltpu.sync_copy(ones_hbm, ones_v)
    plsc.subcore_barrier()

    def body(i, carry):
        c = wid + i * NW

        @pl.when(c < N_CHUNKS)
        def _():
            pltpu.sync_copy(edge_hbm.at[1, pl.ds(c * CHUNK_ROWS, CHUNK_ROWS)], idx_v)
            handles = [
                pltpu.async_copy(ones_v, deg_sh.at[idx_v.at[j]], sem, add=True)
                for j in range(CHUNK_ROWS)
            ]
            for h in handles:
                h.wait()

        return carry

    lax.fori_loop(0, TILE_ITERS, body, 0)
    plsc.subcore_barrier()
    rows_per_tile = N_PAD // 16
    pltpu.sync_copy(
        deg_sh.at[pl.ds(sid * rows_per_tile, rows_per_tile)],
        deg_out.at[cid, pl.ds(sid * rows_per_tile, rows_per_tile)],
    )


def _sc_message_body(edge_hbm, y_hbm, zeros_hbm, acc_out,
                     idx_s, idx_d, rows_v, acc_sh, gsem, ssem):
    cid = lax.axis_index("c")
    sid = lax.axis_index("s")
    wid = sid * 2 + cid

    @pl.when(sid == 0)
    def _():
        pltpu.sync_copy(zeros_hbm, acc_sh)

    plsc.subcore_barrier()

    def body(i, carry):
        c = wid + i * NW

        @pl.when(c < N_CHUNKS)
        def _():
            pltpu.sync_copy(edge_hbm.at[0, pl.ds(c * CHUNK_ROWS, CHUNK_ROWS)], idx_s)
            pltpu.sync_copy(edge_hbm.at[1, pl.ds(c * CHUNK_ROWS, CHUNK_ROWS)], idx_d)
            gathers = [
                pltpu.async_copy(y_hbm.at[idx_s.at[j]], rows_v.at[j], gsem.at[j])
                for j in range(CHUNK_ROWS)
            ]
            scatters = []
            for j in range(CHUNK_ROWS):
                gathers[j].wait()
                scatters.append(
                    pltpu.async_copy(rows_v.at[j], acc_sh.at[idx_d.at[j]], ssem, add=True)
                )
            for h in scatters:
                h.wait()

        return carry

    lax.fori_loop(0, TILE_ITERS, body, 0)
    plsc.subcore_barrier()
    rows_per_tile = N_PAD // 16
    pltpu.sync_copy(
        acc_sh.at[pl.ds(sid * rows_per_tile, rows_per_tile)],
        acc_out.at[cid, pl.ds(sid * rows_per_tile, rows_per_tile)],
    )


@functools.cache
def _build_sc_kernels():
    mesh = plsc.VectorSubcoreMesh(core_axis_name="c", subcore_axis_name="s")
    params = pltpu.CompilerParams(use_tc_tiling_on_sc=False)
    deg = functools.partial(
        pl.kernel,
        out_type=jax.ShapeDtypeStruct((2, N_PAD, D), jnp.float32),
        mesh=mesh,
        compiler_params=params,
        scratch_types=[
            pltpu.VMEM((CHUNK_ROWS, 128), jnp.int32),
            pltpu.VMEM((128, D), jnp.float32),
            pltpu.VMEM_SHARED((N_PAD, D), jnp.float32),
            pltpu.SemaphoreType.DMA,
        ],
    )(_sc_degree_body)
    msg = functools.partial(
        pl.kernel,
        out_type=jax.ShapeDtypeStruct((2, N_PAD, D), jnp.float32),
        mesh=mesh,
        compiler_params=params,
        scratch_types=[
            pltpu.VMEM((CHUNK_ROWS, 128), jnp.int32),
            pltpu.VMEM((CHUNK_ROWS, 128), jnp.int32),
            pltpu.VMEM((CHUNK_ROWS, 128, D), jnp.float32),
            pltpu.VMEM_SHARED((N_PAD, D), jnp.float32),
            pltpu.SemaphoreType.DMA((CHUNK_ROWS,)),
            pltpu.SemaphoreType.DMA,
        ],
    )(_sc_message_body)
    return deg, msg


def _tc_normalize_body(deg_ref, x_ref, wg_ref, y_ref):
    deg = deg_ref[0] + deg_ref[1] + 1.0
    dinv = lax.rsqrt(deg)
    x = x_ref[...]
    wg = wg_ref[...]
    xw = x[:, 0:1] * wg[0:1, :]
    for k in range(1, 6):
        xw = xw + x[:, k : k + 1] * wg[k : k + 1, :]
    y_ref[...] = xw * dinv


def _tc_finalize_body(acc_ref, y_ref, deg_ref, bg_ref, w1_ref, b1_ref,
                      w3_ref, b3_ref, out_ref, sum_ref):
    i = pl.program_id(0)
    deg = deg_ref[0] + deg_ref[1] + 1.0
    dinv = lax.rsqrt(deg)
    pre = dinv * (acc_ref[0] + acc_ref[1] + y_ref[...]) + bg_ref[...]
    h = jnp.tanh(pre)
    rows = i * TC_BLK + lax.broadcasted_iota(jnp.int32, (TC_BLK, 1), 0)
    h = jnp.where(rows < N_NODES, h, 0.0)
    psum = jnp.sum(h, axis=0, keepdims=True)

    @pl.when(i == 0)
    def _():
        sum_ref[0:1, 0:D] = psum

    @pl.when(i > 0)
    def _():
        sum_ref[0:1, 0:D] = sum_ref[0:1, 0:D] + psum

    @pl.when(i == TC_GRID - 1)
    def _():
        g = sum_ref[0:1, 0:D] * (1.0 / N_NODES)
        r = jnp.dot(g, w1_ref[...], preferred_element_type=jnp.float32,
                    precision=lax.Precision.HIGHEST)
        r = jnp.maximum(r + b1_ref[...], 0.0)
        o = jnp.dot(r, w3_ref[...], preferred_element_type=jnp.float32,
                    precision=lax.Precision.HIGHEST)
        out_ref[...] = o + b3_ref[...]


def kernel(x, edge_index, Wg, bg, W1, b1, W3, b3):
    ei = edge_index.astype(jnp.int32).reshape(2, EROWS, 128)
    zeros = jnp.zeros((N_PAD, D), jnp.float32)
    ones = jnp.ones((128, D), jnp.float32)
    x_pad = jnp.pad(x, ((0, N_PAD - N_NODES), (0, 0)))
    wg8 = jnp.pad(Wg, ((0, 0), (0, D - 4)))
    bg8 = jnp.pad(bg.reshape(1, 4), ((0, 0), (0, D - 4)))
    w18 = jnp.pad(W1, ((0, D - 4), (0, 0)))

    sc_degree, sc_message = _build_sc_kernels()
    deg_parts = sc_degree(ei, zeros, ones)

    y = pl.pallas_call(
        _tc_normalize_body,
        grid=(TC_GRID,),
        in_specs=[
            pl.BlockSpec((2, TC_BLK, D), lambda i: (0, i, 0)),
            pl.BlockSpec((TC_BLK, 6), lambda i: (i, 0)),
            pl.BlockSpec((6, D), lambda i: (0, 0)),
        ],
        out_specs=pl.BlockSpec((TC_BLK, D), lambda i: (i, 0)),
        out_shape=jax.ShapeDtypeStruct((N_PAD, D), jnp.float32),
    )(deg_parts, x_pad, wg8)

    acc_parts = sc_message(ei, y, zeros)

    out = pl.pallas_call(
        _tc_finalize_body,
        grid=(TC_GRID,),
        in_specs=[
            pl.BlockSpec((2, TC_BLK, D), lambda i: (0, i, 0)),
            pl.BlockSpec((TC_BLK, D), lambda i: (i, 0)),
            pl.BlockSpec((2, TC_BLK, D), lambda i: (0, i, 0)),
            pl.BlockSpec((1, D), lambda i: (0, 0)),
            pl.BlockSpec((D, 256), lambda i: (0, 0)),
            pl.BlockSpec((1, 256), lambda i: (0, 0)),
            pl.BlockSpec((256, 128), lambda i: (0, 0)),
            pl.BlockSpec((1, 128), lambda i: (0, 0)),
        ],
        out_specs=pl.BlockSpec((1, 128), lambda i: (0, 0)),
        out_shape=jax.ShapeDtypeStruct((1, 128), jnp.float32),
        scratch_shapes=[pltpu.VMEM((8, 128), jnp.float32)],
    )(acc_parts, y, deg_parts, bg8, w18, b1.reshape(1, 256),
      W3, b3.reshape(1, 128))

    return out

# --- scband reference (transcript-rebuilt; emitter-appended) ---
"""Pipeline reference for scband-forward-network-49761491091770 (READ-ONLY COPY).

The authoritative reference and input builder live on the scoring server;
editing this copy changes nothing except your own understanding.
"""

import jax, jax.numpy as jnp
import numpy as np

N_NODES = 100000
N_EDGES = 6400000
IN_FEAT = 6
GCN_OUT = 4
HIDDEN = 256
OUT_SIZE = 128


def setup_inputs(seed: int = 0) -> dict:
    key = jax.random.key(seed)
    ks = jax.random.split(key, 8)
    x = jax.random.normal(ks[0], (N_NODES, IN_FEAT), dtype=jnp.float32)
    edge_index = jax.random.randint(ks[1], (2, N_EDGES), 0, N_NODES, dtype=jnp.int64)
    # GCNConv(6, 4) params
    Wg = jax.random.normal(ks[2], (IN_FEAT, GCN_OUT), dtype=jnp.float32) * (1.0 / np.sqrt(IN_FEAT))
    bg = jnp.zeros((GCN_OUT,), dtype=jnp.float32)
    # fc1: Linear(graph_embeddings_size=4, hidden=256)
    W1 = jax.random.normal(ks[3], (GCN_OUT, HIDDEN), dtype=jnp.float32) * (1.0 / np.sqrt(GCN_OUT))
    b1 = jnp.zeros((HIDDEN,), dtype=jnp.float32)
    # fc3: Linear(hidden=256, output=128)
    W3 = jax.random.normal(ks[4], (HIDDEN, OUT_SIZE), dtype=jnp.float32) * (1.0 / np.sqrt(HIDDEN))
    b3 = jnp.zeros((OUT_SIZE,), dtype=jnp.float32)
    return {"x": x, "edge_index": edge_index, "Wg": Wg, "bg": bg, "W1": W1, "b1": b1, "W3": W3, "b3": b3}


def _gcn_conv(x, edge_index, W, b):
    # PyG GCNConv: add self-loops, symmetric normalization, linear transform, scatter-add aggregation
    num_nodes = x.shape[0]
    src = edge_index[0]
    dst = edge_index[1]
    loop = jnp.arange(num_nodes, dtype=src.dtype)
    src = jnp.concatenate([src, loop])
    dst = jnp.concatenate([dst, loop])
    deg = jnp.zeros((num_nodes,), dtype=jnp.float32).at[dst].add(1.0)
    dinv = jnp.where(deg > 0, 1.0 / jnp.sqrt(deg), 0.0)
    norm = dinv[src] * dinv[dst]
    xw = x @ W
    msg = xw[src] * norm[:, None]
    out = jnp.zeros((num_nodes, W.shape[1]), dtype=jnp.float32).at[dst].add(msg)
    return out + b


def reference(x, edge_index, Wg, bg, W1, b1, W3, b3):
    h = _gcn_conv(x, edge_index, Wg, bg)
    h = jnp.tanh(h)
    # F.dropout treated as identity (deterministic reference)
    g = jnp.mean(h, axis=0, keepdims=True)  # global_mean_pool, batch=None -> [1, 4]
    out = jax.nn.relu(g @ W1 + b1)
    out = out @ W3 + b3
    return out

if __name__ == "__main__":
    import jax
    _d = setup_inputs()
    print(jax.jit(kernel)(*tuple(_d.values())))

</pallas_src>

<mosaic_0001>
#map = affine_map<(d0, d1) -> (0, 0, 0)>
#map1 = affine_map<(d0, d1) -> (0, 0)>
module attributes {stable_mosaic.version = 14 : i64} {
  func.func @_sc_message_body(%arg0: i32, %arg1: i32, %arg2: memref<2x50000x128xi32, #tpu.memory_space<hbm>>, %arg3: memref<102400x8xf32, #tpu.memory_space<hbm>>, %arg4: memref<102400x8xf32, #tpu.memory_space<hbm>>, %arg5: memref<2x102400x8xf32, #tpu.memory_space<hbm>>, %arg6: memref<16x128xi32, #tpu.memory_space<vmem>>, %arg7: memref<16x128xi32, #tpu.memory_space<vmem>>, %arg8: memref<16x128x8xf32, #tpu.memory_space<vmem>>, %arg9: memref<102400x8xf32, #tpu.memory_space<vmem_shared>>, %arg10: memref<16x!tpu.dma_semaphore, #tpu.memory_space<semaphore_mem>>, %arg11: memref<!tpu.dma_semaphore, #tpu.memory_space<semaphore_mem>>) attributes {dimension_semantics = [#tpu.dimension_semantics<core_parallel>, #tpu.dimension_semantics<subcore_parallel>], iteration_bounds = array<i64: 2, 16>, scalar_prefetch = 0 : i64, scratch_operands = 6 : i64, tpu.core_type = #tpu.core_type<sc_vector_subcore>, window_params = [{transform_indices = #map}, {transform_indices = #map1}, {transform_indices = #map1}, {transform_indices = #map}]} {
    %mul3A = arith.constant 2 : i32
    %mul3A_0 = arith.muli %arg1, %mul3A : i32
    %add3A = arith.addi %mul3A_0, %arg0 : i32
    %eq3A = arith.constant 0 : i32
    %eq3A_1 = arith.cmpi eq, %arg1, %eq3A : i32
    %convert_element_type3A = arith.extui %eq3A_1 : i1 to i32
    %cond3A = arith.constant 0 : i32
    %cond3A_2 = arith.cmpi ne, %convert_element_type3A, %cond3A : i32
    scf.if %cond3A_2 {
      "tpu.region"() ({
        %run_scoped3A = tpu.sem_alloc : memref<!tpu.dma_semaphore, #tpu.memory_space<semaphore_mem>>
        tpu.enqueue_dma source(%arg4 : memref<102400x8xf32, #tpu.memory_space<hbm>>) target(%arg9 : memref<102400x8xf32, #tpu.memory_space<vmem_shared>>) target_semaphore(%run_scoped3A : memref<!tpu.dma_semaphore, #tpu.memory_space<semaphore_mem>>)
        tpu.wait_dma2 semaphore(%run_scoped3A : memref<!tpu.dma_semaphore, #tpu.memory_space<semaphore_mem>>) src(%arg4 : memref<102400x8xf32, #tpu.memory_space<hbm>>) dst(%arg9 : memref<102400x8xf32, #tpu.memory_space<vmem_shared>>)
        tpu.yield
      }) : () -> ()
    } else {
    }
    %barrier3A = arith.constant 0 : index
    tpu.barrier barrier_id(%barrier3A)
    %scan3A = arith.constant 0 : i32
    %scan3A_3 = arith.constant 0 : i32
    %scan3A_4 = arith.constant 98 : i32
    %scan3A_5 = arith.addi %scan3A_3, %scan3A_4 : i32
    %scan3A_6 = arith.constant 1 : i32
    scf.for %scan3A_13 = %scan3A_3 to %scan3A_5 step %scan3A_6  : i32 {
      %mul3A_14 = arith.constant 32 : i32
      %mul3A_15 = arith.muli %scan3A_13, %mul3A_14 : i32
      %add3A_16 = arith.addi %add3A, %mul3A_15 : i32
      %lt3A = arith.constant 3125 : i32
      %lt3A_17 = arith.cmpi slt, %add3A_16, %lt3A : i32
      %convert_element_type3A_18 = arith.extui %lt3A_17 : i1 to i32
      %cond3A_19 = arith.constant 0 : i32
      %cond3A_20 = arith.cmpi ne, %convert_element_type3A_18, %cond3A_19 : i32
      scf.if %cond3A_20 {
        %mul3A_21 = arith.constant 16 : i32
        %mul3A_22 = arith.muli %add3A_16, %mul3A_21 : i32
        %run_scoped3A = arith.constant 0 : i32
        "tpu.region"() ({
          %run_scoped3A_888 = tpu.sem_alloc : memref<!tpu.dma_semaphore, #tpu.memory_space<semaphore_mem>>
          %dma_start3A_889 = arith.constant 0 : i32
          %dma_start3A_890 = tpu.memref_slice %arg2[%run_scoped3A, %mul3A_22, %dma_start3A_889] : memref<2x50000x128xi32, #tpu.memory_space<hbm>> -> memref<1x16x128xi32, #tpu.memory_space<hbm>>
          %dma_start3A_891 = tpu.memref_squeeze %dma_start3A_890 : memref<1x16x128xi32, #tpu.memory_space<hbm>> -> memref<16x128xi32, #tpu.memory_space<hbm>>
          %dma_start3A_892 = arith.constant 0 : i32
          %dma_start3A_893 = tpu.memref_slice %arg2[%run_scoped3A, %mul3A_22, %dma_start3A_892] : memref<2x50000x128xi32, #tpu.memory_space<hbm>> -> memref<1x16x128xi32, #tpu.memory_space<hbm>>
          %dma_start3A_894 = tpu.memref_squeeze %dma_start3A_893 : memref<1x16x128xi32, #tpu.memory_space<hbm>> -> memref<16x128xi32, #tpu.memory_space<hbm>>
          tpu.enqueue_dma source(%dma_start3A_894 : memref<16x128xi32, #tpu.memory_space<hbm>>) target(%arg6 : memref<16x128xi32, #tpu.memory_space<vmem>>) target_semaphore(%run_scoped3A_888 : memref<!tpu.dma_semaphore, #tpu.memory_space<semaphore_mem>>)
          %dma_wait3A_895 = arith.constant 0 : i32
          %dma_wait3A_896 = tpu.memref_slice %arg2[%run_scoped3A, %mul3A_22, %dma_wait3A_895] : memref<2x50000x128xi32, #tpu.memory_space<hbm>> -> memref<1x16x128xi32, #tpu.memory_space<hbm>>
          %dma_wait3A_897 = tpu.memref_squeeze %dma_wait3A_896 : memref<1x16x128xi32, #tpu.memory_space<hbm>> -> memref<16x128xi32, #tpu.memory_space<hbm>>
          %dma_wait3A_898 = arith.constant 0 : i32
          %dma_wait3A_899 = tpu.memref_slice %arg2[%run_scoped3A, %mul3A_22, %dma_wait3A_898] : memref<2x50000x128xi32, #tpu.memory_space<hbm>> -> memref<1x16x128xi32, #tpu.memory_space<hbm>>
          %dma_wait3A_900 = tpu.memref_squeeze %dma_wait3A_899 : memref<1x16x128xi32, #tpu.memory_space<hbm>> -> memref<16x128xi32, #tpu.memory_space<hbm>>
          tpu.wait_dma2 semaphore(%run_scoped3A_888 : memref<!tpu.dma_semaphore, #tpu.memory_space<semaphore_mem>>) src(%dma_wait3A_900 : memref<16x128xi32, #tpu.memory_space<hbm>>) dst(%arg6 : memref<16x128xi32, #tpu.memory_space<vmem>>)
          tpu.yield
        }) : () -> ()
        %mul3A_23 = arith.constant 16 : i32
        %mul3A_24 = arith.muli %add3A_16, %mul3A_23 : i32
        %run_scoped3A_25 = arith.constant 1 : i32
        "tpu.region"() ({
          %run_scoped3A_888 = tpu.sem_alloc : memref<!tpu.dma_semaphore, #tpu.memory_space<semaphore_mem>>
          %dma_start3A_889 = arith.constant 0 : i32
          %dma_start3A_890 = tpu.memref_slice %arg2[%run_scoped3A_25, %mul3A_24, %dma_start3A_889] : memref<2x50000x128xi32, #tpu.memory_space<hbm>> -> memref<1x16x128xi32, #tpu.memory_space<hbm>>
          %dma_start3A_891 = tpu.memref_squeeze %dma_start3A_890 : memref<1x16x128xi32, #tpu.memory_space<hbm>> -> memref<16x128xi32, #tpu.memory_space<hbm>>
          %dma_start3A_892 = arith.constant 0 : i32
          %dma_start3A_893 = tpu.memref_slice %arg2[%run_scoped3A_25, %mul3A_24, %dma_start3A_892] : memref<2x50000x128xi32, #tpu.memory_space<hbm>> -> memref<1x16x128xi32, #tpu.memory_space<hbm>>
          %dma_start3A_894 = tpu.memref_squeeze %dma_start3A_893 : memref<1x16x128xi32, #tpu.memory_space<hbm>> -> memref<16x128xi32, #tpu.memory_space<hbm>>
          tpu.enqueue_dma source(%dma_start3A_894 : memref<16x128xi32, #tpu.memory_space<hbm>>) target(%arg7 : memref<16x128xi32, #tpu.memory_space<vmem>>) target_semaphore(%run_scoped3A_888 : memref<!tpu.dma_semaphore, #tpu.memory_space<semaphore_mem>>)
          %dma_wait3A_895 = arith.constant 0 : i32
          %dma_wait3A_896 = tpu.memref_slice %arg2[%run_scoped3A_25, %mul3A_24, %dma_wait3A_895] : memref<2x50000x128xi32, #tpu.memory_space<hbm>> -> memref<1x16x128xi32, #tpu.memory_space<hbm>>
          %dma_wait3A_897 = tpu.memref_squeeze %dma_wait3A_896 : memref<1x16x128xi32, #tpu.memory_space<hbm>> -> memref<16x128xi32, #tpu.memory_space<hbm>>
          %dma_wait3A_898 = arith.constant 0 : i32
          %dma_wait3A_899 = tpu.memref_slice %arg2[%run_scoped3A_25, %mul3A_24, %dma_wait3A_898] : memref<2x50000x128xi32, #tpu.memory_space<hbm>> -> memref<1x16x128xi32, #tpu.memory_space<hbm>>
          %dma_wait3A_900 = tpu.memref_squeeze %dma_wait3A_899 : memref<1x16x128xi32, #tpu.memory_space<hbm>> -> memref<16x128xi32, #tpu.memory_space<hbm>>
          tpu.wait_dma2 semaphore(%run_scoped3A_888 : memref<!tpu.dma_semaphore, #tpu.memory_space<semaphore_mem>>) src(%dma_wait3A_900 : memref<16x128xi32, #tpu.memory_space<hbm>>) dst(%arg7 : memref<16x128xi32, #tpu.memory_space<vmem>>)
          tpu.yield
        }) : () -> ()
        %dma_start3A = arith.constant 0 : i32
        %dma_start3A_26 = arith.constant 0 : i32
        %dma_start3A_27 = arith.constant 0 : i32
        %dma_start3A_28 = arith.constant 0 : i32
        %dma_start3A_29 = arith.constant 0 : i32
        %dma_start3A_30 = tpu.memref_slice %arg8[%dma_start3A_26, %dma_start3A_28, %dma_start3A_29] : memref<16x128x8xf32, #tpu.memory_space<vmem>> -> memref<1x128x8xf32, #tpu.memory_space<vmem>>
        %dma_start3A_31 = tpu.memref_squeeze %dma_start3A_30 : memref<1x128x8xf32, #tpu.memory_space<vmem>> -> memref<128x8xf32, #tpu.memory_space<vmem>>
        %dma_start3A_32 = arith.constant 0 : i32
        %dma_start3A_33 = tpu.memref_slice %arg6[%dma_start3A, %dma_start3A_32] : memref<16x128xi32, #tpu.memory_space<vmem>> -> memref<1x128xi32, #tpu.memory_space<vmem>>
        %dma_start3A_34 = tpu.memref_squeeze %dma_start3A_33 : memref<1x128xi32, #tpu.memory_space<vmem>> -> memref<128xi32, #tpu.memory_space<vmem>>
        %dma_start3A_35 = arith.constant 0 : i32
        %dma_start3A_36 = arith.constant 0 : i32
        %dma_start3A_37 = tpu.memref_slice %arg3[%dma_start3A_35, %dma_start3A_36] : memref<102400x8xf32, #tpu.memory_space<hbm>> -> memref<102400x8xf32, #tpu.memory_space<hbm>>
        %dma_start3A_38 = tpu.memref_slice %arg10[%dma_start3A_27] : memref<16x!tpu.dma_semaphore, #tpu.memory_space<semaphore_mem>> -> memref<1x!tpu.dma_semaphore, #tpu.memory_space<semaphore_mem>>
        %dma_start3A_39 = tpu.memref_squeeze %dma_start3A_38 : memref<1x!tpu.dma_semaphore, #tpu.memory_space<semaphore_mem>> -> memref<!tpu.dma_semaphore, #tpu.memory_space<semaphore_mem>>
        tpu.enqueue_indirect_dma source(%dma_start3A_37 : memref<102400x8xf32, #tpu.memory_space<hbm>>) target(%dma_start3A_31 : memref<128x8xf32, #tpu.memory_space<vmem>>) offsets(%dma_start3A_34 : memref<128xi32, #tpu.memory_space<vmem>>) semaphore(%dma_start3A_39 : memref<!tpu.dma_semaphore, #tpu.memory_space<semaphore_mem>>)
        %dma_start3A_40 = arith.constant 1 : i32
        %dma_start3A_41 = arith.constant 1 : i32
        %dma_start3A_42 = arith.constant 1 : i32
        %dma_start3A_43 = arith.constant 0 : i32
        %dma_start3A_44 = arith.constant 0 : i32
        %dma_start3A_45 = tpu.memref_slice %arg8[%dma_start3A_41, %dma_start3A_43, %dma_start3A_44] : memref<16x128x8xf32, #tpu.memory_space<vmem>> -> memref<1x128x8xf32, #tpu.memory_space<vmem>>
        %dma_start3A_46 = tpu.memref_squeeze %dma_start3A_45 : memref<1x128x8xf32, #tpu.memory_space<vmem>> -> memref<128x8xf32, #tpu.memory_space<vmem>>
        %dma_start3A_47 = arith.constant 0 : i32
        %dma_start3A_48 = tpu.memref_slice %arg6[%dma_start3A_40, %dma_start3A_47] : memref<16x128xi32, #tpu.memory_space<vmem>> -> memref<1x128xi32, #tpu.memory_space<vmem>>
        %dma_start3A_49 = tpu.memref_squeeze %dma_start3A_48 : memref<1x128xi32, #tpu.memory_space<vmem>> -> memref<128xi32, #tpu.memory_space<vmem>>
        %dma_start3A_50 = arith.constant 0 : i32
        %dma_start3A_51 = arith.constant 0 : i32
        %dma_start3A_52 = tpu.memref_slice %arg3[%dma_start3A_50, %dma_start3A_51] : memref<102400x8xf32, #tpu.memory_space<hbm>> -> memref<102400x8xf32, #tpu.memory_space<hbm>>
        %dma_start3A_53 = tpu.memref_slice %arg10[%dma_start3A_42] : memref<16x!tpu.dma_semaphore, #tpu.memory_space<semaphore_mem>> -> memref<1x!tpu.dma_semaphore, #tpu.memory_space<semaphore_mem>>
        %dma_start3A_54 = tpu.memref_squeeze %dma_start3A_53 : memref<1x!tpu.dma_semaphore, #tpu.memory_space<semaphore_mem>> -> memref<!tpu.dma_semaphore, #tpu.memory_space<semaphore_mem>>
        tpu.enqueue_indirect_dma source(%dma_start3A_52 : memref<102400x8xf32, #tpu.memory_space<hbm>>) target(%dma_start3A_46 : memref<128x8xf32, #tpu.memory_space<vmem>>) offsets(%dma_start3A_49 : memref<128xi32, #tpu.memory_space<vmem>>) semaphore(%dma_start3A_54 : memref<!tpu.dma_semaphore, #tpu.memory_space<semaphore_mem>>)
        %dma_start3A_55 = arith.constant 2 : i32
        %dma_start3A_56 = arith.constant 2 : i32
        %dma_start3A_57 = arith.constant 2 : i32
        %dma_start3A_58 = arith.constant 0 : i32
        %dma_start3A_59 = arith.constant 0 : i32
        %dma_start3A_60 = tpu.memref_slice %arg8[%dma_start3A_56, %dma_start3A_58, %dma_start3A_59] : memref<16x128x8xf32, #tpu.memory_space<vmem>> -> memref<1x128x8xf32, #tpu.memory_space<vmem>>
        %dma_start3A_61 = tpu.memref_squeeze %dma_start3A_60 : memref<1x128x8xf32, #tpu.memory_space<vmem>> -> memref<128x8xf32, #tpu.memory_space<vmem>>
        %dma_start3A_62 = arith.constant 0 : i32
        %dma_start3A_63 = tpu.memref_slice %arg6[%dma_start3A_55, %dma_start3A_62] : memref<16x128xi32, #tpu.memory_space<vmem>> -> memref<1x128xi32, #tpu.memory_space<vmem>>
        %dma_start3A_64 = tpu.memref_squeeze %dma_start3A_63 : memref<1x128xi32, #tpu.memory_space<vmem>> -> memref<128xi32, #tpu.memory_space<vmem>>
        %dma_start3A_65 = arith.constant 0 : i32
        %dma_start3A_66 = arith.constant 0 : i32
        %dma_start3A_67 = tpu.memref_slice %arg3[%dma_start3A_65, %dma_start3A_66] : memref<102400x8xf32, #tpu.memory_space<hbm>> -> memref<102400x8xf32, #tpu.memory_space<hbm>>
        %dma_start3A_68 = tpu.memref_slice %arg10[%dma_start3A_57] : memref<16x!tpu.dma_semaphore, #tpu.memory_space<semaphore_mem>> -> memref<1x!tpu.dma_semaphore, #tpu.memory_space<semaphore_mem>>
        %dma_start3A_69 = tpu.memref_squeeze %dma_start3A_68 : memref<1x!tpu.dma_semaphore, #tpu.memory_space<semaphore_mem>> -> memref<!tpu.dma_semaphore, #tpu.memory_space<semaphore_mem>>
        tpu.enqueue_indirect_dma source(%dma_start3A_67 : memref<102400x8xf32, #tpu.memory_space<hbm>>) target(%dma_start3A_61 : memref<128x8xf32, #tpu.memory_space<vmem>>) offsets(%dma_start3A_64 : memref<128xi32, #tpu.memory_space<vmem>>) semaphore(%dma_start3A_69 : memref<!tpu.dma_semaphore, #tpu.memory_space<semaphore_mem>>)
        %dma_start3A_70 = arith.constant 3 : i32
        %dma_start3A_71 = arith.constant 3 : i32
        %dma_start3A_72 = arith.constant 3 : i32
        %dma_start3A_73 = arith.constant 0 : i32
        %dma_start3A_74 = arith.constant 0 : i32
        %dma_start3A_75 = tpu.memref_slice %arg8[%dma_start3A_71, %dma_start3A_73, %dma_start3A_74] : memref<16x128x8xf32, #tpu.memory_space<vmem>> -> memref<1x128x8xf32, #tpu.memory_space<vmem>>
        %dma_start3A_76 = tpu.memref_squeeze %dma_start3A_75 : memref<1x128x8xf32, #tpu.memory_space<vmem>> -> memref<128x8xf32, #tpu.memory_space<vmem>>
        %dma_start3A_77 = arith.constant 0 : i32
        %dma_start3A_78 = tpu.memref_slice %arg6[%dma_start3A_70, %dma_start3A_77] : memref<16x128xi32, #tpu.memory_space<vmem>> -> memref<1x128xi32, #tpu.memory_space<vmem>>
        %dma_start3A_79 = tpu.memref_squeeze %dma_start3A_78 : memref<1x128xi32, #tpu.memory_space<vmem>> -> memref<128xi32, #tpu.memory_space<vmem>>
        %dma_start3A_80 = arith.constant 0 : i32
        %dma_start3A_81 = arith.constant 0 : i32
        %dma_start3A_82 = tpu.memref_slice %arg3[%dma_start3A_80, %dma_start3A_81] : memref<102400x8xf32, #tpu.memory_space<hbm>> -> memref<102400x8xf32, #tpu.memory_space<hbm>>
        %dma_start3A_83 = tpu.memref_slice %arg10[%dma_start3A_72] : memref<16x!tpu.dma_semaphore, #tpu.memory_space<semaphore_mem>> -> memref<1x!tpu.dma_semaphore, #tpu.memory_space<semaphore_mem>>
        %dma_start3A_84 = tpu.memref_squeeze %dma_start3A_83 : memref<1x!tpu.dma_semaphore, #tpu.memory_space<semaphore_mem>> -> memref<!tpu.dma_semaphore, #tpu.memory_space<semaphore_mem>>
        tpu.enqueue_indirect_dma source(%dma_start3A_82 : memref<102400x8xf32, #tpu.memory_space<hbm>>) target(%dma_start3A_76 : memref<128x8xf32, #tpu.memory_space<vmem>>) offsets(%dma_start3A_79 : memref<128xi32, #tpu.memory_space<vmem>>) semaphore(%dma_start3A_84 : memref<!tpu.dma_semaphore, #tpu.memory_space<semaphore_mem>>)
        %dma_start3A_85 = arith.constant 4 : i32
        %dma_start3A_86 = arith.constant 4 : i32
        %dma_start3A_87 = arith.constant 4 : i32
        %dma_start3A_88 = arith.constant 0 : i32
        %dma_start3A_89 = arith.constant 0 : i32
        %dma_start3A_90 = tpu.memref_slice %arg8[%dma_start3A_86, %dma_start3A_88, %dma_start3A_89] : memref<16x128x8xf32, #tpu.memory_space<vmem>> -> memref<1x128x8xf32, #tpu.memory_space<vmem>>
        %dma_start3A_91 = tpu.memref_squeeze %dma_start3A_90 : memref<1x128x8xf32, #tpu.memory_space<vmem>> -> memref<128x8xf32, #tpu.memory_space<vmem>>
        %dma_start3A_92 = arith.constant 0 : i32
        %dma_start3A_93 = tpu.memref_slice %arg6[%dma_start3A_85, %dma_start3A_92] : memref<16x128xi32, #tpu.memory_space<vmem>> -> memref<1x128xi32, #tpu.memory_space<vmem>>
        %dma_start3A_94 = tpu.memref_squeeze %dma_start3A_93 : memref<1x128xi32, #tpu.memory_space<vmem>> -> memref<128xi32, #tpu.memory_space<vmem>>
        %dma_start3A_95 = arith.constant 0 : i32
        %dma_start3A_96 = arith.constant 0 : i32
        %dma_start3A_97 = tpu.memref_slice %arg3[%dma_start3A_95, %dma_start3A_96] : memref<102400x8xf32, #tpu.memory_space<hbm>> -> memref<102400x8xf32, #tpu.memory_space<hbm>>
        %dma_start3A_98 = tpu.memref_slice %arg10[%dma_start3A_87] : memref<16x!tpu.dma_semaphore, #tpu.memory_space<semaphore_mem>> -> memref<1x!tpu.dma_semaphore, #tpu.memory_space<semaphore_mem>>
        %dma_start3A_99 = tpu.memref_squeeze %dma_start3A_98 : memref<1x!tpu.dma_semaphore, #tpu.memory_space<semaphore_mem>> -> memref<!tpu.dma_semaphore, #tpu.memory_space<semaphore_mem>>
        tpu.enqueue_indirect_dma source(%dma_start3A_97 : memref<102400x8xf32, #tpu.memory_space<hbm>>) target(%dma_start3A_91 : memref<128x8xf32, #tpu.memory_space<vmem>>) offsets(%dma_start3A_94 : memref<128xi32, #tpu.memory_space<vmem>>) semaphore(%dma_start3A_99 : memref<!tpu.dma_semaphore, #tpu.memory_space<semaphore_mem>>)
        %dma_start3A_100 = arith.constant 5 : i32
        %dma_start3A_101 = arith.constant 5 : i32
        %dma_start3A_102 = arith.constant 5 : i32
        %dma_start3A_103 = arith.constant 0 : i32
        %dma_start3A_104 = arith.constant 0 : i32
        %dma_start3A_105 = tpu.memref_slice %arg8[%dma_start3A_101, %dma_start3A_103, %dma_start3A_104] : memref<16x128x8xf32, #tpu.memory_space<vmem>> -> memref<1x128x8xf32, #tpu.memory_space<vmem>>
        %dma_start3A_106 = tpu.memref_squeeze %dma_start3A_105 : memref<1x128x8xf32, #tpu.memory_space<vmem>> -> memref<128x8xf32, #tpu.memory_space<vmem>>
        %dma_start3A_107 = arith.constant 0 : i32
        %dma_start3A_108 = tpu.memref_slice %arg6[%dma_start3A_100, %dma_start3A_107] : memref<16x128xi32, #tpu.memory_space<vmem>> -> memref<1x128xi32, #tpu.memory_space<vmem>>
        %dma_start3A_109 = tpu.memref_squeeze %dma_start3A_108 : memref<1x128xi32, #tpu.memory_space<vmem>> -> memref<128xi32, #tpu.memory_space<vmem>>
        %dma_start3A_110 = arith.constant 0 : i32
        %dma_start3A_111 = arith.constant 0 : i32
        %dma_start3A_112 = tpu.memref_slice %arg3[%dma_start3A_110, %dma_start3A_111] : memref<102400x8xf32, #tpu.memory_space<hbm>> -> memref<102400x8xf32, #tpu.memory_space<hbm>>
        %dma_start3A_113 = tpu.memref_slice %arg10[%dma_start3A_102] : memref<16x!tpu.dma_semaphore, #tpu.memory_space<semaphore_mem>> -> memref<1x!tpu.dma_semaphore, #tpu.memory_space<semaphore_mem>>
        %dma_start3A_114 = tpu.memref_squeeze %dma_start3A_113 : memref<1x!tpu.dma_semaphore, #tpu.memory_space<semaphore_mem>> -> memref<!tpu.dma_semaphore, #tpu.memory_space<semaphore_mem>>
        tpu.enqueue_indirect_dma source(%dma_start3A_112 : memref<102400x8xf32, #tpu.memory_space<hbm>>) target(%dma_start3A_106 : memref<128x8xf32, #tpu.memory_space<vmem>>) offsets(%dma_start3A_109 : memref<128xi32, #tpu.memory_space<vmem>>) semaphore(%dma_start3A_114 : memref<!tpu.dma_semaphore, #tpu.memory_space<semaphore_mem>>)
        %dma_start3A_115 = arith.constant 6 : i32
        %dma_start3A_116 = arith.constant 6 : i32
        %dma_start3A_117 = arith.constant 6 : i32
        %dma_start3A_118 = arith.constant 0 : i32
        %dma_start3A_119 = arith.constant 0 : i32
        %dma_start3A_120 = tpu.memref_slice %arg8[%dma_start3A_116, %dma_start3A_118, %dma_start3A_119] : memref<16x128x8xf32, #tpu.memory_space<vmem>> -> memref<1x128x8xf32, #tpu.memory_space<vmem>>
        %dma_start3A_121 = tpu.memref_squeeze %dma_start3A_120 : memref<1x128x8xf32, #tpu.memory_space<vmem>> -> memref<128x8xf32, #tpu.memory_space<vmem>>
        %dma_start3A_122 = arith.constant 0 : i32
        %dma_start3A_123 = tpu.memref_slice %arg6[%dma_start3A_115, %dma_start3A_122] : memref<16x128xi32, #tpu.memory_space<vmem>> -> memref<1x128xi32, #tpu.memory_space<vmem>>
        %dma_start3A_124 = tpu.memref_squeeze %dma_start3A_123 : memref<1x128xi32, #tpu.memory_space<vmem>> -> memref<128xi32, #tpu.memory_space<vmem>>
        %dma_start3A_125 = arith.constant 0 : i32
        %dma_start3A_126 = arith.constant 0 : i32
        %dma_start3A_127 = tpu.memref_slice %arg3[%dma_start3A_125, %dma_start3A_126] : memref<102400x8xf32, #tpu.memory_space<hbm>> -> memref<102400x8xf32, #tpu.memory_space<hbm>>
        %dma_start3A_128 = tpu.memref_slice %arg10[%dma_start3A_117] : memref<16x!tpu.dma_semaphore, #tpu.memory_space<semaphore_mem>> -> memref<1x!tpu.dma_semaphore, #tpu.memory_space<semaphore_mem>>
        %dma_start3A_129 = tpu.memref_squeeze %dma_start3A_128 : memref<1x!tpu.dma_semaphore, #tpu.memory_space<semaphore_mem>> -> memref<!tpu.dma_semaphore, #tpu.memory_space<semaphore_mem>>
        tpu.enqueue_indirect_dma source(%dma_start3A_127 : memref<102400x8xf32, #tpu.memory_space<hbm>>) target(%dma_start3A_121 : memref<128x8xf32, #tpu.memory_space<vmem>>) offsets(%dma_start3A_124 : memref<128xi32, #tpu.memory_space<vmem>>) semaphore(%dma_start3A_129 : memref<!tpu.dma_semaphore, #tpu.memory_space<semaphore_mem>>)
        %dma_start3A_130 = arith.constant 7 : i32
        %dma_start3A_131 = arith.constant 7 : i32
        %dma_start3A_132 = arith.constant 7 : i32
        %dma_start3A_133 = arith.constant 0 : i32
        %dma_start3A_134 = arith.constant 0 : i32
        %dma_start3A_135 = tpu.memref_slice %arg8[%dma_start3A_131, %dma_start3A_133, %dma_start3A_134] : memref<16x128x8xf32, #tpu.memory_space<vmem>> -> memref<1x128x8xf32, #tpu.memory_space<vmem>>
        %dma_start3A_136 = tpu.memref_squeeze %dma_start3A_135 : memref<1x128x8xf32, #tpu.memory_space<vmem>> -> memref<128x8xf32, #tpu.memory_space<vmem>>
        %dma_start3A_137 = arith.constant 0 : i32
        %dma_start3A_138 = tpu.memref_slice %arg6[%dma_start3A_130, %dma_start3A_137] : memref<16x128xi32, #tpu.memory_space<vmem>> -> memref<1x128xi32, #tpu.memory_space<vmem>>
        %dma_start3A_139 = tpu.memref_squeeze %dma_start3A_138 : memref<1x128xi32, #tpu.memory_space<vmem>> -> memref<128xi32, #tpu.memory_space<vmem>>
        %dma_start3A_140 = arith.constant 0 : i32
        %dma_start3A_141 = arith.constant 0 : i32
        %dma_start3A_142 = tpu.memref_slice %arg3[%dma_start3A_140, %dma_start3A_141] : memref<102400x8xf32, #tpu.memory_space<hbm>> -> memref<102400x8xf32, #tpu.memory_space<hbm>>
        %dma_start3A_143 = tpu.memref_slice %arg10[%dma_start3A_132] : memref<16x!tpu.dma_semaphore, #tpu.memory_space<semaphore_mem>> -> memref<1x!tpu.dma_semaphore, #tpu.memory_space<semaphore_mem>>
        %dma_start3A_144 = tpu.memref_squeeze %dma_start3A_143 : memref<1x!tpu.dma_semaphore, #tpu.memory_space<semaphore_mem>> -> memref<!tpu.dma_semaphore, #tpu.memory_space<semaphore_mem>>
        tpu.enqueue_indirect_dma source(%dma_start3A_142 : memref<102400x8xf32, #tpu.memory_space<hbm>>) target(%dma_start3A_136 : memref<128x8xf32, #tpu.memory_space<vmem>>) offsets(%dma_start3A_139 : memref<128xi32, #tpu.memory_space<vmem>>) semaphore(%dma_start3A_144 : memref<!tpu.dma_semaphore, #tpu.memory_space<semaphore_mem>>)
        %dma_start3A_145 = arith.constant 8 : i32
        %dma_start3A_146 = arith.constant 8 : i32
        %dma_start3A_147 = arith.constant 8 : i32
        %dma_start3A_148 = arith.constant 0 : i32
        %dma_start3A_149 = arith.constant 0 : i32
        %dma_start3A_150 = tpu.memref_slice %arg8[%dma_start3A_146, %dma_start3A_148, %dma_start3A_149] : memref<16x128x8xf32, #tpu.memory_space<vmem>> -> memref<1x128x8xf32, #tpu.memory_space<vmem>>
        %dma_start3A_151 = tpu.memref_squeeze %dma_start3A_150 : memref<1x128x8xf32, #tpu.memory_space<vmem>> -> memref<128x8xf32, #tpu.memory_space<vmem>>
        %dma_start3A_152 = arith.constant 0 : i32
        %dma_start3A_153 = tpu.memref_slice %arg6[%dma_start3A_145, %dma_start3A_152] : memref<16x128xi32, #tpu.memory_space<vmem>> -> memref<1x128xi32, #tpu.memory_space<vmem>>
        %dma_start3A_154 = tpu.memref_squeeze %dma_start3A_153 : memref<1x128xi32, #tpu.memory_space<vmem>> -> memref<128xi32, #tpu.memory_space<vmem>>
        %dma_start3A_155 = arith.constant 0 : i32
        %dma_start3A_156 = arith.constant 0 : i32
        %dma_start3A_157 = tpu.memref_slice %arg3[%dma_start3A_155, %dma_start3A_156] : memref<102400x8xf32, #tpu.memory_space<hbm>> -> memref<102400x8xf32, #tpu.memory_space<hbm>>
        %dma_start3A_158 = tpu.memref_slice %arg10[%dma_start3A_147] : memref<16x!tpu.dma_semaphore, #tpu.memory_space<semaphore_mem>> -> memref<1x!tpu.dma_semaphore, #tpu.memory_space<semaphore_mem>>
        %dma_start3A_159 = tpu.memref_squeeze %dma_start3A_158 : memref<1x!tpu.dma_semaphore, #tpu.memory_space<semaphore_mem>> -> memref<!tpu.dma_semaphore, #tpu.memory_space<semaphore_mem>>
        tpu.enqueue_indirect_dma source(%dma_start3A_157 : memref<102400x8xf32, #tpu.memory_space<hbm>>) target(%dma_start3A_151 : memref<128x8xf32, #tpu.memory_space<vmem>>) offsets(%dma_start3A_154 : memref<128xi32, #tpu.memory_space<vmem>>) semaphore(%dma_start3A_159 : memref<!tpu.dma_semaphore, #tpu.memory_space<semaphore_mem>>)
        %dma_start3A_160 = arith.constant 9 : i32
        %dma_start3A_161 = arith.constant 9 : i32
        %dma_start3A_162 = arith.constant 9 : i32
        %dma_start3A_163 = arith.constant 0 : i32
        %dma_start3A_164 = arith.constant 0 : i32
        %dma_start3A_165 = tpu.memref_slice %arg8[%dma_start3A_161, %dma_start3A_163, %dma_start3A_164] : memref<16x128x8xf32, #tpu.memory_space<vmem>> -> memref<1x128x8xf32, #tpu.memory_space<vmem>>
        %dma_start3A_166 = tpu.memref_squeeze %dma_start3A_165 : memref<1x128x8xf32, #tpu.memory_space<vmem>> -> memref<128x8xf32, #tpu.memory_space<vmem>>
        %dma_start3A_167 = arith.constant 0 : i32
        %dma_start3A_168 = tpu.memref_slice %arg6[%dma_start3A_160, %dma_start3A_167] : memref<16x128xi32, #tpu.memory_space<vmem>> -> memref<1x128xi32, #tpu.memory_space<vmem>>
        %dma_start3A_169 = tpu.memref_squeeze %dma_start3A_168 : memref<1x128xi32, #tpu.memory_space<vmem>> -> memref<128xi32, #tpu.memory_space<vmem>>
        %dma_start3A_170 = arith.constant 0 : i32
        %dma_start3A_171 = arith.constant 0 : i32
        %dma_start3A_172 = tpu.memref_slice %arg3[%dma_start3A_170, %dma_start3A_171] : memref<102400x8xf32, #tpu.memory_space<hbm>> -> memref<102400x8xf32, #tpu.memory_space<hbm>>
        %dma_start3A_173 = tpu.memref_slice %arg10[%dma_start3A_162] : memref<16x!tpu.dma_semaphore, #tpu.memory_space<semaphore_mem>> -> memref<1x!tpu.dma_semaphore, #tpu.memory_space<semaphore_mem>>
        %dma_start3A_174 = tpu.memref_squeeze %dma_start3A_173 : memref<1x!tpu.dma_semaphore, #tpu.memory_space<semaphore_mem>> -> memref<!tpu.dma_semaphore, #tpu.memory_space<semaphore_mem>>
        tpu.enqueue_indirect_dma source(%dma_start3A_172 : memref<102400x8xf32, #tpu.memory_space<hbm>>) target(%dma_start3A_166 : memref<128x8xf32, #tpu.memory_space<vmem>>) offsets(%dma_start3A_169 : memref<128xi32, #tpu.memory_space<vmem>>) semaphore(%dma_start3A_174 : memref<!tpu.dma_semaphore, #tpu.memory_space<semaphore_mem>>)
        %dma_start3A_175 = arith.constant 10 : i32
        %dma_start3A_176 = arith.constant 10 : i32
        %dma_start3A_177 = arith.constant 10 : i32
        %dma_start3A_178 = arith.constant 0 : i32
        %dma_start3A_179 = arith.constant 0 : i32
        %dma_start3A_180 = tpu.memref_slice %arg8[%dma_start3A_176, %dma_start3A_178, %dma_start3A_179] : memref<16x128x8xf32, #tpu.memory_space<vmem>> -> memref<1x128x8xf32, #tpu.memory_space<vmem>>
        %dma_start3A_181 = tpu.memref_squeeze %dma_start3A_180 : memref<1x128x8xf32, #tpu.memory_space<vmem>> -> memref<128x8xf32, #tpu.memory_space<vmem>>
        %dma_start3A_182 = arith.constant 0 : i32
        %dma_start3A_183 = tpu.memref_slice %arg6[%dma_start3A_175, %dma_start3A_182] : memref<16x128xi32, #tpu.memory_space<vmem>> -> memref<1x128xi32, #tpu.memory_space<vmem>>
        %dma_start3A_184 = tpu.memref_squeeze %dma_start3A_183 : memref<1x128xi32, #tpu.memory_space<vmem>> -> memref<128xi32, #tpu.memory_space<vmem>>
        %dma_start3A_185 = arith.constant 0 : i32
        %dma_start3A_186 = arith.constant 0 : i32
        %dma_start3A_187 = tpu.memref_slice %arg3[%dma_start3A_185, %dma_start3A_186] : memref<102400x8xf32, #tpu.memory_space<hbm>> -> memref<102400x8xf32, #tpu.memory_space<hbm>>
        %dma_start3A_188 = tpu.memref_slice %arg10[%dma_start3A_177] : memref<16x!tpu.dma_semaphore, #tpu.memory_space<semaphore_mem>> -> memref<1x!tpu.dma_semaphore, #tpu.memory_space<semaphore_mem>>
        %dma_start3A_189 = tpu.memref_squeeze %dma_start3A_188 : memref<1x!tpu.dma_semaphore, #tpu.memory_space<semaphore_mem>> -> memref<!tpu.dma_semaphore, #tpu.memory_space<semaphore_mem>>
        tpu.enqueue_indirect_dma source(%dma_start3A_187 : memref<102400x8xf32, #tpu.memory_space<hbm>>) target(%dma_start3A_181 : memref<128x8xf32, #tpu.memory_space<vmem>>) offsets(%dma_start3A_184 : memref<128xi32, #tpu.memory_space<vmem>>) semaphore(%dma_start3A_189 : memref<!tpu.dma_semaphore, #tpu.memory_space<semaphore_mem>>)
        %dma_start3A_190 = arith.constant 11 : i32
        %dma_start3A_191 = arith.constant 11 : i32
        %dma_start3A_192 = arith.constant 11 : i32
        %dma_start3A_193 = arith.constant 0 : i32
        %dma_start3A_194 = arith.constant 0 : i32
        %dma_start3A_195 = tpu.memref_slice %arg8[%dma_start3A_191, %dma_start3A_193, %dma_start3A_194] : memref<16x128x8xf32, #tpu.memory_space<vmem>> -> memref<1x128x8xf32, #tpu.memory_space<vmem>>
        %dma_start3A_196 = tpu.memref_squeeze %dma_start3A_195 : memref<1x128x8xf32, #tpu.memory_space<vmem>> -> memref<128x8xf32, #tpu.memory_space<vmem>>
        %dma_start3A_197 = arith.constant 0 : i32
        %dma_start3A_198 = tpu.memref_slice %arg6[%dma_start3A_190, %dma_start3A_197] : memref<16x128xi32, #tpu.memory_space<vmem>> -> memref<1x128xi32, #tpu.memory_space<vmem>>
        %dma_start3A_199 = tpu.memref_squeeze %dma_start3A_198 : memref<1x128xi32, #tpu.memory_space<vmem>> -> memref<128xi32, #tpu.memory_space<vmem>>
        %dma_start3A_200 = arith.constant 0 : i32
        %dma_start3A_201 = arith.constant 0 : i32
        %dma_start3A_202 = tpu.memref_slice %arg3[%dma_start3A_200, %dma_start3A_201] : memref<102400x8xf32, #tpu.memory_space<hbm>> -> memref<102400x8xf32, #tpu.memory_space<hbm>>
        %dma_start3A_203 = tpu.memref_slice %arg10[%dma_start3A_192] : memref<16x!tpu.dma_semaphore, #tpu.memory_space<semaphore_mem>> -> memref<1x!tpu.dma_semaphore, #tpu.memory_space<semaphore_mem>>
        %dma_start3A_204 = tpu.memref_squeeze %dma_start3A_203 : memref<1x!tpu.dma_semaphore, #tpu.memory_space<semaphore_mem>> -> memref<!tpu.dma_semaphore, #tpu.memory_space<semaphore_mem>>
        tpu.enqueue_indirect_dma source(%dma_start3A_202 : memref<102400x8xf32, #tpu.memory_space<hbm>>) target(%dma_start3A_196 : memref<128x8xf32, #tpu.memory_space<vmem>>) offsets(%dma_start3A_199 : memref<128xi32, #tpu.memory_space<vmem>>) semaphore(%dma_start3A_204 : memref<!tpu.dma_semaphore, #tpu.memory_space<semaphore_mem>>)
        %dma_start3A_205 = arith.constant 12 : i32
        %dma_start3A_206 = arith.constant 12 : i32
        %dma_start3A_207 = arith.constant 12 : i32
        %dma_start3A_208 = arith.constant 0 : i32
        %dma_start3A_209 = arith.constant 0 : i32
        %dma_start3A_210 = tpu.memref_slice %arg8[%dma_start3A_206, %dma_start3A_208, %dma_start3A_209] : memref<16x128x8xf32, #tpu.memory_space<vmem>> -> memref<1x128x8xf32, #tpu.memory_space<vmem>>
        %dma_start3A_211 = tpu.memref_squeeze %dma_start3A_210 : memref<1x128x8xf32, #tpu.memory_space<vmem>> -> memref<128x8xf32, #tpu.memory_space<vmem>>
        %dma_start3A_212 = arith.constant 0 : i32
        %dma_start3A_213 = tpu.memref_slice %arg6[%dma_start3A_205, %dma_start3A_212] : memref<16x128xi32, #tpu.memory_space<vmem>> -> memref<1x128xi32, #tpu.memory_space<vmem>>
        %dma_start3A_214 = tpu.memref_squeeze %dma_start3A_213 : memref<1x128xi32, #tpu.memory_space<vmem>> -> memref<128xi32, #tpu.memory_space<vmem>>
        %dma_start3A_215 = arith.constant 0 : i32
        %dma_start3A_216 = arith.constant 0 : i32
        %dma_start3A_217 = tpu.memref_slice %arg3[%dma_start3A_215, %dma_start3A_216] : memref<102400x8xf32, #tpu.memory_space<hbm>> -> memref<102400x8xf32, #tpu.memory_space<hbm>>
        %dma_start3A_218 = tpu.memref_slice %arg10[%dma_start3A_207] : memref<16x!tpu.dma_semaphore, #tpu.memory_space<semaphore_mem>> -> memref<1x!tpu.dma_semaphore, #tpu.memory_space<semaphore_mem>>
        %dma_start3A_219 = tpu.memref_squeeze %dma_start3A_218 : memref<1x!tpu.dma_semaphore, #tpu.memory_space<semaphore_mem>> -> memref<!tpu.dma_semaphore, #tpu.memory_space<semaphore_mem>>
        tpu.enqueue_indirect_dma source(%dma_start3A_217 : memref<102400x8xf32, #tpu.memory_space<hbm>>) target(%dma_start3A_211 : memref<128x8xf32, #tpu.memory_space<vmem>>) offsets(%dma_start3A_214 : memref<128xi32, #tpu.memory_space<vmem>>) semaphore(%dma_start3A_219 : memref<!tpu.dma_semaphore, #tpu.memory_space<semaphore_mem>>)
        %dma_start3A_220 = arith.constant 13 : i32
        %dma_start3A_221 = arith.constant 13 : i32
        %dma_start3A_222 = arith.constant 13 : i32
        %dma_start3A_223 = arith.constant 0 : i32
        %dma_start3A_224 = arith.constant 0 : i32
        %dma_start3A_225 = tpu.memref_slice %arg8[%dma_start3A_221, %dma_start3A_223, %dma_start3A_224] : memref<16x128x8xf32, #tpu.memory_space<vmem>> -> memref<1x128x8xf32, #tpu.memory_space<vmem>>
        %dma_start3A_226 = tpu.memref_squeeze %dma_start3A_225 : memref<1x128x8xf32, #tpu.memory_space<vmem>> -> memref<128x8xf32, #tpu.memory_space<vmem>>
        %dma_start3A_227 = arith.constant 0 : i32
        %dma_start3A_228 = tpu.memref_slice %arg6[%dma_start3A_220, %dma_start3A_227] : memref<16x128xi32, #tpu.memory_space<vmem>> -> memref<1x128xi32, #tpu.memory_space<vmem>>
        %dma_start3A_229 = tpu.memref_squeeze %dma_start3A_228 : memref<1x128xi32, #tpu.memory_space<vmem>> -> memref<128xi32, #tpu.memory_space<vmem>>
        %dma_start3A_230 = arith.constant 0 : i32
        %dma_start3A_231 = arith.constant 0 : i32
        %dma_start3A_232 = tpu.memref_slice %arg3[%dma_start3A_230, %dma_start3A_231] : memref<102400x8xf32, #tpu.memory_space<hbm>> -> memref<102400x8xf32, #tpu.memory_space<hbm>>
        %dma_start3A_233 = tpu.memref_slice %arg10[%dma_start3A_222] : memref<16x!tpu.dma_semaphore, #tpu.memory_space<semaphore_mem>> -> memref<1x!tpu.dma_semaphore, #tpu.memory_space<semaphore_mem>>
        %dma_start3A_234 = tpu.memref_squeeze %dma_start3A_233 : memref<1x!tpu.dma_semaphore, #tpu.memory_space<semaphore_mem>> -> memref<!tpu.dma_semaphore, #tpu.memory_space<semaphore_mem>>
        tpu.enqueue_indirect_dma source(%dma_start3A_232 : memref<102400x8xf32, #tpu.memory_space<hbm>>) target(%dma_start3A_226 : memref<128x8xf32, #tpu.memory_space<vmem>>) offsets(%dma_start3A_229 : memref<128xi32, #tpu.memory_space<vmem>>) semaphore(%dma_start3A_234 : memref<!tpu.dma_semaphore, #tpu.memory_space<semaphore_mem>>)
        %dma_start3A_235 = arith.constant 14 : i32
        %dma_start3A_236 = arith.constant 14 : i32
        %dma_start3A_237 = arith.constant 14 : i32
        %dma_start3A_238 = arith.constant 0 : i32
        %dma_start3A_239 = arith.constant 0 : i32
        %dma_start3A_240 = tpu.memref_slice %arg8[%dma_start3A_236, %dma_start3A_238, %dma_start3A_239] : memref<16x128x8xf32, #tpu.memory_space<vmem>> -> memref<1x128x8xf32, #tpu.memory_space<vmem>>
        %dma_start3A_241 = tpu.memref_squeeze %dma_start3A_240 : memref<1x128x8xf32, #tpu.memory_space<vmem>> -> memref<128x8xf32, #tpu.memory_space<vmem>>
        %dma_start3A_242 = arith.constant 0 : i32
        %dma_start3A_243 = tpu.memref_slice %arg6[%dma_start3A_235, %dma_start3A_242] : memref<16x128xi32, #tpu.memory_space<vmem>> -> memref<1x128xi32, #tpu.memory_space<vmem>>
        %dma_start3A_244 = tpu.memref_squeeze %dma_start3A_243 : memref<1x128xi32, #tpu.memory_space<vmem>> -> memref<128xi32, #tpu.memory_space<vmem>>
        %dma_start3A_245 = arith.constant 0 : i32
        %dma_start3A_246 = arith.constant 0 : i32
        %dma_start3A_247 = tpu.memref_slice %arg3[%dma_start3A_245, %dma_start3A_246] : memref<102400x8xf32, #tpu.memory_space<hbm>> -> memref<102400x8xf32, #tpu.memory_space<hbm>>
        %dma_start3A_248 = tpu.memref_slice %arg10[%dma_start3A_237] : memref<16x!tpu.dma_semaphore, #tpu.memory_space<semaphore_mem>> -> memref<1x!tpu.dma_semaphore, #tpu.memory_space<semaphore_mem>>
        %dma_start3A_249 = tpu.memref_squeeze %dma_start3A_248 : memref<1x!tpu.dma_semaphore, #tpu.memory_space<semaphore_mem>> -> memref<!tpu.dma_semaphore, #tpu.memory_space<semaphore_mem>>
        tpu.enqueue_indirect_dma source(%dma_start3A_247 : memref<102400x8xf32, #tpu.memory_space<hbm>>) target(%dma_start3A_241 : memref<128x8xf32, #tpu.memory_space<vmem>>) offsets(%dma_start3A_244 : memref<128xi32, #tpu.memory_space<vmem>>) semaphore(%dma_start3A_249 : memref<!tpu.dma_semaphore, #tpu.memory_space<semaphore_mem>>)
        %dma_start3A_250 = arith.constant 15 : i32
        %dma_start3A_251 = arith.constant 15 : i32
        %dma_start3A_252 = arith.constant 15 : i32
        %dma_start3A_253 = arith.constant 0 : i32
        %dma_start3A_254 = arith.constant 0 : i32
        %dma_start3A_255 = tpu.memref_slice %arg8[%dma_start3A_251, %dma_start3A_253, %dma_start3A_254] : memref<16x128x8xf32, #tpu.memory_space<vmem>> -> memref<1x128x8xf32, #tpu.memory_space<vmem>>
        %dma_start3A_256 = tpu.memref_squeeze %dma_start3A_255 : memref<1x128x8xf32, #tpu.memory_space<vmem>> -> memref<128x8xf32, #tpu.memory_space<vmem>>
        %dma_start3A_257 = arith.constant 0 : i32
        %dma_start3A_258 = tpu.memref_slice %arg6[%dma_start3A_250, %dma_start3A_257] : memref<16x128xi32, #tpu.memory_space<vmem>> -> memref<1x128xi32, #tpu.memory_space<vmem>>
        %dma_start3A_259 = tpu.memref_squeeze %dma_start3A_258 : memref<1x128xi32, #tpu.memory_space<vmem>> -> memref<128xi32, #tpu.memory_space<vmem>>
        %dma_start3A_260 = arith.constant 0 : i32
        %dma_start3A_261 = arith.constant 0 : i32
        %dma_start3A_262 = tpu.memref_slice %arg3[%dma_start3A_260, %dma_start3A_261] : memref<102400x8xf32, #tpu.memory_space<hbm>> -> memref<102400x8xf32, #tpu.memory_space<hbm>>
        %dma_start3A_263 = tpu.memref_slice %arg10[%dma_start3A_252] : memref<16x!tpu.dma_semaphore, #tpu.memory_space<semaphore_mem>> -> memref<1x!tpu.dma_semaphore, #tpu.memory_space<semaphore_mem>>
        %dma_start3A_264 = tpu.memref_squeeze %dma_start3A_263 : memref<1x!tpu.dma_semaphore, #tpu.memory_space<semaphore_mem>> -> memref<!tpu.dma_semaphore, #tpu.memory_space<semaphore_mem>>
        tpu.enqueue_indirect_dma source(%dma_start3A_262 : memref<102400x8xf32, #tpu.memory_space<hbm>>) target(%dma_start3A_256 : memref<128x8xf32, #tpu.memory_space<vmem>>) offsets(%dma_start3A_259 : memref<128xi32, #tpu.memory_space<vmem>>) semaphore(%dma_start3A_264 : memref<!tpu.dma_semaphore, #tpu.memory_space<semaphore_mem>>)
        %dma_wait3A = arith.constant 0 : i32
        %dma_wait3A_265 = arith.constant 0 : i32
        %dma_wait3A_266 = arith.constant 0 : i32
        %dma_wait3A_267 = arith.constant 0 : i32
        %dma_wait3A_268 = arith.constant 0 : i32
        %dma_wait3A_269 = tpu.memref_slice %arg8[%dma_wait3A_265, %dma_wait3A_267, %dma_wait3A_268] : memref<16x128x8xf32, #tpu.memory_space<vmem>> -> memref<1x128x8xf32, #tpu.memory_space<vmem>>
        %dma_wait3A_270 = tpu.memref_squeeze %dma_wait3A_269 : memref<1x128x8xf32, #tpu.memory_space<vmem>> -> memref<128x8xf32, #tpu.memory_space<vmem>>
        %dma_wait3A_271 = arith.constant 0 : i32
        %dma_wait3A_272 = tpu.memref_slice %arg6[%dma_wait3A, %dma_wait3A_271] : memref<16x128xi32, #tpu.memory_space<vmem>> -> memref<1x128xi32, #tpu.memory_space<vmem>>
        %dma_wait3A_273 = tpu.memref_squeeze %dma_wait3A_272 : memref<1x128xi32, #tpu.memory_space<vmem>> -> memref<128xi32, #tpu.memory_space<vmem>>
        %dma_wait3A_274 = arith.constant 0 : i32
        %dma_wait3A_275 = arith.constant 0 : i32
        %dma_wait3A_276 = tpu.memref_slice %arg3[%dma_wait3A_274, %dma_wait3A_275] : memref<102400x8xf32, #tpu.memory_space<hbm>> -> memref<102400x8xf32, #tpu.memory_space<hbm>>
        %dma_wait3A_277 = tpu.memref_slice %arg10[%dma_wait3A_266] : memref<16x!tpu.dma_semaphore, #tpu.memory_space<semaphore_mem>> -> memref<1x!tpu.dma_semaphore, #tpu.memory_space<semaphore_mem>>
        %dma_wait3A_278 = tpu.memref_squeeze %dma_wait3A_277 : memref<1x!tpu.dma_semaphore, #tpu.memory_space<semaphore_mem>> -> memref<!tpu.dma_semaphore, #tpu.memory_space<semaphore_mem>>
        tpu.wait_indirect_dma semaphore(%dma_wait3A_278 : memref<!tpu.dma_semaphore, #tpu.memory_space<semaphore_mem>>) src(%dma_wait3A_276 : memref<102400x8xf32, #tpu.memory_space<hbm>>) dst(%dma_wait3A_270 : memref<128x8xf32, #tpu.memory_space<vmem>>)
        %dma_start3A_279 = arith.constant 0 : i32
        %dma_start3A_280 = arith.constant 0 : i32
        %dma_start3A_281 = arith.constant 0 : i32
        %dma_start3A_282 = arith.constant 0 : i32
        %dma_start3A_283 = tpu.memref_slice %arg8[%dma_start3A_279, %dma_start3A_281, %dma_start3A_282] : memref<16x128x8xf32, #tpu.memory_space<vmem>> -> memref<1x128x8xf32, #tpu.memory_space<vmem>>
        %dma_start3A_284 = tpu.memref_squeeze %dma_start3A_283 : memref<1x128x8xf32, #tpu.memory_space<vmem>> -> memref<128x8xf32, #tpu.memory_space<vmem>>
        %dma_start3A_285 = arith.constant 0 : i32
        %dma_start3A_286 = tpu.memref_slice %arg7[%dma_start3A_280, %dma_start3A_285] : memref<16x128xi32, #tpu.memory_space<vmem>> -> memref<1x128xi32, #tpu.memory_space<vmem>>
        %dma_start3A_287 = tpu.memref_squeeze %dma_start3A_286 : memref<1x128xi32, #tpu.memory_space<vmem>> -> memref<128xi32, #tpu.memory_space<vmem>>
        %dma_start3A_288 = arith.constant 0 : i32
        %dma_start3A_289 = arith.constant 0 : i32
        %dma_start3A_290 = tpu.memref_slice %arg9[%dma_start3A_288, %dma_start3A_289] : memref<102400x8xf32, #tpu.memory_space<vmem_shared>> -> memref<102400x8xf32, #tpu.memory_space<vmem_shared>>
        tpu.enqueue_indirect_dma source(%dma_start3A_284 : memref<128x8xf32, #tpu.memory_space<vmem>>) target(%dma_start3A_290 : memref<102400x8xf32, #tpu.memory_space<vmem_shared>>) offsets(%dma_start3A_287 : memref<128xi32, #tpu.memory_space<vmem>>) semaphore(%arg11 : memref<!tpu.dma_semaphore, #tpu.memory_space<semaphore_mem>>) {add = true}
        %dma_wait3A_291 = arith.constant 1 : i32
        %dma_wait3A_292 = arith.constant 1 : i32
        %dma_wait3A_293 = arith.constant 1 : i32
        %dma_wait3A_294 = arith.constant 0 : i32
        %dma_wait3A_295 = arith.constant 0 : i32
        %dma_wait3A_296 = tpu.memref_slice %arg8[%dma_wait3A_292, %dma_wait3A_294, %dma_wait3A_295] : memref<16x128x8xf32, #tpu.memory_space<vmem>> -> memref<1x128x8xf32, #tpu.memory_space<vmem>>
        %dma_wait3A_297 = tpu.memref_squeeze %dma_wait3A_296 : memref<1x128x8xf32, #tpu.memory_space<vmem>> -> memref<128x8xf32, #tpu.memory_space<vmem>>
        %dma_wait3A_298 = arith.constant 0 : i32
        %dma_wait3A_299 = tpu.memref_slice %arg6[%dma_wait3A_291, %dma_wait3A_298] : memref<16x128xi32, #tpu.memory_space<vmem>> -> memref<1x128xi32, #tpu.memory_space<vmem>>
        %dma_wait3A_300 = tpu.memref_squeeze %dma_wait3A_299 : memref<1x128xi32, #tpu.memory_space<vmem>> -> memref<128xi32, #tpu.memory_space<vmem>>
        %dma_wait3A_301 = arith.constant 0 : i32
        %dma_wait3A_302 = arith.constant 0 : i32
        %dma_wait3A_303 = tpu.memref_slice %arg3[%dma_wait3A_301, %dma_wait3A_302] : memref<102400x8xf32, #tpu.memory_space<hbm>> -> memref<102400x8xf32, #tpu.memory_space<hbm>>
        %dma_wait3A_304 = tpu.memref_slice %arg10[%dma_wait3A_293] : memref<16x!tpu.dma_semaphore, #tpu.memory_space<semaphore_mem>> -> memref<1x!tpu.dma_semaphore, #tpu.memory_space<semaphore_mem>>
        %dma_wait3A_305 = tpu.memref_squeeze %dma_wait3A_304 : memref<1x!tpu.dma_semaphore, #tpu.memory_space<semaphore_mem>> -> memref<!tpu.dma_semaphore, #tpu.memory_space<semaphore_mem>>
        tpu.wait_indirect_dma semaphore(%dma_wait3A_305 : memref<!tpu.dma_semaphore, #tpu.memory_space<semaphore_mem>>) src(%dma_wait3A_303 : memref<102400x8xf32, #tpu.memory_space<hbm>>) dst(%dma_wait3A_297 : memref<128x8xf32, #tpu.memory_space<vmem>>)
        %dma_start3A_306 = arith.constant 1 : i32
        %dma_start3A_307 = arith.constant 1 : i32
        %dma_start3A_308 = arith.constant 0 : i32
        %dma_start3A_309 = arith.constant 0 : i32
        %dma_start3A_310 = tpu.memref_slice %arg8[%dma_start3A_306, %dma_start3A_308, %dma_start3A_309] : memref<16x128x8xf32, #tpu.memory_space<vmem>> -> memref<1x128x8xf32, #tpu.memory_space<vmem>>
        %dma_start3A_311 = tpu.memref_squeeze %dma_start3A_310 : memref<1x128x8xf32, #tpu.memory_space<vmem>> -> memref<128x8xf32, #tpu.memory_space<vmem>>
        %dma_start3A_312 = arith.constant 0 : i32
        %dma_start3A_313 = tpu.memref_slice %arg7[%dma_start3A_307, %dma_start3A_312] : memref<16x128xi32, #tpu.memory_space<vmem>> -> memref<1x128xi32, #tpu.memory_space<vmem>>
        %dma_start3A_314 = tpu.memref_squeeze %dma_start3A_313 : memref<1x128xi32, #tpu.memory_space<vmem>> -> memref<128xi32, #tpu.memory_space<vmem>>
        %dma_start3A_315 = arith.constant 0 : i32
        %dma_start3A_316 = arith.constant 0 : i32
        %dma_start3A_317 = tpu.memref_slice %arg9[%dma_start3A_315, %dma_start3A_316] : memref<102400x8xf32, #tpu.memory_space<vmem_shared>> -> memref<102400x8xf32, #tpu.memory_space<vmem_shared>>
        tpu.enqueue_indirect_dma source(%dma_start3A_311 : memref<128x8xf32, #tpu.memory_space<vmem>>) target(%dma_start3A_317 : memref<102400x8xf32, #tpu.memory_space<vmem_shared>>) offsets(%dma_start3A_314 : memref<128xi32, #tpu.memory_space<vmem>>) semaphore(%arg11 : memref<!tpu.dma_semaphore, #tpu.memory_space<semaphore_mem>>) {add = true}
        %dma_wait3A_318 = arith.constant 2 : i32
        %dma_wait3A_319 = arith.constant 2 : i32
        %dma_wait3A_320 = arith.constant 2 : i32
        %dma_wait3A_321 = arith.constant 0 : i32
        %dma_wait3A_322 = arith.constant 0 : i32
        %dma_wait3A_323 = tpu.memref_slice %arg8[%dma_wait3A_319, %dma_wait3A_321, %dma_wait3A_322] : memref<16x128x8xf32, #tpu.memory_space<vmem>> -> memref<1x128x8xf32, #tpu.memory_space<vmem>>
        %dma_wait3A_324 = tpu.memref_squeeze %dma_wait3A_323 : memref<1x128x8xf32, #tpu.memory_space<vmem>> -> memref<128x8xf32, #tpu.memory_space<vmem>>
        %dma_wait3A_325 = arith.constant 0 : i32
        %dma_wait3A_326 = tpu.memref_slice %arg6[%dma_wait3A_318, %dma_wait3A_325] : memref<16x128xi32, #tpu.memory_space<vmem>> -> memref<1x128xi32, #tpu.memory_space<vmem>>
        %dma_wait3A_327 = tpu.memref_squeeze %dma_wait3A_326 : memref<1x128xi32, #tpu.memory_space<vmem>> -> memref<128xi32, #tpu.memory_space<vmem>>
        %dma_wait3A_328 = arith.constant 0 : i32
        %dma_wait3A_329 = arith.constant 0 : i32
        %dma_wait3A_330 = tpu.memref_slice %arg3[%dma_wait3A_328, %dma_wait3A_329] : memref<102400x8xf32, #tpu.memory_space<hbm>> -> memref<102400x8xf32, #tpu.memory_space<hbm>>
        %dma_wait3A_331 = tpu.memref_slice %arg10[%dma_wait3A_320] : memref<16x!tpu.dma_semaphore, #tpu.memory_space<semaphore_mem>> -> memref<1x!tpu.dma_semaphore, #tpu.memory_space<semaphore_mem>>
        %dma_wait3A_332 = tpu.memref_squeeze %dma_wait3A_331 : memref<1x!tpu.dma_semaphore, #tpu.memory_space<semaphore_mem>> -> memref<!tpu.dma_semaphore, #tpu.memory_space<semaphore_mem>>
        tpu.wait_indirect_dma semaphore(%dma_wait3A_332 : memref<!tpu.dma_semaphore, #tpu.memory_space<semaphore_mem>>) src(%dma_wait3A_330 : memref<102400x8xf32, #tpu.memory_space<hbm>>) dst(%dma_wait3A_324 : memref<128x8xf32, #tpu.memory_space<vmem>>)
        %dma_start3A_333 = arith.constant 2 : i32
        %dma_start3A_334 = arith.constant 2 : i32
        %dma_start3A_335 = arith.constant 0 : i32
        %dma_start3A_336 = arith.constant 0 : i32
        %dma_start3A_337 = tpu.memref_slice %arg8[%dma_start3A_333, %dma_start3A_335, %dma_start3A_336] : memref<16x128x8xf32, #tpu.memory_space<vmem>> -> memref<1x128x8xf32, #tpu.memory_space<vmem>>
        %dma_start3A_338 = tpu.memref_squeeze %dma_start3A_337 : memref<1x128x8xf32, #tpu.memory_space<vmem>> -> memref<128x8xf32, #tpu.memory_space<vmem>>
        %dma_start3A_339 = arith.constant 0 : i32
        %dma_start3A_340 = tpu.memref_slice %arg7[%dma_start3A_334, %dma_start3A_339] : memref<16x128xi32, #tpu.memory_space<vmem>> -> memref<1x128xi32, #tpu.memory_space<vmem>>
        %dma_start3A_341 = tpu.memref_squeeze %dma_start3A_340 : memref<1x128xi32, #tpu.memory_space<vmem>> -> memref<128xi32, #tpu.memory_space<vmem>>
        %dma_start3A_342 = arith.constant 0 : i32
        %dma_start3A_343 = arith.constant 0 : i32
        %dma_start3A_344 = tpu.memref_slice %arg9[%dma_start3A_342, %dma_start3A_343] : memref<102400x8xf32, #tpu.memory_space<vmem_shared>> -> memref<102400x8xf32, #tpu.memory_space<vmem_shared>>
        tpu.enqueue_indirect_dma source(%dma_start3A_338 : memref<128x8xf32, #tpu.memory_space<vmem>>) target(%dma_start3A_344 : memref<102400x8xf32, #tpu.memory_space<vmem_shared>>) offsets(%dma_start3A_341 : memref<128xi32, #tpu.memory_space<vmem>>) semaphore(%arg11 : memref<!tpu.dma_semaphore, #tpu.memory_space<semaphore_mem>>) {add = true}
        %dma_wait3A_345 = arith.constant 3 : i32
        %dma_wait3A_346 = arith.constant 3 : i32
        %dma_wait3A_347 = arith.constant 3 : i32
        %dma_wait3A_348 = arith.constant 0 : i32
        %dma_wait3A_349 = arith.constant 0 : i32
        %dma_wait3A_350 = tpu.memref_slice %arg8[%dma_wait3A_346, %dma_wait3A_348, %dma_wait3A_349] : memref<16x128x8xf32, #tpu.memory_space<vmem>> -> memref<1x128x8xf32, #tpu.memory_space<vmem>>
        %dma_wait3A_351 = tpu.memref_squeeze %dma_wait3A_350 : memref<1x128x8xf32, #tpu.memory_space<vmem>> -> memref<128x8xf32, #tpu.memory_space<vmem>>
        %dma_wait3A_352 = arith.constant 0 : i32
        %dma_wait3A_353 = tpu.memref_slice %arg6[%dma_wait3A_345, %dma_wait3A_352] : memref<16x128xi32, #tpu.memory_space<vmem>> -> memref<1x128xi32, #tpu.memory_space<vmem>>
        %dma_wait3A_354 = tpu.memref_squeeze %dma_wait3A_353 : memref<1x128xi32, #tpu.memory_space<vmem>> -> memref<128xi32, #tpu.memory_space<vmem>>
        %dma_wait3A_355 = arith.constant 0 : i32
        %dma_wait3A_356 = arith.constant 0 : i32
        %dma_wait3A_357 = tpu.memref_slice %arg3[%dma_wait3A_355, %dma_wait3A_356] : memref<102400x8xf32, #tpu.memory_space<hbm>> -> memref<102400x8xf32, #tpu.memory_space<hbm>>
        %dma_wait3A_358 = tpu.memref_slice %arg10[%dma_wait3A_347] : memref<16x!tpu.dma_semaphore, #tpu.memory_space<semaphore_mem>> -> memref<1x!tpu.dma_semaphore, #tpu.memory_space<semaphore_mem>>
        %dma_wait3A_359 = tpu.memref_squeeze %dma_wait3A_358 : memref<1x!tpu.dma_semaphore, #tpu.memory_space<semaphore_mem>> -> memref<!tpu.dma_semaphore, #tpu.memory_space<semaphore_mem>>
        tpu.wait_indirect_dma semaphore(%dma_wait3A_359 : memref<!tpu.dma_semaphore, #tpu.memory_space<semaphore_mem>>) src(%dma_wait3A_357 : memref<102400x8xf32, #tpu.memory_space<hbm>>) dst(%dma_wait3A_351 : memref<128x8xf32, #tpu.memory_space<vmem>>)
        %dma_start3A_360 = arith.constant 3 : i32
        %dma_start3A_361 = arith.constant 3 : i32
        %dma_start3A_362 = arith.constant 0 : i32
        %dma_start3A_363 = arith.constant 0 : i32
        %dma_start3A_364 = tpu.memref_slice %arg8[%dma_start3A_360, %dma_start3A_362, %dma_start3A_363] : memref<16x128x8xf32, #tpu.memory_space<vmem>> -> memref<1x128x8xf32, #tpu.memory_space<vmem>>
        %dma_start3A_365 = tpu.memref_squeeze %dma_start3A_364 : memref<1x128x8xf32, #tpu.memory_space<vmem>> -> memref<128x8xf32, #tpu.memory_space<vmem>>
        %dma_start3A_366 = arith.constant 0 : i32
        %dma_start3A_367 = tpu.memref_slice %arg7[%dma_start3A_361, %dma_start3A_366] : memref<16x128xi32, #tpu.memory_space<vmem>> -> memref<1x128xi32, #tpu.memory_space<vmem>>
        %dma_start3A_368 = tpu.memref_squeeze %dma_start3A_367 : memref<1x128xi32, #tpu.memory_space<vmem>> -> memref<128xi32, #tpu.memory_space<vmem>>
        %dma_start3A_369 = arith.constant 0 : i32
        %dma_start3A_370 = arith.constant 0 : i32
        %dma_start3A_371 = tpu.memref_slice %arg9[%dma_start3A_369, %dma_start3A_370] : memref<102400x8xf32, #tpu.memory_space<vmem_shared>> -> memref<102400x8xf32, #tpu.memory_space<vmem_shared>>
        tpu.enqueue_indirect_dma source(%dma_start3A_365 : memref<128x8xf32, #tpu.memory_space<vmem>>) target(%dma_start3A_371 : memref<102400x8xf32, #tpu.memory_space<vmem_shared>>) offsets(%dma_start3A_368 : memref<128xi32, #tpu.memory_space<vmem>>) semaphore(%arg11 : memref<!tpu.dma_semaphore, #tpu.memory_space<semaphore_mem>>) {add = true}
        %dma_wait3A_372 = arith.constant 4 : i32
        %dma_wait3A_373 = arith.constant 4 : i32
        %dma_wait3A_374 = arith.constant 4 : i32
        %dma_wait3A_375 = arith.constant 0 : i32
        %dma_wait3A_376 = arith.constant 0 : i32
        %dma_wait3A_377 = tpu.memref_slice %arg8[%dma_wait3A_373, %dma_wait3A_375, %dma_wait3A_376] : memref<16x128x8xf32, #tpu.memory_space<vmem>> -> memref<1x128x8xf32, #tpu.memory_space<vmem>>
        %dma_wait3A_378 = tpu.memref_squeeze %dma_wait3A_377 : memref<1x128x8xf32, #tpu.memory_space<vmem>> -> memref<128x8xf32, #tpu.memory_space<vmem>>
        %dma_wait3A_379 = arith.constant 0 : i32
        %dma_wait3A_380 = tpu.memref_slice %arg6[%dma_wait3A_372, %dma_wait3A_379] : memref<16x128xi32, #tpu.memory_space<vmem>> -> memref<1x128xi32, #tpu.memory_space<vmem>>
        %dma_wait3A_381 = tpu.memref_squeeze %dma_wait3A_380 : memref<1x128xi32, #tpu.memory_space<vmem>> -> memref<128xi32, #tpu.memory_space<vmem>>
        %dma_wait3A_382 = arith.constant 0 : i32
        %dma_wait3A_383 = arith.constant 0 : i32
        %dma_wait3A_384 = tpu.memref_slice %arg3[%dma_wait3A_382, %dma_wait3A_383] : memref<102400x8xf32, #tpu.memory_space<hbm>> -> memref<102400x8xf32, #tpu.memory_space<hbm>>
        %dma_wait3A_385 = tpu.memref_slice %arg10[%dma_wait3A_374] : memref<16x!tpu.dma_semaphore, #tpu.memory_space<semaphore_mem>> -> memref<1x!tpu.dma_semaphore, #tpu.memory_space<semaphore_mem>>
        %dma_wait3A_386 = tpu.memref_squeeze %dma_wait3A_385 : memref<1x!tpu.dma_semaphore, #tpu.memory_space<semaphore_mem>> -> memref<!tpu.dma_semaphore, #tpu.memory_space<semaphore_mem>>
        tpu.wait_indirect_dma semaphore(%dma_wait3A_386 : memref<!tpu.dma_semaphore, #tpu.memory_space<semaphore_mem>>) src(%dma_wait3A_384 : memref<102400x8xf32, #tpu.memory_space<hbm>>) dst(%dma_wait3A_378 : memref<128x8xf32, #tpu.memory_space<vmem>>)
        %dma_start3A_387 = arith.constant 4 : i32
        %dma_start3A_388 = arith.constant 4 : i32
        %dma_start3A_389 = arith.constant 0 : i32
        %dma_start3A_390 = arith.constant 0 : i32
        %dma_start3A_391 = tpu.memref_slice %arg8[%dma_start3A_387, %dma_start3A_389, %dma_start3A_390] : memref<16x128x8xf32, #tpu.memory_space<vmem>> -> memref<1x128x8xf32, #tpu.memory_space<vmem>>
        %dma_start3A_392 = tpu.memref_squeeze %dma_start3A_391 : memref<1x128x8xf32, #tpu.memory_space<vmem>> -> memref<128x8xf32, #tpu.memory_space<vmem>>
        %dma_start3A_393 = arith.constant 0 : i32
        %dma_start3A_394 = tpu.memref_slice %arg7[%dma_start3A_388, %dma_start3A_393] : memref<16x128xi32, #tpu.memory_space<vmem>> -> memref<1x128xi32, #tpu.memory_space<vmem>>
        %dma_start3A_395 = tpu.memref_squeeze %dma_start3A_394 : memref<1x128xi32, #tpu.memory_space<vmem>> -> memref<128xi32, #tpu.memory_space<vmem>>
        %dma_start3A_396 = arith.constant 0 : i32
        %dma_start3A_397 = arith.constant 0 : i32
        %dma_start3A_398 = tpu.memref_slice %arg9[%dma_start3A_396, %dma_start3A_397] : memref<102400x8xf32, #tpu.memory_space<vmem_shared>> -> memref<102400x8xf32, #tpu.memory_space<vmem_shared>>
        tpu.enqueue_indirect_dma source(%dma_start3A_392 : memref<128x8xf32, #tpu.memory_space<vmem>>) target(%dma_start3A_398 : memref<102400x8xf32, #tpu.memory_space<vmem_shared>>) offsets(%dma_start3A_395 : memref<128xi32, #tpu.memory_space<vmem>>) semaphore(%arg11 : memref<!tpu.dma_semaphore, #tpu.memory_space<semaphore_mem>>) {add = true}
        %dma_wait3A_399 = arith.constant 5 : i32
        %dma_wait3A_400 = arith.constant 5 : i32
        %dma_wait3A_401 = arith.constant 5 : i32
        %dma_wait3A_402 = arith.constant 0 : i32
        %dma_wait3A_403 = arith.constant 0 : i32
        %dma_wait3A_404 = tpu.memref_slice %arg8[%dma_wait3A_400, %dma_wait3A_402, %dma_wait3A_403] : memref<16x128x8xf32, #tpu.memory_space<vmem>> -> memref<1x128x8xf32, #tpu.memory_space<vmem>>
        %dma_wait3A_405 = tpu.memref_squeeze %dma_wait3A_404 : memref<1x128x8xf32, #tpu.memory_space<vmem>> -> memref<128x8xf32, #tpu.memory_space<vmem>>
        %dma_wait3A_406 = arith.constant 0 : i32
        %dma_wait3A_407 = tpu.memref_slice %arg6[%dma_wait3A_399, %dma_wait3A_406] : memref<16x128xi32, #tpu.memory_space<vmem>> -> memref<1x128xi32, #tpu.memory_space<vmem>>
        %dma_wait3A_408 = tpu.memref_squeeze %dma_wait3A_407 : memref<1x128xi32, #tpu.memory_space<vmem>> -> memref<128xi32, #tpu.memory_space<vmem>>
        %dma_wait3A_409 = arith.constant 0 : i32
        %dma_wait3A_410 = arith.constant 0 : i32
        %dma_wait3A_411 = tpu.memref_slice %arg3[%dma_wait3A_409, %dma_wait3A_410] : memref<102400x8xf32, #tpu.memory_space<hbm>> -> memref<102400x8xf32, #tpu.memory_space<hbm>>
        %dma_wait3A_412 = tpu.memref_slice %arg10[%dma_wait3A_401] : memref<16x!tpu.dma_semaphore, #tpu.memory_space<semaphore_mem>> -> memref<1x!tpu.dma_semaphore, #tpu.memory_space<semaphore_mem>>
        %dma_wait3A_413 = tpu.memref_squeeze %dma_wait3A_412 : memref<1x!tpu.dma_semaphore, #tpu.memory_space<semaphore_mem>> -> memref<!tpu.dma_semaphore, #tpu.memory_space<semaphore_mem>>
        tpu.wait_indirect_dma semaphore(%dma_wait3A_413 : memref<!tpu.dma_semaphore, #tpu.memory_space<semaphore_mem>>) src(%dma_wait3A_411 : memref<102400x8xf32, #tpu.memory_space<hbm>>) dst(%dma_wait3A_405 : memref<128x8xf32, #tpu.memory_space<vmem>>)
        %dma_start3A_414 = arith.constant 5 : i32
        %dma_start3A_415 = arith.constant 5 : i32
        %dma_start3A_416 = arith.constant 0 : i32
        %dma_start3A_417 = arith.constant 0 : i32
        %dma_start3A_418 = tpu.memref_slice %arg8[%dma_start3A_414, %dma_start3A_416, %dma_start3A_417] : memref<16x128x8xf32, #tpu.memory_space<vmem>> -> memref<1x128x8xf32, #tpu.memory_space<vmem>>
        %dma_start3A_419 = tpu.memref_squeeze %dma_start3A_418 : memref<1x128x8xf32, #tpu.memory_space<vmem>> -> memref<128x8xf32, #tpu.memory_space<vmem>>
        %dma_start3A_420 = arith.constant 0 : i32
        %dma_start3A_421 = tpu.memref_slice %arg7[%dma_start3A_415, %dma_start3A_420] : memref<16x128xi32, #tpu.memory_space<vmem>> -> memref<1x128xi32, #tpu.memory_space<vmem>>
        %dma_start3A_422 = tpu.memref_squeeze %dma_start3A_421 : memref<1x128xi32, #tpu.memory_space<vmem>> -> memref<128xi32, #tpu.memory_space<vmem>>
        %dma_start3A_423 = arith.constant 0 : i32
        %dma_start3A_424 = arith.constant 0 : i32
        %dma_start3A_425 = tpu.memref_slice %arg9[%dma_start3A_423, %dma_start3A_424] : memref<102400x8xf32, #tpu.memory_space<vmem_shared>> -> memref<102400x8xf32, #tpu.memory_space<vmem_shared>>
        tpu.enqueue_indirect_dma source(%dma_start3A_419 : memref<128x8xf32, #tpu.memory_space<vmem>>) target(%dma_start3A_425 : memref<102400x8xf32, #tpu.memory_space<vmem_shared>>) offsets(%dma_start3A_422 : memref<128xi32, #tpu.memory_space<vmem>>) semaphore(%arg11 : memref<!tpu.dma_semaphore, #tpu.memory_space<semaphore_mem>>) {add = true}
        %dma_wait3A_426 = arith.constant 6 : i32
        %dma_wait3A_427 = arith.constant 6 : i32
        %dma_wait3A_428 = arith.constant 6 : i32
        %dma_wait3A_429 = arith.constant 0 : i32
        %dma_wait3A_430 = arith.constant 0 : i32
        %dma_wait3A_431 = tpu.memref_slice %arg8[%dma_wait3A_427, %dma_wait3A_429, %dma_wait3A_430] : memref<16x128x8xf32, #tpu.memory_space<vmem>> -> memref<1x128x8xf32, #tpu.memory_space<vmem>>
        %dma_wait3A_432 = tpu.memref_squeeze %dma_wait3A_431 : memref<1x128x8xf32, #tpu.memory_space<vmem>> -> memref<128x8xf32, #tpu.memory_space<vmem>>
        %dma_wait3A_433 = arith.constant 0 : i32
        %dma_wait3A_434 = tpu.memref_slice %arg6[%dma_wait3A_426, %dma_wait3A_433] : memref<16x128xi32, #tpu.memory_space<vmem>> -> memref<1x128xi32, #tpu.memory_space<vmem>>
        %dma_wait3A_435 = tpu.memref_squeeze %dma_wait3A_434 : memref<1x128xi32, #tpu.memory_space<vmem>> -> memref<128xi32, #tpu.memory_space<vmem>>
        %dma_wait3A_436 = arith.constant 0 : i32
        %dma_wait3A_437 = arith.constant 0 : i32
        %dma_wait3A_438 = tpu.memref_slice %arg3[%dma_wait3A_436, %dma_wait3A_437] : memref<102400x8xf32, #tpu.memory_space<hbm>> -> memref<102400x8xf32, #tpu.memory_space<hbm>>
        %dma_wait3A_439 = tpu.memref_slice %arg10[%dma_wait3A_428] : memref<16x!tpu.dma_semaphore, #tpu.memory_space<semaphore_mem>> -> memref<1x!tpu.dma_semaphore, #tpu.memory_space<semaphore_mem>>
        %dma_wait3A_440 = tpu.memref_squeeze %dma_wait3A_439 : memref<1x!tpu.dma_semaphore, #tpu.memory_space<semaphore_mem>> -> memref<!tpu.dma_semaphore, #tpu.memory_space<semaphore_mem>>
        tpu.wait_indirect_dma semaphore(%dma_wait3A_440 : memref<!tpu.dma_semaphore, #tpu.memory_space<semaphore_mem>>) src(%dma_wait3A_438 : memref<102400x8xf32, #tpu.memory_space<hbm>>) dst(%dma_wait3A_432 : memref<128x8xf32, #tpu.memory_space<vmem>>)
        %dma_start3A_441 = arith.constant 6 : i32
        %dma_start3A_442 = arith.constant 6 : i32
        %dma_start3A_443 = arith.constant 0 : i32
        %dma_start3A_444 = arith.constant 0 : i32
        %dma_start3A_445 = tpu.memref_slice %arg8[%dma_start3A_441, %dma_start3A_443, %dma_start3A_444] : memref<16x128x8xf32, #tpu.memory_space<vmem>> -> memref<1x128x8xf32, #tpu.memory_space<vmem>>
        %dma_start3A_446 = tpu.memref_squeeze %dma_start3A_445 : memref<1x128x8xf32, #tpu.memory_space<vmem>> -> memref<128x8xf32, #tpu.memory_space<vmem>>
        %dma_start3A_447 = arith.constant 0 : i32
        %dma_start3A_448 = tpu.memref_slice %arg7[%dma_start3A_442, %dma_start3A_447] : memref<16x128xi32, #tpu.memory_space<vmem>> -> memref<1x128xi32, #tpu.memory_space<vmem>>
        %dma_start3A_449 = tpu.memref_squeeze %dma_start3A_448 : memref<1x128xi32, #tpu.memory_space<vmem>> -> memref<128xi32, #tpu.memory_space<vmem>>
        %dma_start3A_450 = arith.constant 0 : i32
        %dma_start3A_451 = arith.constant 0 : i32
        %dma_start3A_452 = tpu.memref_slice %arg9[%dma_start3A_450, %dma_start3A_451] : memref<102400x8xf32, #tpu.memory_space<vmem_shared>> -> memref<102400x8xf32, #tpu.memory_space<vmem_shared>>
        tpu.enqueue_indirect_dma source(%dma_start3A_446 : memref<128x8xf32, #tpu.memory_space<vmem>>) target(%dma_start3A_452 : memref<102400x8xf32, #tpu.memory_space<vmem_shared>>) offsets(%dma_start3A_449 : memref<128xi32, #tpu.memory_space<vmem>>) semaphore(%arg11 : memref<!tpu.dma_semaphore, #tpu.memory_space<semaphore_mem>>) {add = true}
        %dma_wait3A_453 = arith.constant 7 : i32
        %dma_wait3A_454 = arith.constant 7 : i32
        %dma_wait3A_455 = arith.constant 7 : i32
        %dma_wait3A_456 = arith.constant 0 : i32
        %dma_wait3A_457 = arith.constant 0 : i32
        %dma_wait3A_458 = tpu.memref_slice %arg8[%dma_wait3A_454, %dma_wait3A_456, %dma_wait3A_457] : memref<16x128x8xf32, #tpu.memory_space<vmem>> -> memref<1x128x8xf32, #tpu.memory_space<vmem>>
        %dma_wait3A_459 = tpu.memref_squeeze %dma_wait3A_458 : memref<1x128x8xf32, #tpu.memory_space<vmem>> -> memref<128x8xf32, #tpu.memory_space<vmem>>
        %dma_wait3A_460 = arith.constant 0 : i32
        %dma_wait3A_461 = tpu.memref_slice %arg6[%dma_wait3A_453, %dma_wait3A_460] : memref<16x128xi32, #tpu.memory_space<vmem>> -> memref<1x128xi32, #tpu.memory_space<vmem>>
        %dma_wait3A_462 = tpu.memref_squeeze %dma_wait3A_461 : memref<1x128xi32, #tpu.memory_space<vmem>> -> memref<128xi32, #tpu.memory_space<vmem>>
        %dma_wait3A_463 = arith.constant 0 : i32
        %dma_wait3A_464 = arith.constant 0 : i32
        %dma_wait3A_465 = tpu.memref_slice %arg3[%dma_wait3A_463, %dma_wait3A_464] : memref<102400x8xf32, #tpu.memory_space<hbm>> -> memref<102400x8xf32, #tpu.memory_space<hbm>>
        %dma_wait3A_466 = tpu.memref_slice %arg10[%dma_wait3A_455] : memref<16x!tpu.dma_semaphore, #tpu.memory_space<semaphore_mem>> -> memref<1x!tpu.dma_semaphore, #tpu.memory_space<semaphore_mem>>
        %dma_wait3A_467 = tpu.memref_squeeze %dma_wait3A_466 : memref<1x!tpu.dma_semaphore, #tpu.memory_space<semaphore_mem>> -> memref<!tpu.dma_semaphore, #tpu.memory_space<semaphore_mem>>
        tpu.wait_indirect_dma semaphore(%dma_wait3A_467 : memref<!tpu.dma_semaphore, #tpu.memory_space<semaphore_mem>>) src(%dma_wait3A_465 : memref<102400x8xf32, #tpu.memory_space<hbm>>) dst(%dma_wait3A_459 : memref<128x8xf32, #tpu.memory_space<vmem>>)
        %dma_start3A_468 = arith.constant 7 : i32
        %dma_start3A_469 = arith.constant 7 : i32
        %dma_start3A_470 = arith.constant 0 : i32
        %dma_start3A_471 = arith.constant 0 : i32
        %dma_start3A_472 = tpu.memref_slice %arg8[%dma_start3A_468, %dma_start3A_470, %dma_start3A_471] : memref<16x128x8xf32, #tpu.memory_space<vmem>> -> memref<1x128x8xf32, #tpu.memory_space<vmem>>
        %dma_start3A_473 = tpu.memref_squeeze %dma_start3A_472 : memref<1x128x8xf32, #tpu.memory_space<vmem>> -> memref<128x8xf32, #tpu.memory_space<vmem>>
        %dma_start3A_474 = arith.constant 0 : i32
        %dma_start3A_475 = tpu.memref_slice %arg7[%dma_start3A_469, %dma_start3A_474] : memref<16x128xi32, #tpu.memory_space<vmem>> -> memref<1x128xi32, #tpu.memory_space<vmem>>
        %dma_start3A_476 = tpu.memref_squeeze %dma_start3A_475 : memref<1x128xi32, #tpu.memory_space<vmem>> -> memref<128xi32, #tpu.memory_space<vmem>>
        %dma_start3A_477 = arith.constant 0 : i32
        %dma_start3A_478 = arith.constant 0 : i32
        %dma_start3A_479 = tpu.memref_slice %arg9[%dma_start3A_477, %dma_start3A_478] : memref<102400x8xf32, #tpu.memory_space<vmem_shared>> -> memref<102400x8xf32, #tpu.memory_space<vmem_shared>>
        tpu.enqueue_indirect_dma source(%dma_start3A_473 : memref<128x8xf32, #tpu.memory_space<vmem>>) target(%dma_start3A_479 : memref<102400x8xf32, #tpu.memory_space<vmem_shared>>) offsets(%dma_start3A_476 : memref<128xi32, #tpu.memory_space<vmem>>) semaphore(%arg11 : memref<!tpu.dma_semaphore, #tpu.memory_space<semaphore_mem>>) {add = true}
        %dma_wait3A_480 = arith.constant 8 : i32
        %dma_wait3A_481 = arith.constant 8 : i32
        %dma_wait3A_482 = arith.constant 8 : i32
        %dma_wait3A_483 = arith.constant 0 : i32
        %dma_wait3A_484 = arith.constant 0 : i32
        %dma_wait3A_485 = tpu.memref_slice %arg8[%dma_wait3A_481, %dma_wait3A_483, %dma_wait3A_484] : memref<16x128x8xf32, #tpu.memory_space<vmem>> -> memref<1x128x8xf32, #tpu.memory_space<vmem>>
        %dma_wait3A_486 = tpu.memref_squeeze %dma_wait3A_485 : memref<1x128x8xf32, #tpu.memory_space<vmem>> -> memref<128x8xf32, #tpu.memory_space<vmem>>
        %dma_wait3A_487 = arith.constant 0 : i32
        %dma_wait3A_488 = tpu.memref_slice %arg6[%dma_wait3A_480, %dma_wait3A_487] : memref<16x128xi32, #tpu.memory_space<vmem>> -> memref<1x128xi32, #tpu.memory_space<vmem>>
        %dma_wait3A_489 = tpu.memref_squeeze %dma_wait3A_488 : memref<1x128xi32, #tpu.memory_space<vmem>> -> memref<128xi32, #tpu.memory_space<vmem>>
        %dma_wait3A_490 = arith.constant 0 : i32
        %dma_wait3A_491 = arith.constant 0 : i32
        %dma_wait3A_492 = tpu.memref_slice %arg3[%dma_wait3A_490, %dma_wait3A_491] : memref<102400x8xf32, #tpu.memory_space<hbm>> -> memref<102400x8xf32, #tpu.memory_space<hbm>>
        %dma_wait3A_493 = tpu.memref_slice %arg10[%dma_wait3A_482] : memref<16x!tpu.dma_semaphore, #tpu.memory_space<semaphore_mem>> -> memref<1x!tpu.dma_semaphore, #tpu.memory_space<semaphore_mem>>
        %dma_wait3A_494 = tpu.memref_squeeze %dma_wait3A_493 : memref<1x!tpu.dma_semaphore, #tpu.memory_space<semaphore_mem>> -> memref<!tpu.dma_semaphore, #tpu.memory_space<semaphore_mem>>
        tpu.wait_indirect_dma semaphore(%dma_wait3A_494 : memref<!tpu.dma_semaphore, #tpu.memory_space<semaphore_mem>>) src(%dma_wait3A_492 : memref<102400x8xf32, #tpu.memory_space<hbm>>) dst(%dma_wait3A_486 : memref<128x8xf32, #tpu.memory_space<vmem>>)
        %dma_start3A_495 = arith.constant 8 : i32
        %dma_start3A_496 = arith.constant 8 : i32
        %dma_start3A_497 = arith.constant 0 : i32
        %dma_start3A_498 = arith.constant 0 : i32
        %dma_start3A_499 = tpu.memref_slice %arg8[%dma_start3A_495, %dma_start3A_497, %dma_start3A_498] : memref<16x128x8xf32, #tpu.memory_space<vmem>> -> memref<1x128x8xf32, #tpu.memory_space<vmem>>
        %dma_start3A_500 = tpu.memref_squeeze %dma_start3A_499 : memref<1x128x8xf32, #tpu.memory_space<vmem>> -> memref<128x8xf32, #tpu.memory_space<vmem>>
        %dma_start3A_501 = arith.constant 0 : i32
        %dma_start3A_502 = tpu.memref_slice %arg7[%dma_start3A_496, %dma_start3A_501] : memref<16x128xi32, #tpu.memory_space<vmem>> -> memref<1x128xi32, #tpu.memory_space<vmem>>
        %dma_start3A_503 = tpu.memref_squeeze %dma_start3A_502 : memref<1x128xi32, #tpu.memory_space<vmem>> -> memref<128xi32, #tpu.memory_space<vmem>>
        %dma_start3A_504 = arith.constant 0 : i32
        %dma_start3A_505 = arith.constant 0 : i32
        %dma_start3A_506 = tpu.memref_slice %arg9[%dma_start3A_504, %dma_start3A_505] : memref<102400x8xf32, #tpu.memory_space<vmem_shared>> -> memref<102400x8xf32, #tpu.memory_space<vmem_shared>>
        tpu.enqueue_indirect_dma source(%dma_start3A_500 : memref<128x8xf32, #tpu.memory_space<vmem>>) target(%dma_start3A_506 : memref<102400x8xf32, #tpu.memory_space<vmem_shared>>) offsets(%dma_start3A_503 : memref<128xi32, #tpu.memory_space<vmem>>) semaphore(%arg11 : memref<!tpu.dma_semaphore, #tpu.memory_space<semaphore_mem>>) {add = true}
        %dma_wait3A_507 = arith.constant 9 : i32
        %dma_wait3A_508 = arith.constant 9 : i32
        %dma_wait3A_509 = arith.constant 9 : i32
        %dma_wait3A_510 = arith.constant 0 : i32
        %dma_wait3A_511 = arith.constant 0 : i32
        %dma_wait3A_512 = tpu.memref_slice %arg8[%dma_wait3A_508, %dma_wait3A_510, %dma_wait3A_511] : memref<16x128x8xf32, #tpu.memory_space<vmem>> -> memref<1x128x8xf32, #tpu.memory_space<vmem>>
        %dma_wait3A_513 = tpu.memref_squeeze %dma_wait3A_512 : memref<1x128x8xf32, #tpu.memory_space<vmem>> -> memref<128x8xf32, #tpu.memory_space<vmem>>
        %dma_wait3A_514 = arith.constant 0 : i32
        %dma_wait3A_515 = tpu.memref_slice %arg6[%dma_wait3A_507, %dma_wait3A_514] : memref<16x128xi32, #tpu.memory_space<vmem>> -> memref<1x128xi32, #tpu.memory_space<vmem>>
        %dma_wait3A_516 = tpu.memref_squeeze %dma_wait3A_515 : memref<1x128xi32, #tpu.memory_space<vmem>> -> memref<128xi32, #tpu.memory_space<vmem>>
        %dma_wait3A_517 = arith.constant 0 : i32
        %dma_wait3A_518 = arith.constant 0 : i32
        %dma_wait3A_519 = tpu.memref_slice %arg3[%dma_wait3A_517, %dma_wait3A_518] : memref<102400x8xf32, #tpu.memory_space<hbm>> -> memref<102400x8xf32, #tpu.memory_space<hbm>>
        %dma_wait3A_520 = tpu.memref_slice %arg10[%dma_wait3A_509] : memref<16x!tpu.dma_semaphore, #tpu.memory_space<semaphore_mem>> -> memref<1x!tpu.dma_semaphore, #tpu.memory_space<semaphore_mem>>
        %dma_wait3A_521 = tpu.memref_squeeze %dma_wait3A_520 : memref<1x!tpu.dma_semaphore, #tpu.memory_space<semaphore_mem>> -> memref<!tpu.dma_semaphore, #tpu.memory_space<semaphore_mem>>
        tpu.wait_indirect_dma semaphore(%dma_wait3A_521 : memref<!tpu.dma_semaphore, #tpu.memory_space<semaphore_mem>>) src(%dma_wait3A_519 : memref<102400x8xf32, #tpu.memory_space<hbm>>) dst(%dma_wait3A_513 : memref<128x8xf32, #tpu.memory_space<vmem>>)
        %dma_start3A_522 = arith.constant 9 : i32
        %dma_start3A_523 = arith.constant 9 : i32
        %dma_start3A_524 = arith.constant 0 : i32
        %dma_start3A_525 = arith.constant 0 : i32
        %dma_start3A_526 = tpu.memref_slice %arg8[%dma_start3A_522, %dma_start3A_524, %dma_start3A_525] : memref<16x128x8xf32, #tpu.memory_space<vmem>> -> memref<1x128x8xf32, #tpu.memory_space<vmem>>
        %dma_start3A_527 = tpu.memref_squeeze %dma_start3A_526 : memref<1x128x8xf32, #tpu.memory_space<vmem>> -> memref<128x8xf32, #tpu.memory_space<vmem>>
        %dma_start3A_528 = arith.constant 0 : i32
        %dma_start3A_529 = tpu.memref_slice %arg7[%dma_start3A_523, %dma_start3A_528] : memref<16x128xi32, #tpu.memory_space<vmem>> -> memref<1x128xi32, #tpu.memory_space<vmem>>
        %dma_start3A_530 = tpu.memref_squeeze %dma_start3A_529 : memref<1x128xi32, #tpu.memory_space<vmem>> -> memref<128xi32, #tpu.memory_space<vmem>>
        %dma_start3A_531 = arith.constant 0 : i32
        %dma_start3A_532 = arith.constant 0 : i32
        %dma_start3A_533 = tpu.memref_slice %arg9[%dma_start3A_531, %dma_start3A_532] : memref<102400x8xf32, #tpu.memory_space<vmem_shared>> -> memref<102400x8xf32, #tpu.memory_space<vmem_shared>>
        tpu.enqueue_indirect_dma source(%dma_start3A_527 : memref<128x8xf32, #tpu.memory_space<vmem>>) target(%dma_start3A_533 : memref<102400x8xf32, #tpu.memory_space<vmem_shared>>) offsets(%dma_start3A_530 : memref<128xi32, #tpu.memory_space<vmem>>) semaphore(%arg11 : memref<!tpu.dma_semaphore, #tpu.memory_space<semaphore_mem>>) {add = true}
        %dma_wait3A_534 = arith.constant 10 : i32
        %dma_wait3A_535 = arith.constant 10 : i32
        %dma_wait3A_536 = arith.constant 10 : i32
        %dma_wait3A_537 = arith.constant 0 : i32
        %dma_wait3A_538 = arith.constant 0 : i32
        %dma_wait3A_539 = tpu.memref_slice %arg8[%dma_wait3A_535, %dma_wait3A_537, %dma_wait3A_538] : memref<16x128x8xf32, #tpu.memory_space<vmem>> -> memref<1x128x8xf32, #tpu.memory_space<vmem>>
        %dma_wait3A_540 = tpu.memref_squeeze %dma_wait3A_539 : memref<1x128x8xf32, #tpu.memory_space<vmem>> -> memref<128x8xf32, #tpu.memory_space<vmem>>
        %dma_wait3A_541 = arith.constant 0 : i32
        %dma_wait3A_542 = tpu.memref_slice %arg6[%dma_wait3A_534, %dma_wait3A_541] : memref<16x128xi32, #tpu.memory_space<vmem>> -> memref<1x128xi32, #tpu.memory_space<vmem>>
        %dma_wait3A_543 = tpu.memref_squeeze %dma_wait3A_542 : memref<1x128xi32, #tpu.memory_space<vmem>> -> memref<128xi32, #tpu.memory_space<vmem>>
        %dma_wait3A_544 = arith.constant 0 : i32
        %dma_wait3A_545 = arith.constant 0 : i32
        %dma_wait3A_546 = tpu.memref_slice %arg3[%dma_wait3A_544, %dma_wait3A_545] : memref<102400x8xf32, #tpu.memory_space<hbm>> -> memref<102400x8xf32, #tpu.memory_space<hbm>>
        %dma_wait3A_547 = tpu.memref_slice %arg10[%dma_wait3A_536] : memref<16x!tpu.dma_semaphore, #tpu.memory_space<semaphore_mem>> -> memref<1x!tpu.dma_semaphore, #tpu.memory_space<semaphore_mem>>
        %dma_wait3A_548 = tpu.memref_squeeze %dma_wait3A_547 : memref<1x!tpu.dma_semaphore, #tpu.memory_space<semaphore_mem>> -> memref<!tpu.dma_semaphore, #tpu.memory_space<semaphore_mem>>
        tpu.wait_indirect_dma semaphore(%dma_wait3A_548 : memref<!tpu.dma_semaphore, #tpu.memory_space<semaphore_mem>>) src(%dma_wait3A_546 : memref<102400x8xf32, #tpu.memory_space<hbm>>) dst(%dma_wait3A_540 : memref<128x8xf32, #tpu.memory_space<vmem>>)
        %dma_start3A_549 = arith.constant 10 : i32
        %dma_start3A_550 = arith.constant 10 : i32
        %dma_start3A_551 = arith.constant 0 : i32
        %dma_start3A_552 = arith.constant 0 : i32
        %dma_start3A_553 = tpu.memref_slice %arg8[%dma_start3A_549, %dma_start3A_551, %dma_start3A_552] : memref<16x128x8xf32, #tpu.memory_space<vmem>> -> memref<1x128x8xf32, #tpu.memory_space<vmem>>
        %dma_start3A_554 = tpu.memref_squeeze %dma_start3A_553 : memref<1x128x8xf32, #tpu.memory_space<vmem>> -> memref<128x8xf32, #tpu.memory_space<vmem>>
        %dma_start3A_555 = arith.constant 0 : i32
        %dma_start3A_556 = tpu.memref_slice %arg7[%dma_start3A_550, %dma_start3A_555] : memref<16x128xi32, #tpu.memory_space<vmem>> -> memref<1x128xi32, #tpu.memory_space<vmem>>
        %dma_start3A_557 = tpu.memref_squeeze %dma_start3A_556 : memref<1x128xi32, #tpu.memory_space<vmem>> -> memref<128xi32, #tpu.memory_space<vmem>>
        %dma_start3A_558 = arith.constant 0 : i32
        %dma_start3A_559 = arith.constant 0 : i32
        %dma_start3A_560 = tpu.memref_slice %arg9[%dma_start3A_558, %dma_start3A_559] : memref<102400x8xf32, #tpu.memory_space<vmem_shared>> -> memref<102400x8xf32, #tpu.memory_space<vmem_shared>>
        tpu.enqueue_indirect_dma source(%dma_start3A_554 : memref<128x8xf32, #tpu.memory_space<vmem>>) target(%dma_start3A_560 : memref<102400x8xf32, #tpu.memory_space<vmem_shared>>) offsets(%dma_start3A_557 : memref<128xi32, #tpu.memory_space<vmem>>) semaphore(%arg11 : memref<!tpu.dma_semaphore, #tpu.memory_space<semaphore_mem>>) {add = true}
        %dma_wait3A_561 = arith.constant 11 : i32
        %dma_wait3A_562 = arith.constant 11 : i32
        %dma_wait3A_563 = arith.constant 11 : i32
        %dma_wait3A_564 = arith.constant 0 : i32
        %dma_wait3A_565 = arith.constant 0 : i32
        %dma_wait3A_566 = tpu.memref_slice %arg8[%dma_wait3A_562, %dma_wait3A_564, %dma_wait3A_565] : memref<16x128x8xf32, #tpu.memory_space<vmem>> -> memref<1x128x8xf32, #tpu.memory_space<vmem>>
        %dma_wait3A_567 = tpu.memref_squeeze %dma_wait3A_566 : memref<1x128x8xf32, #tpu.memory_space<vmem>> -> memref<128x8xf32, #tpu.memory_space<vmem>>
        %dma_wait3A_568 = arith.constant 0 : i32
        %dma_wait3A_569 = tpu.memref_slice %arg6[%dma_wait3A_561, %dma_wait3A_568] : memref<16x128xi32, #tpu.memory_space<vmem>> -> memref<1x128xi32, #tpu.memory_space<vmem>>
        %dma_wait3A_570 = tpu.memref_squeeze %dma_wait3A_569 : memref<1x128xi32, #tpu.memory_space<vmem>> -> memref<128xi32, #tpu.memory_space<vmem>>
        %dma_wait3A_571 = arith.constant 0 : i32
        %dma_wait3A_572 = arith.constant 0 : i32
        %dma_wait3A_573 = tpu.memref_slice %arg3[%dma_wait3A_571, %dma_wait3A_572] : memref<102400x8xf32, #tpu.memory_space<hbm>> -> memref<102400x8xf32, #tpu.memory_space<hbm>>
        %dma_wait3A_574 = tpu.memref_slice %arg10[%dma_wait3A_563] : memref<16x!tpu.dma_semaphore, #tpu.memory_space<semaphore_mem>> -> memref<1x!tpu.dma_semaphore, #tpu.memory_space<semaphore_mem>>
        %dma_wait3A_575 = tpu.memref_squeeze %dma_wait3A_574 : memref<1x!tpu.dma_semaphore, #tpu.memory_space<semaphore_mem>> -> memref<!tpu.dma_semaphore, #tpu.memory_space<semaphore_mem>>
        tpu.wait_indirect_dma semaphore(%dma_wait3A_575 : memref<!tpu.dma_semaphore, #tpu.memory_space<semaphore_mem>>) src(%dma_wait3A_573 : memref<102400x8xf32, #tpu.memory_space<hbm>>) dst(%dma_wait3A_567 : memref<128x8xf32, #tpu.memory_space<vmem>>)
        %dma_start3A_576 = arith.constant 11 : i32
        %dma_start3A_577 = arith.constant 11 : i32
        %dma_start3A_578 = arith.constant 0 : i32
        %dma_start3A_579 = arith.constant 0 : i32
        %dma_start3A_580 = tpu.memref_slice %arg8[%dma_start3A_576, %dma_start3A_578, %dma_start3A_579] : memref<16x128x8xf32, #tpu.memory_space<vmem>> -> memref<1x128x8xf32, #tpu.memory_space<vmem>>
        %dma_start3A_581 = tpu.memref_squeeze %dma_start3A_580 : memref<1x128x8xf32, #tpu.memory_space<vmem>> -> memref<128x8xf32, #tpu.memory_space<vmem>>
        %dma_start3A_582 = arith.constant 0 : i32
        %dma_start3A_583 = tpu.memref_slice %arg7[%dma_start3A_577, %dma_start3A_582] : memref<16x128xi32, #tpu.memory_space<vmem>> -> memref<1x128xi32, #tpu.memory_space<vmem>>
        %dma_start3A_584 = tpu.memref_squeeze %dma_start3A_583 : memref<1x128xi32, #tpu.memory_space<vmem>> -> memref<128xi32, #tpu.memory_space<vmem>>
        %dma_start3A_585 = arith.constant 0 : i32
        %dma_start3A_586 = arith.constant 0 : i32
        %dma_start3A_587 = tpu.memref_slice %arg9[%dma_start3A_585, %dma_start3A_586] : memref<102400x8xf32, #tpu.memory_space<vmem_shared>> -> memref<102400x8xf32, #tpu.memory_space<vmem_shared>>
        tpu.enqueue_indirect_dma source(%dma_start3A_581 : memref<128x8xf32, #tpu.memory_space<vmem>>) target(%dma_start3A_587 : memref<102400x8xf32, #tpu.memory_space<vmem_shared>>) offsets(%dma_start3A_584 : memref<128xi32, #tpu.memory_space<vmem>>) semaphore(%arg11 : memref<!tpu.dma_semaphore, #tpu.memory_space<semaphore_mem>>) {add = true}
        %dma_wait3A_588 = arith.constant 12 : i32
        %dma_wait3A_589 = arith.constant 12 : i32
        %dma_wait3A_590 = arith.constant 12 : i32
        %dma_wait3A_591 = arith.constant 0 : i32
        %dma_wait3A_592 = arith.constant 0 : i32
        %dma_wait3A_593 = tpu.memref_slice %arg8[%dma_wait3A_589, %dma_wait3A_591, %dma_wait3A_592] : memref<16x128x8xf32, #tpu.memory_space<vmem>> -> memref<1x128x8xf32, #tpu.memory_space<vmem>>
        %dma_wait3A_594 = tpu.memref_squeeze %dma_wait3A_593 : memref<1x128x8xf32, #tpu.memory_space<vmem>> -> memref<128x8xf32, #tpu.memory_space<vmem>>
        %dma_wait3A_595 = arith.constant 0 : i32
        %dma_wait3A_596 = tpu.memref_slice %arg6[%dma_wait3A_588, %dma_wait3A_595] : memref<16x128xi32, #tpu.memory_space<vmem>> -> memref<1x128xi32, #tpu.memory_space<vmem>>
        %dma_wait3A_597 = tpu.memref_squeeze %dma_wait3A_596 : memref<1x128xi32, #tpu.memory_space<vmem>> -> memref<128xi32, #tpu.memory_space<vmem>>
        %dma_wait3A_598 = arith.constant 0 : i32
        %dma_wait3A_599 = arith.constant 0 : i32
        %dma_wait3A_600 = tpu.memref_slice %arg3[%dma_wait3A_598, %dma_wait3A_599] : memref<102400x8xf32, #tpu.memory_space<hbm>> -> memref<102400x8xf32, #tpu.memory_space<hbm>>
        %dma_wait3A_601 = tpu.memref_slice %arg10[%dma_wait3A_590] : memref<16x!tpu.dma_semaphore, #tpu.memory_space<semaphore_mem>> -> memref<1x!tpu.dma_semaphore, #tpu.memory_space<semaphore_mem>>
        %dma_wait3A_602 = tpu.memref_squeeze %dma_wait3A_601 : memref<1x!tpu.dma_semaphore, #tpu.memory_space<semaphore_mem>> -> memref<!tpu.dma_semaphore, #tpu.memory_space<semaphore_mem>>
        tpu.wait_indirect_dma semaphore(%dma_wait3A_602 : memref<!tpu.dma_semaphore, #tpu.memory_space<semaphore_mem>>) src(%dma_wait3A_600 : memref<102400x8xf32, #tpu.memory_space<hbm>>) dst(%dma_wait3A_594 : memref<128x8xf32, #tpu.memory_space<vmem>>)
        %dma_start3A_603 = arith.constant 12 : i32
        %dma_start3A_604 = arith.constant 12 : i32
        %dma_start3A_605 = arith.constant 0 : i32
        %dma_start3A_606 = arith.constant 0 : i32
        %dma_start3A_607 = tpu.memref_slice %arg8[%dma_start3A_603, %dma_start3A_605, %dma_start3A_606] : memref<16x128x8xf32, #tpu.memory_space<vmem>> -> memref<1x128x8xf32, #tpu.memory_space<vmem>>
        %dma_start3A_608 = tpu.memref_squeeze %dma_start3A_607 : memref<1x128x8xf32, #tpu.memory_space<vmem>> -> memref<128x8xf32, #tpu.memory_space<vmem>>
        %dma_start3A_609 = arith.constant 0 : i32
        %dma_start3A_610 = tpu.memref_slice %arg7[%dma_start3A_604, %dma_start3A_609] : memref<16x128xi32, #tpu.memory_space<vmem>> -> memref<1x128xi32, #tpu.memory_space<vmem>>
        %dma_start3A_611 = tpu.memref_squeeze %dma_start3A_610 : memref<1x128xi32, #tpu.memory_space<vmem>> -> memref<128xi32, #tpu.memory_space<vmem>>
        %dma_start3A_612 = arith.constant 0 : i32
        %dma_start3A_613 = arith.constant 0 : i32
        %dma_start3A_614 = tpu.memref_slice %arg9[%dma_start3A_612, %dma_start3A_613] : memref<102400x8xf32, #tpu.memory_space<vmem_shared>> -> memref<102400x8xf32, #tpu.memory_space<vmem_shared>>
        tpu.enqueue_indirect_dma source(%dma_start3A_608 : memref<128x8xf32, #tpu.memory_space<vmem>>) target(%dma_start3A_614 : memref<102400x8xf32, #tpu.memory_space<vmem_shared>>) offsets(%dma_start3A_611 : memref<128xi32, #tpu.memory_space<vmem>>) semaphore(%arg11 : memref<!tpu.dma_semaphore, #tpu.memory_space<semaphore_mem>>) {add = true}
        %dma_wait3A_615 = arith.constant 13 : i32
        %dma_wait3A_616 = arith.constant 13 : i32
        %dma_wait3A_617 = arith.constant 13 : i32
        %dma_wait3A_618 = arith.constant 0 : i32
        %dma_wait3A_619 = arith.constant 0 : i32
        %dma_wait3A_620 = tpu.memref_slice %arg8[%dma_wait3A_616, %dma_wait3A_618, %dma_wait3A_619] : memref<16x128x8xf32, #tpu.memory_space<vmem>> -> memref<1x128x8xf32, #tpu.memory_space<vmem>>
        %dma_wait3A_621 = tpu.memref_squeeze %dma_wait3A_620 : memref<1x128x8xf32, #tpu.memory_space<vmem>> -> memref<128x8xf32, #tpu.memory_space<vmem>>
        %dma_wait3A_622 = arith.constant 0 : i32
        %dma_wait3A_623 = tpu.memref_slice %arg6[%dma_wait3A_615, %dma_wait3A_622] : memref<16x128xi32, #tpu.memory_space<vmem>> -> memref<1x128xi32, #tpu.memory_space<vmem>>
        %dma_wait3A_624 = tpu.memref_squeeze %dma_wait3A_623 : memref<1x128xi32, #tpu.memory_space<vmem>> -> memref<128xi32, #tpu.memory_space<vmem>>
        %dma_wait3A_625 = arith.constant 0 : i32
        %dma_wait3A_626 = arith.constant 0 : i32
        %dma_wait3A_627 = tpu.memref_slice %arg3[%dma_wait3A_625, %dma_wait3A_626] : memref<102400x8xf32, #tpu.memory_space<hbm>> -> memref<102400x8xf32, #tpu.memory_space<hbm>>
        %dma_wait3A_628 = tpu.memref_slice %arg10[%dma_wait3A_617] : memref<16x!tpu.dma_semaphore, #tpu.memory_space<semaphore_mem>> -> memref<1x!tpu.dma_semaphore, #tpu.memory_space<semaphore_mem>>
        %dma_wait3A_629 = tpu.memref_squeeze %dma_wait3A_628 : memref<1x!tpu.dma_semaphore, #tpu.memory_space<semaphore_mem>> -> memref<!tpu.dma_semaphore, #tpu.memory_space<semaphore_mem>>
        tpu.wait_indirect_dma semaphore(%dma_wait3A_629 : memref<!tpu.dma_semaphore, #tpu.memory_space<semaphore_mem>>) src(%dma_wait3A_627 : memref<102400x8xf32, #tpu.memory_space<hbm>>) dst(%dma_wait3A_621 : memref<128x8xf32, #tpu.memory_space<vmem>>)
        %dma_start3A_630 = arith.constant 13 : i32
        %dma_start3A_631 = arith.constant 13 : i32
        %dma_start3A_632 = arith.constant 0 : i32
        %dma_start3A_633 = arith.constant 0 : i32
        %dma_start3A_634 = tpu.memref_slice %arg8[%dma_start3A_630, %dma_start3A_632, %dma_start3A_633] : memref<16x128x8xf32, #tpu.memory_space<vmem>> -> memref<1x128x8xf32, #tpu.memory_space<vmem>>
        %dma_start3A_635 = tpu.memref_squeeze %dma_start3A_634 : memref<1x128x8xf32, #tpu.memory_space<vmem>> -> memref<128x8xf32, #tpu.memory_space<vmem>>
        %dma_start3A_636 = arith.constant 0 : i32
        %dma_start3A_637 = tpu.memref_slice %arg7[%dma_start3A_631, %dma_start3A_636] : memref<16x128xi32, #tpu.memory_space<vmem>> -> memref<1x128xi32, #tpu.memory_space<vmem>>
        %dma_start3A_638 = tpu.memref_squeeze %dma_start3A_637 : memref<1x128xi32, #tpu.memory_space<vmem>> -> memref<128xi32, #tpu.memory_space<vmem>>
        %dma_start3A_639 = arith.constant 0 : i32
        %dma_start3A_640 = arith.constant 0 : i32
        %dma_start3A_641 = tpu.memref_slice %arg9[%dma_start3A_639, %dma_start3A_640] : memref<102400x8xf32, #tpu.memory_space<vmem_shared>> -> memref<102400x8xf32, #tpu.memory_space<vmem_shared>>
        tpu.enqueue_indirect_dma source(%dma_start3A_635 : memref<128x8xf32, #tpu.memory_space<vmem>>) target(%dma_start3A_641 : memref<102400x8xf32, #tpu.memory_space<vmem_shared>>) offsets(%dma_start3A_638 : memref<128xi32, #tpu.memory_space<vmem>>) semaphore(%arg11 : memref<!tpu.dma_semaphore, #tpu.memory_space<semaphore_mem>>) {add = true}
        %dma_wait3A_642 = arith.constant 14 : i32
        %dma_wait3A_643 = arith.constant 14 : i32
        %dma_wait3A_644 = arith.constant 14 : i32
        %dma_wait3A_645 = arith.constant 0 : i32
        %dma_wait3A_646 = arith.constant 0 : i32
        %dma_wait3A_647 = tpu.memref_slice %arg8[%dma_wait3A_643, %dma_wait3A_645, %dma_wait3A_646] : memref<16x128x8xf32, #tpu.memory_space<vmem>> -> memref<1x128x8xf32, #tpu.memory_space<vmem>>
        %dma_wait3A_648 = tpu.memref_squeeze %dma_wait3A_647 : memref<1x128x8xf32, #tpu.memory_space<vmem>> -> memref<128x8xf32, #tpu.memory_space<vmem>>
        %dma_wait3A_649 = arith.constant 0 : i32
        %dma_wait3A_650 = tpu.memref_slice %arg6[%dma_wait3A_642, %dma_wait3A_649] : memref<16x128xi32, #tpu.memory_space<vmem>> -> memref<1x128xi32, #tpu.memory_space<vmem>>
        %dma_wait3A_651 = tpu.memref_squeeze %dma_wait3A_650 : memref<1x128xi32, #tpu.memory_space<vmem>> -> memref<128xi32, #tpu.memory_space<vmem>>
        %dma_wait3A_652 = arith.constant 0 : i32
        %dma_wait3A_653 = arith.constant 0 : i32
        %dma_wait3A_654 = tpu.memref_slice %arg3[%dma_wait3A_652, %dma_wait3A_653] : memref<102400x8xf32, #tpu.memory_space<hbm>> -> memref<102400x8xf32, #tpu.memory_space<hbm>>
        %dma_wait3A_655 = tpu.memref_slice %arg10[%dma_wait3A_644] : memref<16x!tpu.dma_semaphore, #tpu.memory_space<semaphore_mem>> -> memref<1x!tpu.dma_semaphore, #tpu.memory_space<semaphore_mem>>
        %dma_wait3A_656 = tpu.memref_squeeze %dma_wait3A_655 : memref<1x!tpu.dma_semaphore, #tpu.memory_space<semaphore_mem>> -> memref<!tpu.dma_semaphore, #tpu.memory_space<semaphore_mem>>
        tpu.wait_indirect_dma semaphore(%dma_wait3A_656 : memref<!tpu.dma_semaphore, #tpu.memory_space<semaphore_mem>>) src(%dma_wait3A_654 : memref<102400x8xf32, #tpu.memory_space<hbm>>) dst(%dma_wait3A_648 : memref<128x8xf32, #tpu.memory_space<vmem>>)
        %dma_start3A_657 = arith.constant 14 : i32
        %dma_start3A_658 = arith.constant 14 : i32
        %dma_start3A_659 = arith.constant 0 : i32
        %dma_start3A_660 = arith.constant 0 : i32
        %dma_start3A_661 = tpu.memref_slice %arg8[%dma_start3A_657, %dma_start3A_659, %dma_start3A_660] : memref<16x128x8xf32, #tpu.memory_space<vmem>> -> memref<1x128x8xf32, #tpu.memory_space<vmem>>
        %dma_start3A_662 = tpu.memref_squeeze %dma_start3A_661 : memref<1x128x8xf32, #tpu.memory_space<vmem>> -> memref<128x8xf32, #tpu.memory_space<vmem>>
        %dma_start3A_663 = arith.constant 0 : i32
        %dma_start3A_664 = tpu.memref_slice %arg7[%dma_start3A_658, %dma_start3A_663] : memref<16x128xi32, #tpu.memory_space<vmem>> -> memref<1x128xi32, #tpu.memory_space<vmem>>
        %dma_start3A_665 = tpu.memref_squeeze %dma_start3A_664 : memref<1x128xi32, #tpu.memory_space<vmem>> -> memref<128xi32, #tpu.memory_space<vmem>>
        %dma_start3A_666 = arith.constant 0 : i32
        %dma_start3A_667 = arith.constant 0 : i32
        %dma_start3A_668 = tpu.memref_slice %arg9[%dma_start3A_666, %dma_start3A_667] : memref<102400x8xf32, #tpu.memory_space<vmem_shared>> -> memref<102400x8xf32, #tpu.memory_space<vmem_shared>>
        tpu.enqueue_indirect_dma source(%dma_start3A_662 : memref<128x8xf32, #tpu.memory_space<vmem>>) target(%dma_start3A_668 : memref<102400x8xf32, #tpu.memory_space<vmem_shared>>) offsets(%dma_start3A_665 : memref<128xi32, #tpu.memory_space<vmem>>) semaphore(%arg11 : memref<!tpu.dma_semaphore, #tpu.memory_space<semaphore_mem>>) {add = true}
        %dma_wait3A_669 = arith.constant 15 : i32
        %dma_wait3A_670 = arith.constant 15 : i32
        %dma_wait3A_671 = arith.constant 15 : i32
        %dma_wait3A_672 = arith.constant 0 : i32
        %dma_wait3A_673 = arith.constant 0 : i32
        %dma_wait3A_674 = tpu.memref_slice %arg8[%dma_wait3A_670, %dma_wait3A_672, %dma_wait3A_673] : memref<16x128x8xf32, #tpu.memory_space<vmem>> -> memref<1x128x8xf32, #tpu.memory_space<vmem>>
        %dma_wait3A_675 = tpu.memref_squeeze %dma_wait3A_674 : memref<1x128x8xf32, #tpu.memory_space<vmem>> -> memref<128x8xf32, #tpu.memory_space<vmem>>
        %dma_wait3A_676 = arith.constant 0 : i32
        %dma_wait3A_677 = tpu.memref_slice %arg6[%dma_wait3A_669, %dma_wait3A_676] : memref<16x128xi32, #tpu.memory_space<vmem>> -> memref<1x128xi32, #tpu.memory_space<vmem>>
        %dma_wait3A_678 = tpu.memref_squeeze %dma_wait3A_677 : memref<1x128xi32, #tpu.memory_space<vmem>> -> memref<128xi32, #tpu.memory_space<vmem>>
        %dma_wait3A_679 = arith.constant 0 : i32
        %dma_wait3A_680 = arith.constant 0 : i32
        %dma_wait3A_681 = tpu.memref_slice %arg3[%dma_wait3A_679, %dma_wait3A_680] : memref<102400x8xf32, #tpu.memory_space<hbm>> -> memref<102400x8xf32, #tpu.memory_space<hbm>>
        %dma_wait3A_682 = tpu.memref_slice %arg10[%dma_wait3A_671] : memref<16x!tpu.dma_semaphore, #tpu.memory_space<semaphore_mem>> -> memref<1x!tpu.dma_semaphore, #tpu.memory_space<semaphore_mem>>
        %dma_wait3A_683 = tpu.memref_squeeze %dma_wait3A_682 : memref<1x!tpu.dma_semaphore, #tpu.memory_space<semaphore_mem>> -> memref<!tpu.dma_semaphore, #tpu.memory_space<semaphore_mem>>
        tpu.wait_indirect_dma semaphore(%dma_wait3A_683 : memref<!tpu.dma_semaphore, #tpu.memory_space<semaphore_mem>>) src(%dma_wait3A_681 : memref<102400x8xf32, #tpu.memory_space<hbm>>) dst(%dma_wait3A_675 : memref<128x8xf32, #tpu.memory_space<vmem>>)
        %dma_start3A_684 = arith.constant 15 : i32
        %dma_start3A_685 = arith.constant 15 : i32
        %dma_start3A_686 = arith.constant 0 : i32
        %dma_start3A_687 = arith.constant 0 : i32
        %dma_start3A_688 = tpu.memref_slice %arg8[%dma_start3A_684, %dma_start3A_686, %dma_start3A_687] : memref<16x128x8xf32, #tpu.memory_space<vmem>> -> memref<1x128x8xf32, #tpu.memory_space<vmem>>
        %dma_start3A_689 = tpu.memref_squeeze %dma_start3A_688 : memref<1x128x8xf32, #tpu.memory_space<vmem>> -> memref<128x8xf32, #tpu.memory_space<vmem>>
        %dma_start3A_690 = arith.constant 0 : i32
        %dma_start3A_691 = tpu.memref_slice %arg7[%dma_start3A_685, %dma_start3A_690] : memref<16x128xi32, #tpu.memory_space<vmem>> -> memref<1x128xi32, #tpu.memory_space<vmem>>
        %dma_start3A_692 = tpu.memref_squeeze %dma_start3A_691 : memref<1x128xi32, #tpu.memory_space<vmem>> -> memref<128xi32, #tpu.memory_space<vmem>>
        %dma_start3A_693 = arith.constant 0 : i32
        %dma_start3A_694 = arith.constant 0 : i32
        %dma_start3A_695 = tpu.memref_slice %arg9[%dma_start3A_693, %dma_start3A_694] : memref<102400x8xf32, #tpu.memory_space<vmem_shared>> -> memref<102400x8xf32, #tpu.memory_space<vmem_shared>>
        tpu.enqueue_indirect_dma source(%dma_start3A_689 : memref<128x8xf32, #tpu.memory_space<vmem>>) target(%dma_start3A_695 : memref<102400x8xf32, #tpu.memory_space<vmem_shared>>) offsets(%dma_start3A_692 : memref<128xi32, #tpu.memory_space<vmem>>) semaphore(%arg11 : memref<!tpu.dma_semaphore, #tpu.memory_space<semaphore_mem>>) {add = true}
        %dma_wait3A_696 = arith.constant 0 : i32
        %dma_wait3A_697 = arith.constant 0 : i32
        %dma_wait3A_698 = arith.constant 0 : i32
        %dma_wait3A_699 = arith.constant 0 : i32
        %dma_wait3A_700 = tpu.memref_slice %arg8[%dma_wait3A_696, %dma_wait3A_698, %dma_wait3A_699] : memref<16x128x8xf32, #tpu.memory_space<vmem>> -> memref<1x128x8xf32, #tpu.memory_space<vmem>>
        %dma_wait3A_701 = tpu.memref_squeeze %dma_wait3A_700 : memref<1x128x8xf32, #tpu.memory_space<vmem>> -> memref<128x8xf32, #tpu.memory_space<vmem>>
        %dma_wait3A_702 = arith.constant 0 : i32
        %dma_wait3A_703 = tpu.memref_slice %arg7[%dma_wait3A_697, %dma_wait3A_702] : memref<16x128xi32, #tpu.memory_space<vmem>> -> memref<1x128xi32, #tpu.memory_space<vmem>>
        %dma_wait3A_704 = tpu.memref_squeeze %dma_wait3A_703 : memref<1x128xi32, #tpu.memory_space<vmem>> -> memref<128xi32, #tpu.memory_space<vmem>>
        %dma_wait3A_705 = arith.constant 0 : i32
        %dma_wait3A_706 = arith.constant 0 : i32
        %dma_wait3A_707 = tpu.memref_slice %arg9[%dma_wait3A_705, %dma_wait3A_706] : memref<102400x8xf32, #tpu.memory_space<vmem_shared>> -> memref<102400x8xf32, #tpu.memory_space<vmem_shared>>
        tpu.wait_indirect_dma semaphore(%arg11 : memref<!tpu.dma_semaphore, #tpu.memory_space<semaphore_mem>>) src(%dma_wait3A_701 : memref<128x8xf32, #tpu.memory_space<vmem>>) dst(%dma_wait3A_707 : memref<102400x8xf32, #tpu.memory_space<vmem_shared>>)
        %dma_wait3A_708 = arith.constant 1 : i32
        %dma_wait3A_709 = arith.constant 1 : i32
        %dma_wait3A_710 = arith.constant 0 : i32
        %dma_wait3A_711 = arith.constant 0 : i32
        %dma_wait3A_712 = tpu.memref_slice %arg8[%dma_wait3A_708, %dma_wait3A_710, %dma_wait3A_711] : memref<16x128x8xf32, #tpu.memory_space<vmem>> -> memref<1x128x8xf32, #tpu.memory_space<vmem>>
        %dma_wait3A_713 = tpu.memref_squeeze %dma_wait3A_712 : memref<1x128x8xf32, #tpu.memory_space<vmem>> -> memref<128x8xf32, #tpu.memory_space<vmem>>
        %dma_wait3A_714 = arith.constant 0 : i32
        %dma_wait3A_715 = tpu.memref_slice %arg7[%dma_wait3A_709, %dma_wait3A_714] : memref<16x128xi32, #tpu.memory_space<vmem>> -> memref<1x128xi32, #tpu.memory_space<vmem>>
        %dma_wait3A_716 = tpu.memref_squeeze %dma_wait3A_715 : memref<1x128xi32, #tpu.memory_space<vmem>> -> memref<128xi32, #tpu.memory_space<vmem>>
        %dma_wait3A_717 = arith.constant 0 : i32
        %dma_wait3A_718 = arith.constant 0 : i32
        %dma_wait3A_719 = tpu.memref_slice %arg9[%dma_wait3A_717, %dma_wait3A_718] : memref<102400x8xf32, #tpu.memory_space<vmem_shared>> -> memref<102400x8xf32, #tpu.memory_space<vmem_shared>>
        tpu.wait_indirect_dma semaphore(%arg11 : memref<!tpu.dma_semaphore, #tpu.memory_space<semaphore_mem>>) src(%dma_wait3A_713 : memref<128x8xf32, #tpu.memory_space<vmem>>) dst(%dma_wait3A_719 : memref<102400x8xf32, #tpu.memory_space<vmem_shared>>)
        %dma_wait3A_720 = arith.constant 2 : i32
        %dma_wait3A_721 = arith.constant 2 : i32
        %dma_wait3A_722 = arith.constant 0 : i32
        %dma_wait3A_723 = arith.constant 0 : i32
        %dma_wait3A_724 = tpu.memref_slice %arg8[%dma_wait3A_720, %dma_wait3A_722, %dma_wait3A_723] : memref<16x128x8xf32, #tpu.memory_space<vmem>> -> memref<1x128x8xf32, #tpu.memory_space<vmem>>
        %dma_wait3A_725 = tpu.memref_squeeze %dma_wait3A_724 : memref<1x128x8xf32, #tpu.memory_space<vmem>> -> memref<128x8xf32, #tpu.memory_space<vmem>>
        %dma_wait3A_726 = arith.constant 0 : i32
        %dma_wait3A_727 = tpu.memref_slice %arg7[%dma_wait3A_721, %dma_wait3A_726] : memref<16x128xi32, #tpu.memory_space<vmem>> -> memref<1x128xi32, #tpu.memory_space<vmem>>
        %dma_wait3A_728 = tpu.memref_squeeze %dma_wait3A_727 : memref<1x128xi32, #tpu.memory_space<vmem>> -> memref<128xi32, #tpu.memory_space<vmem>>
        %dma_wait3A_729 = arith.constant 0 : i32
        %dma_wait3A_730 = arith.constant 0 : i32
        %dma_wait3A_731 = tpu.memref_slice %arg9[%dma_wait3A_729, %dma_wait3A_730] : memref<102400x8xf32, #tpu.memory_space<vmem_shared>> -> memref<102400x8xf32, #tpu.memory_space<vmem_shared>>
        tpu.wait_indirect_dma semaphore(%arg11 : memref<!tpu.dma_semaphore, #tpu.memory_space<semaphore_mem>>) src(%dma_wait3A_725 : memref<128x8xf32, #tpu.memory_space<vmem>>) dst(%dma_wait3A_731 : memref<102400x8xf32, #tpu.memory_space<vmem_shared>>)
        %dma_wait3A_732 = arith.constant 3 : i32
        %dma_wait3A_733 = arith.constant 3 : i32
        %dma_wait3A_734 = arith.constant 0 : i32
        %dma_wait3A_735 = arith.constant 0 : i32
        %dma_wait3A_736 = tpu.memref_slice %arg8[%dma_wait3A_732, %dma_wait3A_734, %dma_wait3A_735] : memref<16x128x8xf32, #tpu.memory_space<vmem>> -> memref<1x128x8xf32, #tpu.memory_space<vmem>>
        %dma_wait3A_737 = tpu.memref_squeeze %dma_wait3A_736 : memref<1x128x8xf32, #tpu.memory_space<vmem>> -> memref<128x8xf32, #tpu.memory_space<vmem>>
        %dma_wait3A_738 = arith.constant 0 : i32
        %dma_wait3A_739 = tpu.memref_slice %arg7[%dma_wait3A_733, %dma_wait3A_738] : memref<16x128xi32, #tpu.memory_space<vmem>> -> memref<1x128xi32, #tpu.memory_space<vmem>>
        %dma_wait3A_740 = tpu.memref_squeeze %dma_wait3A_739 : memref<1x128xi32, #tpu.memory_space<vmem>> -> memref<128xi32, #tpu.memory_space<vmem>>
        %dma_wait3A_741 = arith.constant 0 : i32
        %dma_wait3A_742 = arith.constant 0 : i32
        %dma_wait3A_743 = tpu.memref_slice %arg9[%dma_wait3A_741, %dma_wait3A_742] : memref<102400x8xf32, #tpu.memory_space<vmem_shared>> -> memref<102400x8xf32, #tpu.memory_space<vmem_shared>>
        tpu.wait_indirect_dma semaphore(%arg11 : memref<!tpu.dma_semaphore, #tpu.memory_space<semaphore_mem>>) src(%dma_wait3A_737 : memref<128x8xf32, #tpu.memory_space<vmem>>) dst(%dma_wait3A_743 : memref<102400x8xf32, #tpu.memory_space<vmem_shared>>)
        %dma_wait3A_744 = arith.constant 4 : i32
        %dma_wait3A_745 = arith.constant 4 : i32
        %dma_wait3A_746 = arith.constant 0 : i32
        %dma_wait3A_747 = arith.constant 0 : i32
        %dma_wait3A_748 = tpu.memref_slice %arg8[%dma_wait3A_744, %dma_wait3A_746, %dma_wait3A_747] : memref<16x128x8xf32, #tpu.memory_space<vmem>> -> memref<1x128x8xf32, #tpu.memory_space<vmem>>
        %dma_wait3A_749 = tpu.memref_squeeze %dma_wait3A_748 : memref<1x128x8xf32, #tpu.memory_space<vmem>> -> memref<128x8xf32, #tpu.memory_space<vmem>>
        %dma_wait3A_750 = arith.constant 0 : i32
        %dma_wait3A_751 = tpu.memref_slice %arg7[%dma_wait3A_745, %dma_wait3A_750] : memref<16x128xi32, #tpu.memory_space<vmem>> -> memref<1x128xi32, #tpu.memory_space<vmem>>
        %dma_wait3A_752 = tpu.memref_squeeze %dma_wait3A_751 : memref<1x128xi32, #tpu.memory_space<vmem>> -> memref<128xi32, #tpu.memory_space<vmem>>
        %dma_wait3A_753 = arith.constant 0 : i32
        %dma_wait3A_754 = arith.constant 0 : i32
        %dma_wait3A_755 = tpu.memref_slice %arg9[%dma_wait3A_753, %dma_wait3A_754] : memref<102400x8xf32, #tpu.memory_space<vmem_shared>> -> memref<102400x8xf32, #tpu.memory_space<vmem_shared>>
        tpu.wait_indirect_dma semaphore(%arg11 : memref<!tpu.dma_semaphore, #tpu.memory_space<semaphore_mem>>) src(%dma_wait3A_749 : memref<128x8xf32, #tpu.memory_space<vmem>>) dst(%dma_wait3A_755 : memref<102400x8xf32, #tpu.memory_space<vmem_shared>>)
        %dma_wait3A_756 = arith.constant 5 : i32
        %dma_wait3A_757 = arith.constant 5 : i32
        %dma_wait3A_758 = arith.constant 0 : i32
        %dma_wait3A_759 = arith.constant 0 : i32
        %dma_wait3A_760 = tpu.memref_slice %arg8[%dma_wait3A_756, %dma_wait3A_758, %dma_wait3A_759] : memref<16x128x8xf32, #tpu.memory_space<vmem>> -> memref<1x128x8xf32, #tpu.memory_space<vmem>>
        %dma_wait3A_761 = tpu.memref_squeeze %dma_wait3A_760 : memref<1x128x8xf32, #tpu.memory_space<vmem>> -> memref<128x8xf32, #tpu.memory_space<vmem>>
        %dma_wait3A_762 = arith.constant 0 : i32
        %dma_wait3A_763 = tpu.memref_slice %arg7[%dma_wait3A_757, %dma_wait3A_762] : memref<16x128xi32, #tpu.memory_space<vmem>> -> memref<1x128xi32, #tpu.memory_space<vmem>>
        %dma_wait3A_764 = tpu.memref_squeeze %dma_wait3A_763 : memref<1x128xi32, #tpu.memory_space<vmem>> -> memref<128xi32, #tpu.memory_space<vmem>>
        %dma_wait3A_765 = arith.constant 0 : i32
        %dma_wait3A_766 = arith.constant 0 : i32
        %dma_wait3A_767 = tpu.memref_slice %arg9[%dma_wait3A_765, %dma_wait3A_766] : memref<102400x8xf32, #tpu.memory_space<vmem_shared>> -> memref<102400x8xf32, #tpu.memory_space<vmem_shared>>
        tpu.wait_indirect_dma semaphore(%arg11 : memref<!tpu.dma_semaphore, #tpu.memory_space<semaphore_mem>>) src(%dma_wait3A_761 : memref<128x8xf32, #tpu.memory_space<vmem>>) dst(%dma_wait3A_767 : memref<102400x8xf32, #tpu.memory_space<vmem_shared>>)
        %dma_wait3A_768 = arith.constant 6 : i32
        %dma_wait3A_769 = arith.constant 6 : i32
        %dma_wait3A_770 = arith.constant 0 : i32
        %dma_wait3A_771 = arith.constant 0 : i32
        %dma_wait3A_772 = tpu.memref_slice %arg8[%dma_wait3A_768, %dma_wait3A_770, %dma_wait3A_771] : memref<16x128x8xf32, #tpu.memory_space<vmem>> -> memref<1x128x8xf32, #tpu.memory_space<vmem>>
        %dma_wait3A_773 = tpu.memref_squeeze %dma_wait3A_772 : memref<1x128x8xf32, #tpu.memory_space<vmem>> -> memref<128x8xf32, #tpu.memory_space<vmem>>
        %dma_wait3A_774 = arith.constant 0 : i32
        %dma_wait3A_775 = tpu.memref_slice %arg7[%dma_wait3A_769, %dma_wait3A_774] : memref<16x128xi32, #tpu.memory_space<vmem>> -> memref<1x128xi32, #tpu.memory_space<vmem>>
        %dma_wait3A_776 = tpu.memref_squeeze %dma_wait3A_775 : memref<1x128xi32, #tpu.memory_space<vmem>> -> memref<128xi32, #tpu.memory_space<vmem>>
        %dma_wait3A_777 = arith.constant 0 : i32
        %dma_wait3A_778 = arith.constant 0 : i32
        %dma_wait3A_779 = tpu.memref_slice %arg9[%dma_wait3A_777, %dma_wait3A_778] : memref<102400x8xf32, #tpu.memory_space<vmem_shared>> -> memref<102400x8xf32, #tpu.memory_space<vmem_shared>>
        tpu.wait_indirect_dma semaphore(%arg11 : memref<!tpu.dma_semaphore, #tpu.memory_space<semaphore_mem>>) src(%dma_wait3A_773 : memref<128x8xf32, #tpu.memory_space<vmem>>) dst(%dma_wait3A_779 : memref<102400x8xf32, #tpu.memory_space<vmem_shared>>)
        %dma_wait3A_780 = arith.constant 7 : i32
        %dma_wait3A_781 = arith.constant 7 : i32
        %dma_wait3A_782 = arith.constant 0 : i32
        %dma_wait3A_783 = arith.constant 0 : i32
        %dma_wait3A_784 = tpu.memref_slice %arg8[%dma_wait3A_780, %dma_wait3A_782, %dma_wait3A_783] : memref<16x128x8xf32, #tpu.memory_space<vmem>> -> memref<1x128x8xf32, #tpu.memory_space<vmem>>
        %dma_wait3A_785 = tpu.memref_squeeze %dma_wait3A_784 : memref<1x128x8xf32, #tpu.memory_space<vmem>> -> memref<128x8xf32, #tpu.memory_space<vmem>>
        %dma_wait3A_786 = arith.constant 0 : i32
        %dma_wait3A_787 = tpu.memref_slice %arg7[%dma_wait3A_781, %dma_wait3A_786] : memref<16x128xi32, #tpu.memory_space<vmem>> -> memref<1x128xi32, #tpu.memory_space<vmem>>
        %dma_wait3A_788 = tpu.memref_squeeze %dma_wait3A_787 : memref<1x128xi32, #tpu.memory_space<vmem>> -> memref<128xi32, #tpu.memory_space<vmem>>
        %dma_wait3A_789 = arith.constant 0 : i32
        %dma_wait3A_790 = arith.constant 0 : i32
        %dma_wait3A_791 = tpu.memref_slice %arg9[%dma_wait3A_789, %dma_wait3A_790] : memref<102400x8xf32, #tpu.memory_space<vmem_shared>> -> memref<102400x8xf32, #tpu.memory_space<vmem_shared>>
        tpu.wait_indirect_dma semaphore(%arg11 : memref<!tpu.dma_semaphore, #tpu.memory_space<semaphore_mem>>) src(%dma_wait3A_785 : memref<128x8xf32, #tpu.memory_space<vmem>>) dst(%dma_wait3A_791 : memref<102400x8xf32, #tpu.memory_space<vmem_shared>>)
        %dma_wait3A_792 = arith.constant 8 : i32
        %dma_wait3A_793 = arith.constant 8 : i32
        %dma_wait3A_794 = arith.constant 0 : i32
        %dma_wait3A_795 = arith.constant 0 : i32
        %dma_wait3A_796 = tpu.memref_slice %arg8[%dma_wait3A_792, %dma_wait3A_794, %dma_wait3A_795] : memref<16x128x8xf32, #tpu.memory_space<vmem>> -> memref<1x128x8xf32, #tpu.memory_space<vmem>>
        %dma_wait3A_797 = tpu.memref_squeeze %dma_wait3A_796 : memref<1x128x8xf32, #tpu.memory_space<vmem>> -> memref<128x8xf32, #tpu.memory_space<vmem>>
        %dma_wait3A_798 = arith.constant 0 : i32
        %dma_wait3A_799 = tpu.memref_slice %arg7[%dma_wait3A_793, %dma_wait3A_798] : memref<16x128xi32, #tpu.memory_space<vmem>> -> memref<1x128xi32, #tpu.memory_space<vmem>>
        %dma_wait3A_800 = tpu.memref_squeeze %dma_wait3A_799 : memref<1x128xi32, #tpu.memory_space<vmem>> -> memref<128xi32, #tpu.memory_space<vmem>>
        %dma_wait3A_801 = arith.constant 0 : i32
        %dma_wait3A_802 = arith.constant 0 : i32
        %dma_wait3A_803 = tpu.memref_slice %arg9[%dma_wait3A_801, %dma_wait3A_802] : memref<102400x8xf32, #tpu.memory_space<vmem_shared>> -> memref<102400x8xf32, #tpu.memory_space<vmem_shared>>
        tpu.wait_indirect_dma semaphore(%arg11 : memref<!tpu.dma_semaphore, #tpu.memory_space<semaphore_mem>>) src(%dma_wait3A_797 : memref<128x8xf32, #tpu.memory_space<vmem>>) dst(%dma_wait3A_803 : memref<102400x8xf32, #tpu.memory_space<vmem_shared>>)
        %dma_wait3A_804 = arith.constant 9 : i32
        %dma_wait3A_805 = arith.constant 9 : i32
        %dma_wait3A_806 = arith.constant 0 : i32
        %dma_wait3A_807 = arith.constant 0 : i32
        %dma_wait3A_808 = tpu.memref_slice %arg8[%dma_wait3A_804, %dma_wait3A_806, %dma_wait3A_807] : memref<16x128x8xf32, #tpu.memory_space<vmem>> -> memref<1x128x8xf32, #tpu.memory_space<vmem>>
        %dma_wait3A_809 = tpu.memref_squeeze %dma_wait3A_808 : memref<1x128x8xf32, #tpu.memory_space<vmem>> -> memref<128x8xf32, #tpu.memory_space<vmem>>
        %dma_wait3A_810 = arith.constant 0 : i32
        %dma_wait3A_811 = tpu.memref_slice %arg7[%dma_wait3A_805, %dma_wait3A_810] : memref<16x128xi32, #tpu.memory_space<vmem>> -> memref<1x128xi32, #tpu.memory_space<vmem>>
        %dma_wait3A_812 = tpu.memref_squeeze %dma_wait3A_811 : memref<1x128xi32, #tpu.memory_space<vmem>> -> memref<128xi32, #tpu.memory_space<vmem>>
        %dma_wait3A_813 = arith.constant 0 : i32
        %dma_wait3A_814 = arith.constant 0 : i32
        %dma_wait3A_815 = tpu.memref_slice %arg9[%dma_wait3A_813, %dma_wait3A_814] : memref<102400x8xf32, #tpu.memory_space<vmem_shared>> -> memref<102400x8xf32, #tpu.memory_space<vmem_shared>>
        tpu.wait_indirect_dma semaphore(%arg11 : memref<!tpu.dma_semaphore, #tpu.memory_space<semaphore_mem>>) src(%dma_wait3A_809 : memref<128x8xf32, #tpu.memory_space<vmem>>) dst(%dma_wait3A_815 : memref<102400x8xf32, #tpu.memory_space<vmem_shared>>)
        %dma_wait3A_816 = arith.constant 10 : i32
        %dma_wait3A_817 = arith.constant 10 : i32
        %dma_wait3A_818 = arith.constant 0 : i32
        %dma_wait3A_819 = arith.constant 0 : i32
        %dma_wait3A_820 = tpu.memref_slice %arg8[%dma_wait3A_816, %dma_wait3A_818, %dma_wait3A_819] : memref<16x128x8xf32, #tpu.memory_space<vmem>> -> memref<1x128x8xf32, #tpu.memory_space<vmem>>
        %dma_wait3A_821 = tpu.memref_squeeze %dma_wait3A_820 : memref<1x128x8xf32, #tpu.memory_space<vmem>> -> memref<128x8xf32, #tpu.memory_space<vmem>>
        %dma_wait3A_822 = arith.constant 0 : i32
        %dma_wait3A_823 = tpu.memref_slice %arg7[%dma_wait3A_817, %dma_wait3A_822] : memref<16x128xi32, #tpu.memory_space<vmem>> -> memref<1x128xi32, #tpu.memory_space<vmem>>
        %dma_wait3A_824 = tpu.memref_squeeze %dma_wait3A_823 : memref<1x128xi32, #tpu.memory_space<vmem>> -> memref<128xi32, #tpu.memory_space<vmem>>
        %dma_wait3A_825 = arith.constant 0 : i32
        %dma_wait3A_826 = arith.constant 0 : i32
        %dma_wait3A_827 = tpu.memref_slice %arg9[%dma_wait3A_825, %dma_wait3A_826] : memref<102400x8xf32, #tpu.memory_space<vmem_shared>> -> memref<102400x8xf32, #tpu.memory_space<vmem_shared>>
        tpu.wait_indirect_dma semaphore(%arg11 : memref<!tpu.dma_semaphore, #tpu.memory_space<semaphore_mem>>) src(%dma_wait3A_821 : memref<128x8xf32, #tpu.memory_space<vmem>>) dst(%dma_wait3A_827 : memref<102400x8xf32, #tpu.memory_space<vmem_shared>>)
        %dma_wait3A_828 = arith.constant 11 : i32
        %dma_wait3A_829 = arith.constant 11 : i32
        %dma_wait3A_830 = arith.constant 0 : i32
        %dma_wait3A_831 = arith.constant 0 : i32
        %dma_wait3A_832 = tpu.memref_slice %arg8[%dma_wait3A_828, %dma_wait3A_830, %dma_wait3A_831] : memref<16x128x8xf32, #tpu.memory_space<vmem>> -> memref<1x128x8xf32, #tpu.memory_space<vmem>>
        %dma_wait3A_833 = tpu.memref_squeeze %dma_wait3A_832 : memref<1x128x8xf32, #tpu.memory_space<vmem>> -> memref<128x8xf32, #tpu.memory_space<vmem>>
        %dma_wait3A_834 = arith.constant 0 : i32
        %dma_wait3A_835 = tpu.memref_slice %arg7[%dma_wait3A_829, %dma_wait3A_834] : memref<16x128xi32, #tpu.memory_space<vmem>> -> memref<1x128xi32, #tpu.memory_space<vmem>>
        %dma_wait3A_836 = tpu.memref_squeeze %dma_wait3A_835 : memref<1x128xi32, #tpu.memory_space<vmem>> -> memref<128xi32, #tpu.memory_space<vmem>>
        %dma_wait3A_837 = arith.constant 0 : i32
        %dma_wait3A_838 = arith.constant 0 : i32
        %dma_wait3A_839 = tpu.memref_slice %arg9[%dma_wait3A_837, %dma_wait3A_838] : memref<102400x8xf32, #tpu.memory_space<vmem_shared>> -> memref<102400x8xf32, #tpu.memory_space<vmem_shared>>
        tpu.wait_indirect_dma semaphore(%arg11 : memref<!tpu.dma_semaphore, #tpu.memory_space<semaphore_mem>>) src(%dma_wait3A_833 : memref<128x8xf32, #tpu.memory_space<vmem>>) dst(%dma_wait3A_839 : memref<102400x8xf32, #tpu.memory_space<vmem_shared>>)
        %dma_wait3A_840 = arith.constant 12 : i32
        %dma_wait3A_841 = arith.constant 12 : i32
        %dma_wait3A_842 = arith.constant 0 : i32
        %dma_wait3A_843 = arith.constant 0 : i32
        %dma_wait3A_844 = tpu.memref_slice %arg8[%dma_wait3A_840, %dma_wait3A_842, %dma_wait3A_843] : memref<16x128x8xf32, #tpu.memory_space<vmem>> -> memref<1x128x8xf32, #tpu.memory_space<vmem>>
        %dma_wait3A_845 = tpu.memref_squeeze %dma_wait3A_844 : memref<1x128x8xf32, #tpu.memory_space<vmem>> -> memref<128x8xf32, #tpu.memory_space<vmem>>
        %dma_wait3A_846 = arith.constant 0 : i32
        %dma_wait3A_847 = tpu.memref_slice %arg7[%dma_wait3A_841, %dma_wait3A_846] : memref<16x128xi32, #tpu.memory_space<vmem>> -> memref<1x128xi32, #tpu.memory_space<vmem>>
        %dma_wait3A_848 = tpu.memref_squeeze %dma_wait3A_847 : memref<1x128xi32, #tpu.memory_space<vmem>> -> memref<128xi32, #tpu.memory_space<vmem>>
        %dma_wait3A_849 = arith.constant 0 : i32
        %dma_wait3A_850 = arith.constant 0 : i32
        %dma_wait3A_851 = tpu.memref_slice %arg9[%dma_wait3A_849, %dma_wait3A_850] : memref<102400x8xf32, #tpu.memory_space<vmem_shared>> -> memref<102400x8xf32, #tpu.memory_space<vmem_shared>>
        tpu.wait_indirect_dma semaphore(%arg11 : memref<!tpu.dma_semaphore, #tpu.memory_space<semaphore_mem>>) src(%dma_wait3A_845 : memref<128x8xf32, #tpu.memory_space<vmem>>) dst(%dma_wait3A_851 : memref<102400x8xf32, #tpu.memory_space<vmem_shared>>)
        %dma_wait3A_852 = arith.constant 13 : i32
        %dma_wait3A_853 = arith.constant 13 : i32
        %dma_wait3A_854 = arith.constant 0 : i32
        %dma_wait3A_855 = arith.constant 0 : i32
        %dma_wait3A_856 = tpu.memref_slice %arg8[%dma_wait3A_852, %dma_wait3A_854, %dma_wait3A_855] : memref<16x128x8xf32, #tpu.memory_space<vmem>> -> memref<1x128x8xf32, #tpu.memory_space<vmem>>
        %dma_wait3A_857 = tpu.memref_squeeze %dma_wait3A_856 : memref<1x128x8xf32, #tpu.memory_space<vmem>> -> memref<128x8xf32, #tpu.memory_space<vmem>>
        %dma_wait3A_858 = arith.constant 0 : i32
        %dma_wait3A_859 = tpu.memref_slice %arg7[%dma_wait3A_853, %dma_wait3A_858] : memref<16x128xi32, #tpu.memory_space<vmem>> -> memref<1x128xi32, #tpu.memory_space<vmem>>
        %dma_wait3A_860 = tpu.memref_squeeze %dma_wait3A_859 : memref<1x128xi32, #tpu.memory_space<vmem>> -> memref<128xi32, #tpu.memory_space<vmem>>
        %dma_wait3A_861 = arith.constant 0 : i32
        %dma_wait3A_862 = arith.constant 0 : i32
        %dma_wait3A_863 = tpu.memref_slice %arg9[%dma_wait3A_861, %dma_wait3A_862] : memref<102400x8xf32, #tpu.memory_space<vmem_shared>> -> memref<102400x8xf32, #tpu.memory_space<vmem_shared>>
        tpu.wait_indirect_dma semaphore(%arg11 : memref<!tpu.dma_semaphore, #tpu.memory_space<semaphore_mem>>) src(%dma_wait3A_857 : memref<128x8xf32, #tpu.memory_space<vmem>>) dst(%dma_wait3A_863 : memref<102400x8xf32, #tpu.memory_space<vmem_shared>>)
        %dma_wait3A_864 = arith.constant 14 : i32
        %dma_wait3A_865 = arith.constant 14 : i32
        %dma_wait3A_866 = arith.constant 0 : i32
        %dma_wait3A_867 = arith.constant 0 : i32
        %dma_wait3A_868 = tpu.memref_slice %arg8[%dma_wait3A_864, %dma_wait3A_866, %dma_wait3A_867] : memref<16x128x8xf32, #tpu.memory_space<vmem>> -> memref<1x128x8xf32, #tpu.memory_space<vmem>>
        %dma_wait3A_869 = tpu.memref_squeeze %dma_wait3A_868 : memref<1x128x8xf32, #tpu.memory_space<vmem>> -> memref<128x8xf32, #tpu.memory_space<vmem>>
        %dma_wait3A_870 = arith.constant 0 : i32
        %dma_wait3A_871 = tpu.memref_slice %arg7[%dma_wait3A_865, %dma_wait3A_870] : memref<16x128xi32, #tpu.memory_space<vmem>> -> memref<1x128xi32, #tpu.memory_space<vmem>>
        %dma_wait3A_872 = tpu.memref_squeeze %dma_wait3A_871 : memref<1x128xi32, #tpu.memory_space<vmem>> -> memref<128xi32, #tpu.memory_space<vmem>>
        %dma_wait3A_873 = arith.constant 0 : i32
        %dma_wait3A_874 = arith.constant 0 : i32
        %dma_wait3A_875 = tpu.memref_slice %arg9[%dma_wait3A_873, %dma_wait3A_874] : memref<102400x8xf32, #tpu.memory_space<vmem_shared>> -> memref<102400x8xf32, #tpu.memory_space<vmem_shared>>
        tpu.wait_indirect_dma semaphore(%arg11 : memref<!tpu.dma_semaphore, #tpu.memory_space<semaphore_mem>>) src(%dma_wait3A_869 : memref<128x8xf32, #tpu.memory_space<vmem>>) dst(%dma_wait3A_875 : memref<102400x8xf32, #tpu.memory_space<vmem_shared>>)
        %dma_wait3A_876 = arith.constant 15 : i32
        %dma_wait3A_877 = arith.constant 15 : i32
        %dma_wait3A_878 = arith.constant 0 : i32
        %dma_wait3A_879 = arith.constant 0 : i32
        %dma_wait3A_880 = tpu.memref_slice %arg8[%dma_wait3A_876, %dma_wait3A_878, %dma_wait3A_879] : memref<16x128x8xf32, #tpu.memory_space<vmem>> -> memref<1x128x8xf32, #tpu.memory_space<vmem>>
        %dma_wait3A_881 = tpu.memref_squeeze %dma_wait3A_880 : memref<1x128x8xf32, #tpu.memory_space<vmem>> -> memref<128x8xf32, #tpu.memory_space<vmem>>
        %dma_wait3A_882 = arith.constant 0 : i32
        %dma_wait3A_883 = tpu.memref_slice %arg7[%dma_wait3A_877, %dma_wait3A_882] : memref<16x128xi32, #tpu.memory_space<vmem>> -> memref<1x128xi32, #tpu.memory_space<vmem>>
        %dma_wait3A_884 = tpu.memref_squeeze %dma_wait3A_883 : memref<1x128xi32, #tpu.memory_space<vmem>> -> memref<128xi32, #tpu.memory_space<vmem>>
        %dma_wait3A_885 = arith.constant 0 : i32
        %dma_wait3A_886 = arith.constant 0 : i32
        %dma_wait3A_887 = tpu.memref_slice %arg9[%dma_wait3A_885, %dma_wait3A_886] : memref<102400x8xf32, #tpu.memory_space<vmem_shared>> -> memref<102400x8xf32, #tpu.memory_space<vmem_shared>>
        tpu.wait_indirect_dma semaphore(%arg11 : memref<!tpu.dma_semaphore, #tpu.memory_space<semaphore_mem>>) src(%dma_wait3A_881 : memref<128x8xf32, #tpu.memory_space<vmem>>) dst(%dma_wait3A_887 : memref<102400x8xf32, #tpu.memory_space<vmem_shared>>)
      } else {
      }
    }
    %scan3A_7 = arith.constant 98 : i32
    %barrier3A_8 = arith.constant 0 : index
    tpu.barrier barrier_id(%barrier3A_8)
    %mul3A_9 = arith.constant 6400 : i32
    %mul3A_10 = arith.muli %arg1, %mul3A_9 : i32
    %mul3A_11 = arith.constant 6400 : i32
    %mul3A_12 = arith.muli %arg1, %mul3A_11 : i32
    "tpu.region"() ({
      %run_scoped3A = tpu.sem_alloc : memref<!tpu.dma_semaphore, #tpu.memory_space<semaphore_mem>>
      %dma_start3A = arith.constant 0 : i32
      %dma_start3A_13 = tpu.memref_slice %arg5[%arg0, %mul3A_12, %dma_start3A] : memref<2x102400x8xf32, #tpu.memory_space<hbm>> -> memref<1x6400x8xf32, #tpu.memory_space<hbm>>
      %dma_start3A_14 = tpu.memref_squeeze %dma_start3A_13 : memref<1x6400x8xf32, #tpu.memory_space<hbm>> -> memref<6400x8xf32, #tpu.memory_space<hbm>>
      %dma_start3A_15 = arith.constant 0 : i32
      %dma_start3A_16 = tpu.memref_slice %arg9[%mul3A_10, %dma_start3A_15] : memref<102400x8xf32, #tpu.memory_space<vmem_shared>> -> memref<6400x8xf32, #tpu.memory_space<vmem_shared>>
      tpu.enqueue_dma source(%dma_start3A_16 : memref<6400x8xf32, #tpu.memory_space<vmem_shared>>) target(%dma_start3A_14 : memref<6400x8xf32, #tpu.memory_space<hbm>>) target_semaphore(%run_scoped3A : memref<!tpu.dma_semaphore, #tpu.memory_space<semaphore_mem>>)
      %dma_wait3A = arith.constant 0 : i32
      %dma_wait3A_17 = tpu.memref_slice %arg5[%arg0, %mul3A_12, %dma_wait3A] : memref<2x102400x8xf32, #tpu.memory_space<hbm>> -> memref<1x6400x8xf32, #tpu.memory_space<hbm>>
      %dma_wait3A_18 = tpu.memref_squeeze %dma_wait3A_17 : memref<1x6400x8xf32, #tpu.memory_space<hbm>> -> memref<6400x8xf32, #tpu.memory_space<hbm>>
      %dma_wait3A_19 = arith.constant 0 : i32
      %dma_wait3A_20 = tpu.memref_slice %arg9[%mul3A_10, %dma_wait3A_19] : memref<102400x8xf32, #tpu.memory_space<vmem_shared>> -> memref<6400x8xf32, #tpu.memory_space<vmem_shared>>
      tpu.wait_dma2 semaphore(%run_scoped3A : memref<!tpu.dma_semaphore, #tpu.memory_space<semaphore_mem>>) src(%dma_wait3A_20 : memref<6400x8xf32, #tpu.memory_space<vmem_shared>>) dst(%dma_wait3A_18 : memref<6400x8xf32, #tpu.memory_space<hbm>>)
      tpu.yield
    }) : () -> ()
    return
  }
}

#map = affine_map<(d0, d1) -> (0, 0, 0)>
#map1 = affine_map<(d0, d1) -> (0, 0)>
module attributes {stable_mosaic.version = 14 : i64} {
  func.func @_sc_degree_body(%arg0: i32, %arg1: i32, %arg2: memref<2x50000x128xi32, #tpu.memory_space<hbm>>, %arg3: memref<102400x8xf32, #tpu.memory_space<hbm>>, %arg4: memref<128x8xf32, #tpu.memory_space<hbm>>, %arg5: memref<2x102400x8xf32, #tpu.memory_space<hbm>>, %arg6: memref<16x128xi32, #tpu.memory_space<vmem>>, %arg7: memref<128x8xf32, #tpu.memory_space<vmem>>, %arg8: memref<102400x8xf32, #tpu.memory_space<vmem_shared>>, %arg9: memref<!tpu.dma_semaphore, #tpu.memory_space<semaphore_mem>>) attributes {dimension_semantics = [#tpu.dimension_semantics<core_parallel>, #tpu.dimension_semantics<subcore_parallel>], iteration_bounds = array<i64: 2, 16>, scalar_prefetch = 0 : i64, scratch_operands = 4 : i64, tpu.core_type = #tpu.core_type<sc_vector_subcore>, window_params = [{transform_indices = #map}, {transform_indices = #map1}, {transform_indices = #map1}, {transform_indices = #map}]} {
    %mul3A = arith.constant 2 : i32
    %mul3A_0 = arith.muli %arg1, %mul3A : i32
    %add3A = arith.addi %mul3A_0, %arg0 : i32
    %eq3A = arith.constant 0 : i32
    %eq3A_1 = arith.cmpi eq, %arg1, %eq3A : i32
    %convert_element_type3A = arith.extui %eq3A_1 : i1 to i32
    %cond3A = arith.constant 0 : i32
    %cond3A_2 = arith.cmpi ne, %convert_element_type3A, %cond3A : i32
    scf.if %cond3A_2 {
      "tpu.region"() ({
        %run_scoped3A = tpu.sem_alloc : memref<!tpu.dma_semaphore, #tpu.memory_space<semaphore_mem>>
        tpu.enqueue_dma source(%arg3 : memref<102400x8xf32, #tpu.memory_space<hbm>>) target(%arg8 : memref<102400x8xf32, #tpu.memory_space<vmem_shared>>) target_semaphore(%run_scoped3A : memref<!tpu.dma_semaphore, #tpu.memory_space<semaphore_mem>>)
        tpu.wait_dma2 semaphore(%run_scoped3A : memref<!tpu.dma_semaphore, #tpu.memory_space<semaphore_mem>>) src(%arg3 : memref<102400x8xf32, #tpu.memory_space<hbm>>) dst(%arg8 : memref<102400x8xf32, #tpu.memory_space<vmem_shared>>)
        tpu.yield
      }) : () -> ()
    } else {
    }
    "tpu.region"() ({
      %run_scoped3A = tpu.sem_alloc : memref<!tpu.dma_semaphore, #tpu.memory_space<semaphore_mem>>
      tpu.enqueue_dma source(%arg4 : memref<128x8xf32, #tpu.memory_space<hbm>>) target(%arg7 : memref<128x8xf32, #tpu.memory_space<vmem>>) target_semaphore(%run_scoped3A : memref<!tpu.dma_semaphore, #tpu.memory_space<semaphore_mem>>)
      tpu.wait_dma2 semaphore(%run_scoped3A : memref<!tpu.dma_semaphore, #tpu.memory_space<semaphore_mem>>) src(%arg4 : memref<128x8xf32, #tpu.memory_space<hbm>>) dst(%arg7 : memref<128x8xf32, #tpu.memory_space<vmem>>)
      tpu.yield
    }) : () -> ()
    %barrier3A = arith.constant 0 : index
    tpu.barrier barrier_id(%barrier3A)
    %scan3A = arith.constant 0 : i32
    %scan3A_3 = arith.constant 0 : i32
    %scan3A_4 = arith.constant 98 : i32
    %scan3A_5 = arith.addi %scan3A_3, %scan3A_4 : i32
    %scan3A_6 = arith.constant 1 : i32
    scf.for %scan3A_13 = %scan3A_3 to %scan3A_5 step %scan3A_6  : i32 {
      %mul3A_14 = arith.constant 32 : i32
      %mul3A_15 = arith.muli %scan3A_13, %mul3A_14 : i32
      %add3A_16 = arith.addi %add3A, %mul3A_15 : i32
      %lt3A = arith.constant 3125 : i32
      %lt3A_17 = arith.cmpi slt, %add3A_16, %lt3A : i32
      %convert_element_type3A_18 = arith.extui %lt3A_17 : i1 to i32
      %cond3A_19 = arith.constant 0 : i32
      %cond3A_20 = arith.cmpi ne, %convert_element_type3A_18, %cond3A_19 : i32
      scf.if %cond3A_20 {
        %mul3A_21 = arith.constant 16 : i32
        %mul3A_22 = arith.muli %add3A_16, %mul3A_21 : i32
        %run_scoped3A = arith.constant 1 : i32
        "tpu.region"() ({
          %run_scoped3A_245 = tpu.sem_alloc : memref<!tpu.dma_semaphore, #tpu.memory_space<semaphore_mem>>
          %dma_start3A_246 = arith.constant 0 : i32
          %dma_start3A_247 = tpu.memref_slice %arg2[%run_scoped3A, %mul3A_22, %dma_start3A_246] : memref<2x50000x128xi32, #tpu.memory_space<hbm>> -> memref<1x16x128xi32, #tpu.memory_space<hbm>>
          %dma_start3A_248 = tpu.memref_squeeze %dma_start3A_247 : memref<1x16x128xi32, #tpu.memory_space<hbm>> -> memref<16x128xi32, #tpu.memory_space<hbm>>
          %dma_start3A_249 = arith.constant 0 : i32
          %dma_start3A_250 = tpu.memref_slice %arg2[%run_scoped3A, %mul3A_22, %dma_start3A_249] : memref<2x50000x128xi32, #tpu.memory_space<hbm>> -> memref<1x16x128xi32, #tpu.memory_space<hbm>>
          %dma_start3A_251 = tpu.memref_squeeze %dma_start3A_250 : memref<1x16x128xi32, #tpu.memory_space<hbm>> -> memref<16x128xi32, #tpu.memory_space<hbm>>
          tpu.enqueue_dma source(%dma_start3A_251 : memref<16x128xi32, #tpu.memory_space<hbm>>) target(%arg6 : memref<16x128xi32, #tpu.memory_space<vmem>>) target_semaphore(%run_scoped3A_245 : memref<!tpu.dma_semaphore, #tpu.memory_space<semaphore_mem>>)
          %dma_wait3A_252 = arith.constant 0 : i32
          %dma_wait3A_253 = tpu.memref_slice %arg2[%run_scoped3A, %mul3A_22, %dma_wait3A_252] : memref<2x50000x128xi32, #tpu.memory_space<hbm>> -> memref<1x16x128xi32, #tpu.memory_space<hbm>>
          %dma_wait3A_254 = tpu.memref_squeeze %dma_wait3A_253 : memref<1x16x128xi32, #tpu.memory_space<hbm>> -> memref<16x128xi32, #tpu.memory_space<hbm>>
          %dma_wait3A_255 = arith.constant 0 : i32
          %dma_wait3A_256 = tpu.memref_slice %arg2[%run_scoped3A, %mul3A_22, %dma_wait3A_255] : memref<2x50000x128xi32, #tpu.memory_space<hbm>> -> memref<1x16x128xi32, #tpu.memory_space<hbm>>
          %dma_wait3A_257 = tpu.memref_squeeze %dma_wait3A_256 : memref<1x16x128xi32, #tpu.memory_space<hbm>> -> memref<16x128xi32, #tpu.memory_space<hbm>>
          tpu.wait_dma2 semaphore(%run_scoped3A_245 : memref<!tpu.dma_semaphore, #tpu.memory_space<semaphore_mem>>) src(%dma_wait3A_257 : memref<16x128xi32, #tpu.memory_space<hbm>>) dst(%arg6 : memref<16x128xi32, #tpu.memory_space<vmem>>)
          tpu.yield
        }) : () -> ()
        %dma_start3A = arith.constant 0 : i32
        %dma_start3A_23 = arith.constant 0 : i32
        %dma_start3A_24 = tpu.memref_slice %arg6[%dma_start3A, %dma_start3A_23] : memref<16x128xi32, #tpu.memory_space<vmem>> -> memref<1x128xi32, #tpu.memory_space<vmem>>
        %dma_start3A_25 = tpu.memref_squeeze %dma_start3A_24 : memref<1x128xi32, #tpu.memory_space<vmem>> -> memref<128xi32, #tpu.memory_space<vmem>>
        %dma_start3A_26 = arith.constant 0 : i32
        %dma_start3A_27 = arith.constant 0 : i32
        %dma_start3A_28 = tpu.memref_slice %arg8[%dma_start3A_26, %dma_start3A_27] : memref<102400x8xf32, #tpu.memory_space<vmem_shared>> -> memref<102400x8xf32, #tpu.memory_space<vmem_shared>>
        tpu.enqueue_indirect_dma source(%arg7 : memref<128x8xf32, #tpu.memory_space<vmem>>) target(%dma_start3A_28 : memref<102400x8xf32, #tpu.memory_space<vmem_shared>>) offsets(%dma_start3A_25 : memref<128xi32, #tpu.memory_space<vmem>>) semaphore(%arg9 : memref<!tpu.dma_semaphore, #tpu.memory_space<semaphore_mem>>) {add = true}
        %dma_start3A_29 = arith.constant 1 : i32
        %dma_start3A_30 = arith.constant 0 : i32
        %dma_start3A_31 = tpu.memref_slice %arg6[%dma_start3A_29, %dma_start3A_30] : memref<16x128xi32, #tpu.memory_space<vmem>> -> memref<1x128xi32, #tpu.memory_space<vmem>>
        %dma_start3A_32 = tpu.memref_squeeze %dma_start3A_31 : memref<1x128xi32, #tpu.memory_space<vmem>> -> memref<128xi32, #tpu.memory_space<vmem>>
        %dma_start3A_33 = arith.constant 0 : i32
        %dma_start3A_34 = arith.constant 0 : i32
        %dma_start3A_35 = tpu.memref_slice %arg8[%dma_start3A_33, %dma_start3A_34] : memref<102400x8xf32, #tpu.memory_space<vmem_shared>> -> memref<102400x8xf32, #tpu.memory_space<vmem_shared>>
        tpu.enqueue_indirect_dma source(%arg7 : memref<128x8xf32, #tpu.memory_space<vmem>>) target(%dma_start3A_35 : memref<102400x8xf32, #tpu.memory_space<vmem_shared>>) offsets(%dma_start3A_32 : memref<128xi32, #tpu.memory_space<vmem>>) semaphore(%arg9 : memref<!tpu.dma_semaphore, #tpu.memory_space<semaphore_mem>>) {add = true}
        %dma_start3A_36 = arith.constant 2 : i32
        %dma_start3A_37 = arith.constant 0 : i32
        %dma_start3A_38 = tpu.memref_slice %arg6[%dma_start3A_36, %dma_start3A_37] : memref<16x128xi32, #tpu.memory_space<vmem>> -> memref<1x128xi32, #tpu.memory_space<vmem>>
        %dma_start3A_39 = tpu.memref_squeeze %dma_start3A_38 : memref<1x128xi32, #tpu.memory_space<vmem>> -> memref<128xi32, #tpu.memory_space<vmem>>
        %dma_start3A_40 = arith.constant 0 : i32
        %dma_start3A_41 = arith.constant 0 : i32
        %dma_start3A_42 = tpu.memref_slice %arg8[%dma_start3A_40, %dma_start3A_41] : memref<102400x8xf32, #tpu.memory_space<vmem_shared>> -> memref<102400x8xf32, #tpu.memory_space<vmem_shared>>
        tpu.enqueue_indirect_dma source(%arg7 : memref<128x8xf32, #tpu.memory_space<vmem>>) target(%dma_start3A_42 : memref<102400x8xf32, #tpu.memory_space<vmem_shared>>) offsets(%dma_start3A_39 : memref<128xi32, #tpu.memory_space<vmem>>) semaphore(%arg9 : memref<!tpu.dma_semaphore, #tpu.memory_space<semaphore_mem>>) {add = true}
        %dma_start3A_43 = arith.constant 3 : i32
        %dma_start3A_44 = arith.constant 0 : i32
        %dma_start3A_45 = tpu.memref_slice %arg6[%dma_start3A_43, %dma_start3A_44] : memref<16x128xi32, #tpu.memory_space<vmem>> -> memref<1x128xi32, #tpu.memory_space<vmem>>
        %dma_start3A_46 = tpu.memref_squeeze %dma_start3A_45 : memref<1x128xi32, #tpu.memory_space<vmem>> -> memref<128xi32, #tpu.memory_space<vmem>>
        %dma_start3A_47 = arith.constant 0 : i32
        %dma_start3A_48 = arith.constant 0 : i32
        %dma_start3A_49 = tpu.memref_slice %arg8[%dma_start3A_47, %dma_start3A_48] : memref<102400x8xf32, #tpu.memory_space<vmem_shared>> -> memref<102400x8xf32, #tpu.memory_space<vmem_shared>>
        tpu.enqueue_indirect_dma source(%arg7 : memref<128x8xf32, #tpu.memory_space<vmem>>) target(%dma_start3A_49 : memref<102400x8xf32, #tpu.memory_space<vmem_shared>>) offsets(%dma_start3A_46 : memref<128xi32, #tpu.memory_space<vmem>>) semaphore(%arg9 : memref<!tpu.dma_semaphore, #tpu.memory_space<semaphore_mem>>) {add = true}
        %dma_start3A_50 = arith.constant 4 : i32
        %dma_start3A_51 = arith.constant 0 : i32
        %dma_start3A_52 = tpu.memref_slice %arg6[%dma_start3A_50, %dma_start3A_51] : memref<16x128xi32, #tpu.memory_space<vmem>> -> memref<1x128xi32, #tpu.memory_space<vmem>>
        %dma_start3A_53 = tpu.memref_squeeze %dma_start3A_52 : memref<1x128xi32, #tpu.memory_space<vmem>> -> memref<128xi32, #tpu.memory_space<vmem>>
        %dma_start3A_54 = arith.constant 0 : i32
        %dma_start3A_55 = arith.constant 0 : i32
        %dma_start3A_56 = tpu.memref_slice %arg8[%dma_start3A_54, %dma_start3A_55] : memref<102400x8xf32, #tpu.memory_space<vmem_shared>> -> memref<102400x8xf32, #tpu.memory_space<vmem_shared>>
        tpu.enqueue_indirect_dma source(%arg7 : memref<128x8xf32, #tpu.memory_space<vmem>>) target(%dma_start3A_56 : memref<102400x8xf32, #tpu.memory_space<vmem_shared>>) offsets(%dma_start3A_53 : memref<128xi32, #tpu.memory_space<vmem>>) semaphore(%arg9 : memref<!tpu.dma_semaphore, #tpu.memory_space<semaphore_mem>>) {add = true}
        %dma_start3A_57 = arith.constant 5 : i32
        %dma_start3A_58 = arith.constant 0 : i32
        %dma_start3A_59 = tpu.memref_slice %arg6[%dma_start3A_57, %dma_start3A_58] : memref<16x128xi32, #tpu.memory_space<vmem>> -> memref<1x128xi32, #tpu.memory_space<vmem>>
        %dma_start3A_60 = tpu.memref_squeeze %dma_start3A_59 : memref<1x128xi32, #tpu.memory_space<vmem>> -> memref<128xi32, #tpu.memory_space<vmem>>
        %dma_start3A_61 = arith.constant 0 : i32
        %dma_start3A_62 = arith.constant 0 : i32
        %dma_start3A_63 = tpu.memref_slice %arg8[%dma_start3A_61, %dma_start3A_62] : memref<102400x8xf32, #tpu.memory_space<vmem_shared>> -> memref<102400x8xf32, #tpu.memory_space<vmem_shared>>
        tpu.enqueue_indirect_dma source(%arg7 : memref<128x8xf32, #tpu.memory_space<vmem>>) target(%dma_start3A_63 : memref<102400x8xf32, #tpu.memory_space<vmem_shared>>) offsets(%dma_start3A_60 : memref<128xi32, #tpu.memory_space<vmem>>) semaphore(%arg9 : memref<!tpu.dma_semaphore, #tpu.memory_space<semaphore_mem>>) {add = true}
        %dma_start3A_64 = arith.constant 6 : i32
        %dma_start3A_65 = arith.constant 0 : i32
        %dma_start3A_66 = tpu.memref_slice %arg6[%dma_start3A_64, %dma_start3A_65] : memref<16x128xi32, #tpu.memory_space<vmem>> -> memref<1x128xi32, #tpu.memory_space<vmem>>
        %dma_start3A_67 = tpu.memref_squeeze %dma_start3A_66 : memref<1x128xi32, #tpu.memory_space<vmem>> -> memref<128xi32, #tpu.memory_space<vmem>>
        %dma_start3A_68 = arith.constant 0 : i32
        %dma_start3A_69 = arith.constant 0 : i32
        %dma_start3A_70 = tpu.memref_slice %arg8[%dma_start3A_68, %dma_start3A_69] : memref<102400x8xf32, #tpu.memory_space<vmem_shared>> -> memref<102400x8xf32, #tpu.memory_space<vmem_shared>>
        tpu.enqueue_indirect_dma source(%arg7 : memref<128x8xf32, #tpu.memory_space<vmem>>) target(%dma_start3A_70 : memref<102400x8xf32, #tpu.memory_space<vmem_shared>>) offsets(%dma_start3A_67 : memref<128xi32, #tpu.memory_space<vmem>>) semaphore(%arg9 : memref<!tpu.dma_semaphore, #tpu.memory_space<semaphore_mem>>) {add = true}
        %dma_start3A_71 = arith.constant 7 : i32
        %dma_start3A_72 = arith.constant 0 : i32
        %dma_start3A_73 = tpu.memref_slice %arg6[%dma_start3A_71, %dma_start3A_72] : memref<16x128xi32, #tpu.memory_space<vmem>> -> memref<1x128xi32, #tpu.memory_space<vmem>>
        %dma_start3A_74 = tpu.memref_squeeze %dma_start3A_73 : memref<1x128xi32, #tpu.memory_space<vmem>> -> memref<128xi32, #tpu.memory_space<vmem>>
        %dma_start3A_75 = arith.constant 0 : i32
        %dma_start3A_76 = arith.constant 0 : i32
        %dma_start3A_77 = tpu.memref_slice %arg8[%dma_start3A_75, %dma_start3A_76] : memref<102400x8xf32, #tpu.memory_space<vmem_shared>> -> memref<102400x8xf32, #tpu.memory_space<vmem_shared>>
        tpu.enqueue_indirect_dma source(%arg7 : memref<128x8xf32, #tpu.memory_space<vmem>>) target(%dma_start3A_77 : memref<102400x8xf32, #tpu.memory_space<vmem_shared>>) offsets(%dma_start3A_74 : memref<128xi32, #tpu.memory_space<vmem>>) semaphore(%arg9 : memref<!tpu.dma_semaphore, #tpu.memory_space<semaphore_mem>>) {add = true}
        %dma_start3A_78 = arith.constant 8 : i32
        %dma_start3A_79 = arith.constant 0 : i32
        %dma_start3A_80 = tpu.memref_slice %arg6[%dma_start3A_78, %dma_start3A_79] : memref<16x128xi32, #tpu.memory_space<vmem>> -> memref<1x128xi32, #tpu.memory_space<vmem>>
        %dma_start3A_81 = tpu.memref_squeeze %dma_start3A_80 : memref<1x128xi32, #tpu.memory_space<vmem>> -> memref<128xi32, #tpu.memory_space<vmem>>
        %dma_start3A_82 = arith.constant 0 : i32
        %dma_start3A_83 = arith.constant 0 : i32
        %dma_start3A_84 = tpu.memref_slice %arg8[%dma_start3A_82, %dma_start3A_83] : memref<102400x8xf32, #tpu.memory_space<vmem_shared>> -> memref<102400x8xf32, #tpu.memory_space<vmem_shared>>
        tpu.enqueue_indirect_dma source(%arg7 : memref<128x8xf32, #tpu.memory_space<vmem>>) target(%dma_start3A_84 : memref<102400x8xf32, #tpu.memory_space<vmem_shared>>) offsets(%dma_start3A_81 : memref<128xi32, #tpu.memory_space<vmem>>) semaphore(%arg9 : memref<!tpu.dma_semaphore, #tpu.memory_space<semaphore_mem>>) {add = true}
        %dma_start3A_85 = arith.constant 9 : i32
        %dma_start3A_86 = arith.constant 0 : i32
        %dma_start3A_87 = tpu.memref_slice %arg6[%dma_start3A_85, %dma_start3A_86] : memref<16x128xi32, #tpu.memory_space<vmem>> -> memref<1x128xi32, #tpu.memory_space<vmem>>
        %dma_start3A_88 = tpu.memref_squeeze %dma_start3A_87 : memref<1x128xi32, #tpu.memory_space<vmem>> -> memref<128xi32, #tpu.memory_space<vmem>>
        %dma_start3A_89 = arith.constant 0 : i32
        %dma_start3A_90 = arith.constant 0 : i32
        %dma_start3A_91 = tpu.memref_slice %arg8[%dma_start3A_89, %dma_start3A_90] : memref<102400x8xf32, #tpu.memory_space<vmem_shared>> -> memref<102400x8xf32, #tpu.memory_space<vmem_shared>>
        tpu.enqueue_indirect_dma source(%arg7 : memref<128x8xf32, #tpu.memory_space<vmem>>) target(%dma_start3A_91 : memref<102400x8xf32, #tpu.memory_space<vmem_shared>>) offsets(%dma_start3A_88 : memref<128xi32, #tpu.memory_space<vmem>>) semaphore(%arg9 : memref<!tpu.dma_semaphore, #tpu.memory_space<semaphore_mem>>) {add = true}
        %dma_start3A_92 = arith.constant 10 : i32
        %dma_start3A_93 = arith.constant 0 : i32
        %dma_start3A_94 = tpu.memref_slice %arg6[%dma_start3A_92, %dma_start3A_93] : memref<16x128xi32, #tpu.memory_space<vmem>> -> memref<1x128xi32, #tpu.memory_space<vmem>>
        %dma_start3A_95 = tpu.memref_squeeze %dma_start3A_94 : memref<1x128xi32, #tpu.memory_space<vmem>> -> memref<128xi32, #tpu.memory_space<vmem>>
        %dma_start3A_96 = arith.constant 0 : i32
        %dma_start3A_97 = arith.constant 0 : i32
        %dma_start3A_98 = tpu.memref_slice %arg8[%dma_start3A_96, %dma_start3A_97] : memref<102400x8xf32, #tpu.memory_space<vmem_shared>> -> memref<102400x8xf32, #tpu.memory_space<vmem_shared>>
        tpu.enqueue_indirect_dma source(%arg7 : memref<128x8xf32, #tpu.memory_space<vmem>>) target(%dma_start3A_98 : memref<102400x8xf32, #tpu.memory_space<vmem_shared>>) offsets(%dma_start3A_95 : memref<128xi32, #tpu.memory_space<vmem>>) semaphore(%arg9 : memref<!tpu.dma_semaphore, #tpu.memory_space<semaphore_mem>>) {add = true}
        %dma_start3A_99 = arith.constant 11 : i32
        %dma_start3A_100 = arith.constant 0 : i32
        %dma_start3A_101 = tpu.memref_slice %arg6[%dma_start3A_99, %dma_start3A_100] : memref<16x128xi32, #tpu.memory_space<vmem>> -> memref<1x128xi32, #tpu.memory_space<vmem>>
        %dma_start3A_102 = tpu.memref_squeeze %dma_start3A_101 : memref<1x128xi32, #tpu.memory_space<vmem>> -> memref<128xi32, #tpu.memory_space<vmem>>
        %dma_start3A_103 = arith.constant 0 : i32
        %dma_start3A_104 = arith.constant 0 : i32
        %dma_start3A_105 = tpu.memref_slice %arg8[%dma_start3A_103, %dma_start3A_104] : memref<102400x8xf32, #tpu.memory_space<vmem_shared>> -> memref<102400x8xf32, #tpu.memory_space<vmem_shared>>
        tpu.enqueue_indirect_dma source(%arg7 : memref<128x8xf32, #tpu.memory_space<vmem>>) target(%dma_start3A_105 : memref<102400x8xf32, #tpu.memory_space<vmem_shared>>) offsets(%dma_start3A_102 : memref<128xi32, #tpu.memory_space<vmem>>) semaphore(%arg9 : memref<!tpu.dma_semaphore, #tpu.memory_space<semaphore_mem>>) {add = true}
        %dma_start3A_106 = arith.constant 12 : i32
        %dma_start3A_107 = arith.constant 0 : i32
        %dma_start3A_108 = tpu.memref_slice %arg6[%dma_start3A_106, %dma_start3A_107] : memref<16x128xi32, #tpu.memory_space<vmem>> -> memref<1x128xi32, #tpu.memory_space<vmem>>
        %dma_start3A_109 = tpu.memref_squeeze %dma_start3A_108 : memref<1x128xi32, #tpu.memory_space<vmem>> -> memref<128xi32, #tpu.memory_space<vmem>>
        %dma_start3A_110 = arith.constant 0 : i32
        %dma_start3A_111 = arith.constant 0 : i32
        %dma_start3A_112 = tpu.memref_slice %arg8[%dma_start3A_110, %dma_start3A_111] : memref<102400x8xf32, #tpu.memory_space<vmem_shared>> -> memref<102400x8xf32, #tpu.memory_space<vmem_shared>>
        tpu.enqueue_indirect_dma source(%arg7 : memref<128x8xf32, #tpu.memory_space<vmem>>) target(%dma_start3A_112 : memref<102400x8xf32, #tpu.memory_space<vmem_shared>>) offsets(%dma_start3A_109 : memref<128xi32, #tpu.memory_space<vmem>>) semaphore(%arg9 : memref<!tpu.dma_semaphore, #tpu.memory_space<semaphore_mem>>) {add = true}
        %dma_start3A_113 = arith.constant 13 : i32
        %dma_start3A_114 = arith.constant 0 : i32
        %dma_start3A_115 = tpu.memref_slice %arg6[%dma_start3A_113, %dma_start3A_114] : memref<16x128xi32, #tpu.memory_space<vmem>> -> memref<1x128xi32, #tpu.memory_space<vmem>>
        %dma_start3A_116 = tpu.memref_squeeze %dma_start3A_115 : memref<1x128xi32, #tpu.memory_space<vmem>> -> memref<128xi32, #tpu.memory_space<vmem>>
        %dma_start3A_117 = arith.constant 0 : i32
        %dma_start3A_118 = arith.constant 0 : i32
        %dma_start3A_119 = tpu.memref_slice %arg8[%dma_start3A_117, %dma_start3A_118] : memref<102400x8xf32, #tpu.memory_space<vmem_shared>> -> memref<102400x8xf32, #tpu.memory_space<vmem_shared>>
        tpu.enqueue_indirect_dma source(%arg7 : memref<128x8xf32, #tpu.memory_space<vmem>>) target(%dma_start3A_119 : memref<102400x8xf32, #tpu.memory_space<vmem_shared>>) offsets(%dma_start3A_116 : memref<128xi32, #tpu.memory_space<vmem>>) semaphore(%arg9 : memref<!tpu.dma_semaphore, #tpu.memory_space<semaphore_mem>>) {add = true}
        %dma_start3A_120 = arith.constant 14 : i32
        %dma_start3A_121 = arith.constant 0 : i32
        %dma_start3A_122 = tpu.memref_slice %arg6[%dma_start3A_120, %dma_start3A_121] : memref<16x128xi32, #tpu.memory_space<vmem>> -> memref<1x128xi32, #tpu.memory_space<vmem>>
        %dma_start3A_123 = tpu.memref_squeeze %dma_start3A_122 : memref<1x128xi32, #tpu.memory_space<vmem>> -> memref<128xi32, #tpu.memory_space<vmem>>
        %dma_start3A_124 = arith.constant 0 : i32
        %dma_start3A_125 = arith.constant 0 : i32
        %dma_start3A_126 = tpu.memref_slice %arg8[%dma_start3A_124, %dma_start3A_125] : memref<102400x8xf32, #tpu.memory_space<vmem_shared>> -> memref<102400x8xf32, #tpu.memory_space<vmem_shared>>
        tpu.enqueue_indirect_dma source(%arg7 : memref<128x8xf32, #tpu.memory_space<vmem>>) target(%dma_start3A_126 : memref<102400x8xf32, #tpu.memory_space<vmem_shared>>) offsets(%dma_start3A_123 : memref<128xi32, #tpu.memory_space<vmem>>) semaphore(%arg9 : memref<!tpu.dma_semaphore, #tpu.memory_space<semaphore_mem>>) {add = true}
        %dma_start3A_127 = arith.constant 15 : i32
        %dma_start3A_128 = arith.constant 0 : i32
        %dma_start3A_129 = tpu.memref_slice %arg6[%dma_start3A_127, %dma_start3A_128] : memref<16x128xi32, #tpu.memory_space<vmem>> -> memref<1x128xi32, #tpu.memory_space<vmem>>
        %dma_start3A_130 = tpu.memref_squeeze %dma_start3A_129 : memref<1x128xi32, #tpu.memory_space<vmem>> -> memref<128xi32, #tpu.memory_space<vmem>>
        %dma_start3A_131 = arith.constant 0 : i32
        %dma_start3A_132 = arith.constant 0 : i32
        %dma_start3A_133 = tpu.memref_slice %arg8[%dma_start3A_131, %dma_start3A_132] : memref<102400x8xf32, #tpu.memory_space<vmem_shared>> -> memref<102400x8xf32, #tpu.memory_space<vmem_shared>>
        tpu.enqueue_indirect_dma source(%arg7 : memref<128x8xf32, #tpu.memory_space<vmem>>) target(%dma_start3A_133 : memref<102400x8xf32, #tpu.memory_space<vmem_shared>>) offsets(%dma_start3A_130 : memref<128xi32, #tpu.memory_space<vmem>>) semaphore(%arg9 : memref<!tpu.dma_semaphore, #tpu.memory_space<semaphore_mem>>) {add = true}
        %dma_wait3A = arith.constant 0 : i32
        %dma_wait3A_134 = arith.constant 0 : i32
        %dma_wait3A_135 = tpu.memref_slice %arg6[%dma_wait3A, %dma_wait3A_134] : memref<16x128xi32, #tpu.memory_space<vmem>> -> memref<1x128xi32, #tpu.memory_space<vmem>>
        %dma_wait3A_136 = tpu.memref_squeeze %dma_wait3A_135 : memref<1x128xi32, #tpu.memory_space<vmem>> -> memref<128xi32, #tpu.memory_space<vmem>>
        %dma_wait3A_137 = arith.constant 0 : i32
        %dma_wait3A_138 = arith.constant 0 : i32
        %dma_wait3A_139 = tpu.memref_slice %arg8[%dma_wait3A_137, %dma_wait3A_138] : memref<102400x8xf32, #tpu.memory_space<vmem_shared>> -> memref<102400x8xf32, #tpu.memory_space<vmem_shared>>
        tpu.wait_indirect_dma semaphore(%arg9 : memref<!tpu.dma_semaphore, #tpu.memory_space<semaphore_mem>>) src(%arg7 : memref<128x8xf32, #tpu.memory_space<vmem>>) dst(%dma_wait3A_139 : memref<102400x8xf32, #tpu.memory_space<vmem_shared>>)
        %dma_wait3A_140 = arith.constant 1 : i32
        %dma_wait3A_141 = arith.constant 0 : i32
        %dma_wait3A_142 = tpu.memref_slice %arg6[%dma_wait3A_140, %dma_wait3A_141] : memref<16x128xi32, #tpu.memory_space<vmem>> -> memref<1x128xi32, #tpu.memory_space<vmem>>
        %dma_wait3A_143 = tpu.memref_squeeze %dma_wait3A_142 : memref<1x128xi32, #tpu.memory_space<vmem>> -> memref<128xi32, #tpu.memory_space<vmem>>
        %dma_wait3A_144 = arith.constant 0 : i32
        %dma_wait3A_145 = arith.constant 0 : i32
        %dma_wait3A_146 = tpu.memref_slice %arg8[%dma_wait3A_144, %dma_wait3A_145] : memref<102400x8xf32, #tpu.memory_space<vmem_shared>> -> memref<102400x8xf32, #tpu.memory_space<vmem_shared>>
        tpu.wait_indirect_dma semaphore(%arg9 : memref<!tpu.dma_semaphore, #tpu.memory_space<semaphore_mem>>) src(%arg7 : memref<128x8xf32, #tpu.memory_space<vmem>>) dst(%dma_wait3A_146 : memref<102400x8xf32, #tpu.memory_space<vmem_shared>>)
        %dma_wait3A_147 = arith.constant 2 : i32
        %dma_wait3A_148 = arith.constant 0 : i32
        %dma_wait3A_149 = tpu.memref_slice %arg6[%dma_wait3A_147, %dma_wait3A_148] : memref<16x128xi32, #tpu.memory_space<vmem>> -> memref<1x128xi32, #tpu.memory_space<vmem>>
        %dma_wait3A_150 = tpu.memref_squeeze %dma_wait3A_149 : memref<1x128xi32, #tpu.memory_space<vmem>> -> memref<128xi32, #tpu.memory_space<vmem>>
        %dma_wait3A_151 = arith.constant 0 : i32
        %dma_wait3A_152 = arith.constant 0 : i32
        %dma_wait3A_153 = tpu.memref_slice %arg8[%dma_wait3A_151, %dma_wait3A_152] : memref<102400x8xf32, #tpu.memory_space<vmem_shared>> -> memref<102400x8xf32, #tpu.memory_space<vmem_shared>>
        tpu.wait_indirect_dma semaphore(%arg9 : memref<!tpu.dma_semaphore, #tpu.memory_space<semaphore_mem>>) src(%arg7 : memref<128x8xf32, #tpu.memory_space<vmem>>) dst(%dma_wait3A_153 : memref<102400x8xf32, #tpu.memory_space<vmem_shared>>)
        %dma_wait3A_154 = arith.constant 3 : i32
        %dma_wait3A_155 = arith.constant 0 : i32
        %dma_wait3A_156 = tpu.memref_slice %arg6[%dma_wait3A_154, %dma_wait3A_155] : memref<16x128xi32, #tpu.memory_space<vmem>> -> memref<1x128xi32, #tpu.memory_space<vmem>>
        %dma_wait3A_157 = tpu.memref_squeeze %dma_wait3A_156 : memref<1x128xi32, #tpu.memory_space<vmem>> -> memref<128xi32, #tpu.memory_space<vmem>>
        %dma_wait3A_158 = arith.constant 0 : i32
        %dma_wait3A_159 = arith.constant 0 : i32
        %dma_wait3A_160 = tpu.memref_slice %arg8[%dma_wait3A_158, %dma_wait3A_159] : memref<102400x8xf32, #tpu.memory_space<vmem_shared>> -> memref<102400x8xf32, #tpu.memory_space<vmem_shared>>
        tpu.wait_indirect_dma semaphore(%arg9 : memref<!tpu.dma_semaphore, #tpu.memory_space<semaphore_mem>>) src(%arg7 : memref<128x8xf32, #tpu.memory_space<vmem>>) dst(%dma_wait3A_160 : memref<102400x8xf32, #tpu.memory_space<vmem_shared>>)
        %dma_wait3A_161 = arith.constant 4 : i32
        %dma_wait3A_162 = arith.constant 0 : i32
        %dma_wait3A_163 = tpu.memref_slice %arg6[%dma_wait3A_161, %dma_wait3A_162] : memref<16x128xi32, #tpu.memory_space<vmem>> -> memref<1x128xi32, #tpu.memory_space<vmem>>
        %dma_wait3A_164 = tpu.memref_squeeze %dma_wait3A_163 : memref<1x128xi32, #tpu.memory_space<vmem>> -> memref<128xi32, #tpu.memory_space<vmem>>
        %dma_wait3A_165 = arith.constant 0 : i32
        %dma_wait3A_166 = arith.constant 0 : i32
        %dma_wait3A_167 = tpu.memref_slice %arg8[%dma_wait3A_165, %dma_wait3A_166] : memref<102400x8xf32, #tpu.memory_space<vmem_shared>> -> memref<102400x8xf32, #tpu.memory_space<vmem_shared>>
        tpu.wait_indirect_dma semaphore(%arg9 : memref<!tpu.dma_semaphore, #tpu.memory_space<semaphore_mem>>) src(%arg7 : memref<128x8xf32, #tpu.memory_space<vmem>>) dst(%dma_wait3A_167 : memref<102400x8xf32, #tpu.memory_space<vmem_shared>>)
        %dma_wait3A_168 = arith.constant 5 : i32
        %dma_wait3A_169 = arith.constant 0 : i32
        %dma_wait3A_170 = tpu.memref_slice %arg6[%dma_wait3A_168, %dma_wait3A_169] : memref<16x128xi32, #tpu.memory_space<vmem>> -> memref<1x128xi32, #tpu.memory_space<vmem>>
        %dma_wait3A_171 = tpu.memref_squeeze %dma_wait3A_170 : memref<1x128xi32, #tpu.memory_space<vmem>> -> memref<128xi32, #tpu.memory_space<vmem>>
        %dma_wait3A_172 = arith.constant 0 : i32
        %dma_wait3A_173 = arith.constant 0 : i32
        %dma_wait3A_174 = tpu.memref_slice %arg8[%dma_wait3A_172, %dma_wait3A_173] : memref<102400x8xf32, #tpu.memory_space<vmem_shared>> -> memref<102400x8xf32, #tpu.memory_space<vmem_shared>>
        tpu.wait_indirect_dma semaphore(%arg9 : memref<!tpu.dma_semaphore, #tpu.memory_space<semaphore_mem>>) src(%arg7 : memref<128x8xf32, #tpu.memory_space<vmem>>) dst(%dma_wait3A_174 : memref<102400x8xf32, #tpu.memory_space<vmem_shared>>)
        %dma_wait3A_175 = arith.constant 6 : i32
        %dma_wait3A_176 = arith.constant 0 : i32
        %dma_wait3A_177 = tpu.memref_slice %arg6[%dma_wait3A_175, %dma_wait3A_176] : memref<16x128xi32, #tpu.memory_space<vmem>> -> memref<1x128xi32, #tpu.memory_space<vmem>>
        %dma_wait3A_178 = tpu.memref_squeeze %dma_wait3A_177 : memref<1x128xi32, #tpu.memory_space<vmem>> -> memref<128xi32, #tpu.memory_space<vmem>>
        %dma_wait3A_179 = arith.constant 0 : i32
        %dma_wait3A_180 = arith.constant 0 : i32
        %dma_wait3A_181 = tpu.memref_slice %arg8[%dma_wait3A_179, %dma_wait3A_180] : memref<102400x8xf32, #tpu.memory_space<vmem_shared>> -> memref<102400x8xf32, #tpu.memory_space<vmem_shared>>
        tpu.wait_indirect_dma semaphore(%arg9 : memref<!tpu.dma_semaphore, #tpu.memory_space<semaphore_mem>>) src(%arg7 : memref<128x8xf32, #tpu.memory_space<vmem>>) dst(%dma_wait3A_181 : memref<102400x8xf32, #tpu.memory_space<vmem_shared>>)
        %dma_wait3A_182 = arith.constant 7 : i32
        %dma_wait3A_183 = arith.constant 0 : i32
        %dma_wait3A_184 = tpu.memref_slice %arg6[%dma_wait3A_182, %dma_wait3A_183] : memref<16x128xi32, #tpu.memory_space<vmem>> -> memref<1x128xi32, #tpu.memory_space<vmem>>
        %dma_wait3A_185 = tpu.memref_squeeze %dma_wait3A_184 : memref<1x128xi32, #tpu.memory_space<vmem>> -> memref<128xi32, #tpu.memory_space<vmem>>
        %dma_wait3A_186 = arith.constant 0 : i32
        %dma_wait3A_187 = arith.constant 0 : i32
        %dma_wait3A_188 = tpu.memref_slice %arg8[%dma_wait3A_186, %dma_wait3A_187] : memref<102400x8xf32, #tpu.memory_space<vmem_shared>> -> memref<102400x8xf32, #tpu.memory_space<vmem_shared>>
        tpu.wait_indirect_dma semaphore(%arg9 : memref<!tpu.dma_semaphore, #tpu.memory_space<semaphore_mem>>) src(%arg7 : memref<128x8xf32, #tpu.memory_space<vmem>>) dst(%dma_wait3A_188 : memref<102400x8xf32, #tpu.memory_space<vmem_shared>>)
        %dma_wait3A_189 = arith.constant 8 : i32
        %dma_wait3A_190 = arith.constant 0 : i32
        %dma_wait3A_191 = tpu.memref_slice %arg6[%dma_wait3A_189, %dma_wait3A_190] : memref<16x128xi32, #tpu.memory_space<vmem>> -> memref<1x128xi32, #tpu.memory_space<vmem>>
        %dma_wait3A_192 = tpu.memref_squeeze %dma_wait3A_191 : memref<1x128xi32, #tpu.memory_space<vmem>> -> memref<128xi32, #tpu.memory_space<vmem>>
        %dma_wait3A_193 = arith.constant 0 : i32
        %dma_wait3A_194 = arith.constant 0 : i32
        %dma_wait3A_195 = tpu.memref_slice %arg8[%dma_wait3A_193, %dma_wait3A_194] : memref<102400x8xf32, #tpu.memory_space<vmem_shared>> -> memref<102400x8xf32, #tpu.memory_space<vmem_shared>>
        tpu.wait_indirect_dma semaphore(%arg9 : memref<!tpu.dma_semaphore, #tpu.memory_space<semaphore_mem>>) src(%arg7 : memref<128x8xf32, #tpu.memory_space<vmem>>) dst(%dma_wait3A_195 : memref<102400x8xf32, #tpu.memory_space<vmem_shared>>)
        %dma_wait3A_196 = arith.constant 9 : i32
        %dma_wait3A_197 = arith.constant 0 : i32
        %dma_wait3A_198 = tpu.memref_slice %arg6[%dma_wait3A_196, %dma_wait3A_197] : memref<16x128xi32, #tpu.memory_space<vmem>> -> memref<1x128xi32, #tpu.memory_space<vmem>>
        %dma_wait3A_199 = tpu.memref_squeeze %dma_wait3A_198 : memref<1x128xi32, #tpu.memory_space<vmem>> -> memref<128xi32, #tpu.memory_space<vmem>>
        %dma_wait3A_200 = arith.constant 0 : i32
        %dma_wait3A_201 = arith.constant 0 : i32
        %dma_wait3A_202 = tpu.memref_slice %arg8[%dma_wait3A_200, %dma_wait3A_201] : memref<102400x8xf32, #tpu.memory_space<vmem_shared>> -> memref<102400x8xf32, #tpu.memory_space<vmem_shared>>
        tpu.wait_indirect_dma semaphore(%arg9 : memref<!tpu.dma_semaphore, #tpu.memory_space<semaphore_mem>>) src(%arg7 : memref<128x8xf32, #tpu.memory_space<vmem>>) dst(%dma_wait3A_202 : memref<102400x8xf32, #tpu.memory_space<vmem_shared>>)
        %dma_wait3A_203 = arith.constant 10 : i32
        %dma_wait3A_204 = arith.constant 0 : i32
        %dma_wait3A_205 = tpu.memref_slice %arg6[%dma_wait3A_203, %dma_wait3A_204] : memref<16x128xi32, #tpu.memory_space<vmem>> -> memref<1x128xi32, #tpu.memory_space<vmem>>
        %dma_wait3A_206 = tpu.memref_squeeze %dma_wait3A_205 : memref<1x128xi32, #tpu.memory_space<vmem>> -> memref<128xi32, #tpu.memory_space<vmem>>
        %dma_wait3A_207 = arith.constant 0 : i32
        %dma_wait3A_208 = arith.constant 0 : i32
        %dma_wait3A_209 = tpu.memref_slice %arg8[%dma_wait3A_207, %dma_wait3A_208] : memref<102400x8xf32, #tpu.memory_space<vmem_shared>> -> memref<102400x8xf32, #tpu.memory_space<vmem_shared>>
        tpu.wait_indirect_dma semaphore(%arg9 : memref<!tpu.dma_semaphore, #tpu.memory_space<semaphore_mem>>) src(%arg7 : memref<128x8xf32, #tpu.memory_space<vmem>>) dst(%dma_wait3A_209 : memref<102400x8xf32, #tpu.memory_space<vmem_shared>>)
        %dma_wait3A_210 = arith.constant 11 : i32
        %dma_wait3A_211 = arith.constant 0 : i32
        %dma_wait3A_212 = tpu.memref_slice %arg6[%dma_wait3A_210, %dma_wait3A_211] : memref<16x128xi32, #tpu.memory_space<vmem>> -> memref<1x128xi32, #tpu.memory_space<vmem>>
        %dma_wait3A_213 = tpu.memref_squeeze %dma_wait3A_212 : memref<1x128xi32, #tpu.memory_space<vmem>> -> memref<128xi32, #tpu.memory_space<vmem>>
        %dma_wait3A_214 = arith.constant 0 : i32
        %dma_wait3A_215 = arith.constant 0 : i32
        %dma_wait3A_216 = tpu.memref_slice %arg8[%dma_wait3A_214, %dma_wait3A_215] : memref<102400x8xf32, #tpu.memory_space<vmem_shared>> -> memref<102400x8xf32, #tpu.memory_space<vmem_shared>>
        tpu.wait_indirect_dma semaphore(%arg9 : memref<!tpu.dma_semaphore, #tpu.memory_space<semaphore_mem>>) src(%arg7 : memref<128x8xf32, #tpu.memory_space<vmem>>) dst(%dma_wait3A_216 : memref<102400x8xf32, #tpu.memory_space<vmem_shared>>)
        %dma_wait3A_217 = arith.constant 12 : i32
        %dma_wait3A_218 = arith.constant 0 : i32
        %dma_wait3A_219 = tpu.memref_slice %arg6[%dma_wait3A_217, %dma_wait3A_218] : memref<16x128xi32, #tpu.memory_space<vmem>> -> memref<1x128xi32, #tpu.memory_space<vmem>>
        %dma_wait3A_220 = tpu.memref_squeeze %dma_wait3A_219 : memref<1x128xi32, #tpu.memory_space<vmem>> -> memref<128xi32, #tpu.memory_space<vmem>>
        %dma_wait3A_221 = arith.constant 0 : i32
        %dma_wait3A_222 = arith.constant 0 : i32
        %dma_wait3A_223 = tpu.memref_slice %arg8[%dma_wait3A_221, %dma_wait3A_222] : memref<102400x8xf32, #tpu.memory_space<vmem_shared>> -> memref<102400x8xf32, #tpu.memory_space<vmem_shared>>
        tpu.wait_indirect_dma semaphore(%arg9 : memref<!tpu.dma_semaphore, #tpu.memory_space<semaphore_mem>>) src(%arg7 : memref<128x8xf32, #tpu.memory_space<vmem>>) dst(%dma_wait3A_223 : memref<102400x8xf32, #tpu.memory_space<vmem_shared>>)
        %dma_wait3A_224 = arith.constant 13 : i32
        %dma_wait3A_225 = arith.constant 0 : i32
        %dma_wait3A_226 = tpu.memref_slice %arg6[%dma_wait3A_224, %dma_wait3A_225] : memref<16x128xi32, #tpu.memory_space<vmem>> -> memref<1x128xi32, #tpu.memory_space<vmem>>
        %dma_wait3A_227 = tpu.memref_squeeze %dma_wait3A_226 : memref<1x128xi32, #tpu.memory_space<vmem>> -> memref<128xi32, #tpu.memory_space<vmem>>
        %dma_wait3A_228 = arith.constant 0 : i32
        %dma_wait3A_229 = arith.constant 0 : i32
        %dma_wait3A_230 = tpu.memref_slice %arg8[%dma_wait3A_228, %dma_wait3A_229] : memref<102400x8xf32, #tpu.memory_space<vmem_shared>> -> memref<102400x8xf32, #tpu.memory_space<vmem_shared>>
        tpu.wait_indirect_dma semaphore(%arg9 : memref<!tpu.dma_semaphore, #tpu.memory_space<semaphore_mem>>) src(%arg7 : memref<128x8xf32, #tpu.memory_space<vmem>>) dst(%dma_wait3A_230 : memref<102400x8xf32, #tpu.memory_space<vmem_shared>>)
        %dma_wait3A_231 = arith.constant 14 : i32
        %dma_wait3A_232 = arith.constant 0 : i32
        %dma_wait3A_233 = tpu.memref_slice %arg6[%dma_wait3A_231, %dma_wait3A_232] : memref<16x128xi32, #tpu.memory_space<vmem>> -> memref<1x128xi32, #tpu.memory_space<vmem>>
        %dma_wait3A_234 = tpu.memref_squeeze %dma_wait3A_233 : memref<1x128xi32, #tpu.memory_space<vmem>> -> memref<128xi32, #tpu.memory_space<vmem>>
        %dma_wait3A_235 = arith.constant 0 : i32
        %dma_wait3A_236 = arith.constant 0 : i32
        %dma_wait3A_237 = tpu.memref_slice %arg8[%dma_wait3A_235, %dma_wait3A_236] : memref<102400x8xf32, #tpu.memory_space<vmem_shared>> -> memref<102400x8xf32, #tpu.memory_space<vmem_shared>>
        tpu.wait_indirect_dma semaphore(%arg9 : memref<!tpu.dma_semaphore, #tpu.memory_space<semaphore_mem>>) src(%arg7 : memref<128x8xf32, #tpu.memory_space<vmem>>) dst(%dma_wait3A_237 : memref<102400x8xf32, #tpu.memory_space<vmem_shared>>)
        %dma_wait3A_238 = arith.constant 15 : i32
        %dma_wait3A_239 = arith.constant 0 : i32
        %dma_wait3A_240 = tpu.memref_slice %arg6[%dma_wait3A_238, %dma_wait3A_239] : memref<16x128xi32, #tpu.memory_space<vmem>> -> memref<1x128xi32, #tpu.memory_space<vmem>>
        %dma_wait3A_241 = tpu.memref_squeeze %dma_wait3A_240 : memref<1x128xi32, #tpu.memory_space<vmem>> -> memref<128xi32, #tpu.memory_space<vmem>>
        %dma_wait3A_242 = arith.constant 0 : i32
        %dma_wait3A_243 = arith.constant 0 : i32
        %dma_wait3A_244 = tpu.memref_slice %arg8[%dma_wait3A_242, %dma_wait3A_243] : memref<102400x8xf32, #tpu.memory_space<vmem_shared>> -> memref<102400x8xf32, #tpu.memory_space<vmem_shared>>
        tpu.wait_indirect_dma semaphore(%arg9 : memref<!tpu.dma_semaphore, #tpu.memory_space<semaphore_mem>>) src(%arg7 : memref<128x8xf32, #tpu.memory_space<vmem>>) dst(%dma_wait3A_244 : memref<102400x8xf32, #tpu.memory_space<vmem_shared>>)
      } else {
      }
    }
    %scan3A_7 = arith.constant 98 : i32
    %barrier3A_8 = arith.constant 0 : index
    tpu.barrier barrier_id(%barrier3A_8)
    %mul3A_9 = arith.constant 6400 : i32
    %mul3A_10 = arith.muli %arg1, %mul3A_9 : i32
    %mul3A_11 = arith.constant 6400 : i32
    %mul3A_12 = arith.muli %arg1, %mul3A_11 : i32
    "tpu.region"() ({
      %run_scoped3A = tpu.sem_alloc : memref<!tpu.dma_semaphore, #tpu.memory_space<semaphore_mem>>
      %dma_start3A = arith.constant 0 : i32
      %dma_start3A_13 = tpu.memref_slice %arg5[%arg0, %mul3A_12, %dma_start3A] : memref<2x102400x8xf32, #tpu.memory_space<hbm>> -> memref<1x6400x8xf32, #tpu.memory_space<hbm>>
      %dma_start3A_14 = tpu.memref_squeeze %dma_start3A_13 : memref<1x6400x8xf32, #tpu.memory_space<hbm>> -> memref<6400x8xf32, #tpu.memory_space<hbm>>
      %dma_start3A_15 = arith.constant 0 : i32
      %dma_start3A_16 = tpu.memref_slice %arg8[%mul3A_10, %dma_start3A_15] : memref<102400x8xf32, #tpu.memory_space<vmem_shared>> -> memref<6400x8xf32, #tpu.memory_space<vmem_shared>>
      tpu.enqueue_dma source(%dma_start3A_16 : memref<6400x8xf32, #tpu.memory_space<vmem_shared>>) target(%dma_start3A_14 : memref<6400x8xf32, #tpu.memory_space<hbm>>) target_semaphore(%run_scoped3A : memref<!tpu.dma_semaphore, #tpu.memory_space<semaphore_mem>>)
      %dma_wait3A = arith.constant 0 : i32
      %dma_wait3A_17 = tpu.memref_slice %arg5[%arg0, %mul3A_12, %dma_wait3A] : memref<2x102400x8xf32, #tpu.memory_space<hbm>> -> memref<1x6400x8xf32, #tpu.memory_space<hbm>>
      %dma_wait3A_18 = tpu.memref_squeeze %dma_wait3A_17 : memref<1x6400x8xf32, #tpu.memory_space<hbm>> -> memref<6400x8xf32, #tpu.memory_space<hbm>>
      %dma_wait3A_19 = arith.constant 0 : i32
      %dma_wait3A_20 = tpu.memref_slice %arg8[%mul3A_10, %dma_wait3A_19] : memref<102400x8xf32, #tpu.memory_space<vmem_shared>> -> memref<6400x8xf32, #tpu.memory_space<vmem_shared>>
      tpu.wait_dma2 semaphore(%run_scoped3A : memref<!tpu.dma_semaphore, #tpu.memory_space<semaphore_mem>>) src(%dma_wait3A_20 : memref<6400x8xf32, #tpu.memory_space<vmem_shared>>) dst(%dma_wait3A_18 : memref<6400x8xf32, #tpu.memory_space<hbm>>)
      tpu.yield
    }) : () -> ()
    return
  }
}

module attributes {stable_mosaic.version = 14 : i64} {
  func.func @_tc_normalize_body(%arg0: i32, %arg1: memref<2x4096x8xf32, #tpu.memory_space<vmem>>, %arg2: memref<4096x6xf32, #tpu.memory_space<vmem>>, %arg3: memref<6x8xf32, #tpu.memory_space<vmem>>, %arg4: memref<4096x8xf32, #tpu.memory_space<vmem>>) attributes {dimension_semantics = [#tpu.dimension_semantics<arbitrary>], iteration_bounds = array<i64: 25>, scalar_prefetch = 0 : i64, scratch_operands = 0 : i64, tpu.core_type = #tpu.core_type<tc>, window_params = [{transform_indices = @transform_0, window_bounds = array<i64: 2, 4096, 8>}, {transform_indices = @transform_1, window_bounds = array<i64: 4096, 6>}, {pipeline_mode = #tpu.pipeline_mode<synchronous>, transform_indices = @transform_2, window_bounds = array<i64: 6, 8>}, {transform_indices = @transform_3, window_bounds = array<i64: 4096, 8>}]} {
    %get3A = arith.constant 0 : index
    %get3A_0 = arith.constant 0 : index
    %get3A_1 = arith.constant 0 : index
    %get3A_2 = vector.load %arg1[%get3A, %get3A_0, %get3A_1] : memref<2x4096x8xf32, #tpu.memory_space<vmem>>, vector<1x4096x8xf32>
    %get3A_3 = vector.shape_cast %get3A_2 : vector<1x4096x8xf32> to vector<4096x8xf32>
    %get3A_4 = arith.constant 1 : index
    %get3A_5 = arith.constant 0 : index
    %get3A_6 = arith.constant 0 : index
    %get3A_7 = vector.load %arg1[%get3A_4, %get3A_5, %get3A_6] : memref<2x4096x8xf32, #tpu.memory_space<vmem>>, vector<1x4096x8xf32>
    %get3A_8 = vector.shape_cast %get3A_7 : vector<1x4096x8xf32> to vector<4096x8xf32>
    %add3A = arith.addf %get3A_3, %get3A_8 : vector<4096x8xf32>
    %add3A_9 = arith.constant 1.000000e+00 : f32
    %add3A_10 = vector.broadcast %add3A_9 : f32 to vector<4096x8xf32>
    %add3A_11 = arith.addf %add3A, %add3A_10 : vector<4096x8xf32>
    %rsqrt3A = math.rsqrt %add3A_11 : vector<4096x8xf32>
    %get3A_12 = arith.constant 0 : index
    %get3A_13 = arith.constant 0 : index
    %get3A_14 = vector.load %arg2[%get3A_12, %get3A_13] : memref<4096x6xf32, #tpu.memory_space<vmem>>, vector<4096x6xf32>
    %get3A_15 = arith.constant 0 : index
    %get3A_16 = arith.constant 0 : index
    %get3A_17 = vector.load %arg3[%get3A_15, %get3A_16] : memref<6x8xf32, #tpu.memory_space<vmem>>, vector<6x8xf32>
    %slice3A = vector.extract_strided_slice %get3A_14 {offsets = [0, 0], sizes = [4096, 1], strides = [1, 1]} : vector<4096x6xf32> to vector<4096x1xf32>
    %slice3A_18 = vector.extract_strided_slice %get3A_17 {offsets = [0, 0], sizes = [1, 8], strides = [1, 1]} : vector<6x8xf32> to vector<1x8xf32>
    %mul3A = vector.broadcast %slice3A : vector<4096x1xf32> to vector<4096x8xf32>
    %mul3A_19 = vector.broadcast %slice3A_18 : vector<1x8xf32> to vector<4096x8xf32>
    %mul3A_20 = arith.mulf %mul3A, %mul3A_19 : vector<4096x8xf32>
    %slice3A_21 = vector.extract_strided_slice %get3A_14 {offsets = [0, 1], sizes = [4096, 1], strides = [1, 1]} : vector<4096x6xf32> to vector<4096x1xf32>
    %slice3A_22 = vector.extract_strided_slice %get3A_17 {offsets = [1, 0], sizes = [1, 8], strides = [1, 1]} : vector<6x8xf32> to vector<1x8xf32>
    %mul3A_23 = vector.broadcast %slice3A_21 : vector<4096x1xf32> to vector<4096x8xf32>
    %mul3A_24 = vector.broadcast %slice3A_22 : vector<1x8xf32> to vector<4096x8xf32>
    %mul3A_25 = arith.mulf %mul3A_23, %mul3A_24 : vector<4096x8xf32>
    %add3A_26 = arith.addf %mul3A_20, %mul3A_25 : vector<4096x8xf32>
    %slice3A_27 = vector.extract_strided_slice %get3A_14 {offsets = [0, 2], sizes = [4096, 1], strides = [1, 1]} : vector<4096x6xf32> to vector<4096x1xf32>
    %slice3A_28 = vector.extract_strided_slice %get3A_17 {offsets = [2, 0], sizes = [1, 8], strides = [1, 1]} : vector<6x8xf32> to vector<1x8xf32>
    %mul3A_29 = vector.broadcast %slice3A_27 : vector<4096x1xf32> to vector<4096x8xf32>
    %mul3A_30 = vector.broadcast %slice3A_28 : vector<1x8xf32> to vector<4096x8xf32>
    %mul3A_31 = arith.mulf %mul3A_29, %mul3A_30 : vector<4096x8xf32>
    %add3A_32 = arith.addf %add3A_26, %mul3A_31 : vector<4096x8xf32>
    %slice3A_33 = vector.extract_strided_slice %get3A_14 {offsets = [0, 3], sizes = [4096, 1], strides = [1, 1]} : vector<4096x6xf32> to vector<4096x1xf32>
    %slice3A_34 = vector.extract_strided_slice %get3A_17 {offsets = [3, 0], sizes = [1, 8], strides = [1, 1]} : vector<6x8xf32> to vector<1x8xf32>
    %mul3A_35 = vector.broadcast %slice3A_33 : vector<4096x1xf32> to vector<4096x8xf32>
    %mul3A_36 = vector.broadcast %slice3A_34 : vector<1x8xf32> to vector<4096x8xf32>
    %mul3A_37 = arith.mulf %mul3A_35, %mul3A_36 : vector<4096x8xf32>
    %add3A_38 = arith.addf %add3A_32, %mul3A_37 : vector<4096x8xf32>
    %slice3A_39 = vector.extract_strided_slice %get3A_14 {offsets = [0, 4], sizes = [4096, 1], strides = [1, 1]} : vector<4096x6xf32> to vector<4096x1xf32>
    %slice3A_40 = vector.extract_strided_slice %get3A_17 {offsets = [4, 0], sizes = [1, 8], strides = [1, 1]} : vector<6x8xf32> to vector<1x8xf32>
    %mul3A_41 = vector.broadcast %slice3A_39 : vector<4096x1xf32> to vector<4096x8xf32>
    %mul3A_42 = vector.broadcast %slice3A_40 : vector<1x8xf32> to vector<4096x8xf32>
    %mul3A_43 = arith.mulf %mul3A_41, %mul3A_42 : vector<4096x8xf32>
    %add3A_44 = arith.addf %add3A_38, %mul3A_43 : vector<4096x8xf32>
    %slice3A_45 = vector.extract_strided_slice %get3A_14 {offsets = [0, 5], sizes = [4096, 1], strides = [1, 1]} : vector<4096x6xf32> to vector<4096x1xf32>
    %slice3A_46 = vector.extract_strided_slice %get3A_17 {offsets = [5, 0], sizes = [1, 8], strides = [1, 1]} : vector<6x8xf32> to vector<1x8xf32>
    %mul3A_47 = vector.broadcast %slice3A_45 : vector<4096x1xf32> to vector<4096x8xf32>
    %mul3A_48 = vector.broadcast %slice3A_46 : vector<1x8xf32> to vector<4096x8xf32>
    %mul3A_49 = arith.mulf %mul3A_47, %mul3A_48 : vector<4096x8xf32>
    %add3A_50 = arith.addf %add3A_44, %mul3A_49 : vector<4096x8xf32>
    %mul3A_51 = arith.mulf %add3A_50, %rsqrt3A : vector<4096x8xf32>
    %swap3A = arith.constant 0 : index
    %swap3A_52 = arith.constant 0 : index
    %swap3A_53 = vector.load %arg4[%swap3A, %swap3A_52] : memref<4096x8xf32, #tpu.memory_space<vmem>>, vector<4096x8xf32>
    tpu.vector_store %arg4[%swap3A, %swap3A_52], %mul3A_51 {strides = array<i32>} : memref<4096x8xf32, #tpu.memory_space<vmem>>, vector<4096x8xf32>,
    return
  }
  func.func @transform_0(%arg0: i32) -> (i32, i32, i32) {
    %c0_i32 = arith.constant 0 : i32
    %c0_i32_0 = arith.constant 0 : i32
    %c0_i32_1 = arith.constant 0 : i32
    return %c0_i32, %arg0, %c0_i32_0 : i32, i32, i32
  }
  func.func @transform_1(%arg0: i32) -> (i32, i32) {
    %c0_i32 = arith.constant 0 : i32
    %c0_i32_0 = arith.constant 0 : i32
    return %arg0, %c0_i32 : i32, i32
  }
  func.func @transform_2(%arg0: i32) -> (i32, i32) {
    %c0_i32 = arith.constant 0 : i32
    %c0_i32_0 = arith.constant 0 : i32
    %c0_i32_1 = arith.constant 0 : i32
    return %c0_i32, %c0_i32_0 : i32, i32
  }
  func.func @transform_3(%arg0: i32) -> (i32, i32) {
    %c0_i32 = arith.constant 0 : i32
    %c0_i32_0 = arith.constant 0 : i32
    return %arg0, %c0_i32 : i32, i32
  }
}

module attributes {stable_mosaic.version = 14 : i64} {
  func.func @_tc_finalize_body(%arg0: i32, %arg1: memref<2x4096x8xf32, #tpu.memory_space<vmem>>, %arg2: memref<4096x8xf32, #tpu.memory_space<vmem>>, %arg3: memref<2x4096x8xf32, #tpu.memory_space<vmem>>, %arg4: memref<1x8xf32, #tpu.memory_space<vmem>>, %arg5: memref<8x256xf32, #tpu.memory_space<vmem>>, %arg6: memref<1x256xf32, #tpu.memory_space<vmem>>, %arg7: memref<256x128xf32, #tpu.memory_space<vmem>>, %arg8: memref<1x128xf32, #tpu.memory_space<vmem>>, %arg9: memref<1x128xf32, #tpu.memory_space<vmem>>, %arg10: memref<8x128xf32, #tpu.memory_space<vmem>>) attributes {dimension_semantics = [#tpu.dimension_semantics<arbitrary>], iteration_bounds = array<i64: 25>, scalar_prefetch = 0 : i64, scratch_operands = 1 : i64, tpu.core_type = #tpu.core_type<tc>, window_params = [{transform_indices = @transform_0, window_bounds = array<i64: 2, 4096, 8>}, {transform_indices = @transform_1, window_bounds = array<i64: 4096, 8>}, {transform_indices = @transform_2, window_bounds = array<i64: 2, 4096, 8>}, {pipeline_mode = #tpu.pipeline_mode<synchronous>, transform_indices = @transform_3, window_bounds = array<i64: 1, 8>}, {pipeline_mode = #tpu.pipeline_mode<synchronous>, transform_indices = @transform_4, window_bounds = array<i64: 8, 256>}, {pipeline_mode = #tpu.pipeline_mode<synchronous>, transform_indices = @transform_5, window_bounds = array<i64: 1, 256>}, {pipeline_mode = #tpu.pipeline_mode<synchronous>, transform_indices = @transform_6, window_bounds = array<i64: 256, 128>}, {pipeline_mode = #tpu.pipeline_mode<synchronous>, transform_indices = @transform_7, window_bounds = array<i64: 1, 128>}, {pipeline_mode = #tpu.pipeline_mode<synchronous>, transform_indices = @transform_8, window_bounds = array<i64: 1, 128>}]} {
    %get3A = arith.constant 0 : index
    %get3A_0 = arith.constant 0 : index
    %get3A_1 = arith.constant 0 : index
    %get3A_2 = vector.load %arg3[%get3A, %get3A_0, %get3A_1] : memref<2x4096x8xf32, #tpu.memory_space<vmem>>, vector<1x4096x8xf32>
    %get3A_3 = vector.shape_cast %get3A_2 : vector<1x4096x8xf32> to vector<4096x8xf32>
    %get3A_4 = arith.constant 1 : index
    %get3A_5 = arith.constant 0 : index
    %get3A_6 = arith.constant 0 : index
    %get3A_7 = vector.load %arg3[%get3A_4, %get3A_5, %get3A_6] : memref<2x4096x8xf32, #tpu.memory_space<vmem>>, vector<1x4096x8xf32>
    %get3A_8 = vector.shape_cast %get3A_7 : vector<1x4096x8xf32> to vector<4096x8xf32>
    %add3A = arith.addf %get3A_3, %get3A_8 : vector<4096x8xf32>
    %add3A_9 = arith.constant 1.000000e+00 : f32
    %add3A_10 = vector.broadcast %add3A_9 : f32 to vector<4096x8xf32>
    %add3A_11 = arith.addf %add3A, %add3A_10 : vector<4096x8xf32>
    %rsqrt3A = math.rsqrt %add3A_11 : vector<4096x8xf32>
    %get3A_12 = arith.constant 0 : index
    %get3A_13 = arith.constant 0 : index
    %get3A_14 = arith.constant 0 : index
    %get3A_15 = vector.load %arg1[%get3A_12, %get3A_13, %get3A_14] : memref<2x4096x8xf32, #tpu.memory_space<vmem>>, vector<1x4096x8xf32>
    %get3A_16 = vector.shape_cast %get3A_15 : vector<1x4096x8xf32> to vector<4096x8xf32>
    %get3A_17 = arith.constant 1 : index
    %get3A_18 = arith.constant 0 : index
    %get3A_19 = arith.constant 0 : index
    %get3A_20 = vector.load %arg1[%get3A_17, %get3A_18, %get3A_19] : memref<2x4096x8xf32, #tpu.memory_space<vmem>>, vector<1x4096x8xf32>
    %get3A_21 = vector.shape_cast %get3A_20 : vector<1x4096x8xf32> to vector<4096x8xf32>
    %add3A_22 = arith.addf %get3A_16, %get3A_21 : vector<4096x8xf32>
    %get3A_23 = arith.constant 0 : index
    %get3A_24 = arith.constant 0 : index
    %get3A_25 = vector.load %arg2[%get3A_23, %get3A_24] : memref<4096x8xf32, #tpu.memory_space<vmem>>, vector<4096x8xf32>
    %add3A_26 = arith.addf %add3A_22, %get3A_25 : vector<4096x8xf32>
    %mul3A = arith.mulf %rsqrt3A, %add3A_26 : vector<4096x8xf32>
    %get3A_27 = arith.constant 0 : index
    %get3A_28 = arith.constant 0 : index
    %get3A_29 = vector.load %arg4[%get3A_27, %get3A_28] : memref<1x8xf32, #tpu.memory_space<vmem>>, vector<1x8xf32>
    %add3A_30 = vector.broadcast %get3A_29 : vector<1x8xf32> to vector<4096x8xf32>
    %add3A_31 = arith.addf %mul3A, %add3A_30 : vector<4096x8xf32>
    %tanh3A = math.tanh %add3A_31 : vector<4096x8xf32>
    %mul3A_32 = arith.constant 4096 : i32
    %mul3A_33 = arith.muli %arg0, %mul3A_32 : i32
    %iota3A = tpu.iota {dimensions = array<i32: 0>} : vector<4096x1xi32>
    %add3A_34 = vector.broadcast %mul3A_33 : i32 to vector<4096x1xi32>
    %add3A_35 = arith.addi %add3A_34, %iota3A : vector<4096x1xi32>
    %lt3A = arith.constant 100000 : i32
    %lt3A_36 = vector.broadcast %lt3A : i32 to vector<4096x1xi32>
    %lt3A_37 = arith.cmpi slt, %add3A_35, %lt3A_36 : vector<4096x1xi32>
    %jit3A = arith.constant 0.000000e+00 : f32
    %broadcast_in_dim3A = vector.shape_cast %lt3A_37 : vector<4096x1xi1> to vector<4096x1xi1>
    %broadcast_in_dim3A_38 = vector.broadcast %broadcast_in_dim3A : vector<4096x1xi1> to vector<4096x8xi1>
    %broadcast_in_dim3A_39 = vector.broadcast %jit3A : f32 to vector<4096x8xf32>
    %select_n3A = arith.select %broadcast_in_dim3A_38, %tanh3A, %broadcast_in_dim3A_39 : vector<4096x8xi1>, vector<4096x8xf32>
    %reduce_sum3A = arith.constant dense<0.000000e+00> : vector<8xf32>
    %reduce_sum3A_40 = vector.multi_reduction <add>, %select_n3A, %reduce_sum3A [0] : vector<4096x8xf32> to vector<8xf32>
    %broadcast_in_dim3A_41 = vector.shape_cast %reduce_sum3A_40 : vector<8xf32> to vector<1x8xf32>
    %eq3A = arith.constant 0 : i32
    %eq3A_42 = arith.cmpi eq, %arg0, %eq3A : i32
    %convert_element_type3A = arith.extui %eq3A_42 : i1 to i32
    %cond3A = arith.constant 0 : i32
    %cond3A_43 = arith.cmpi ne, %convert_element_type3A, %cond3A : i32
    scf.if %cond3A_43 {
      %swap3A = arith.constant 0 : index
      %swap3A_53 = arith.constant 0 : index
      %swap3A_54 = vector.load %arg10[%swap3A, %swap3A_53] : memref<8x128xf32, #tpu.memory_space<vmem>>, vector<1x8xf32>
      tpu.vector_store %arg10[%swap3A, %swap3A_53], %broadcast_in_dim3A_41 {strides = array<i32>} : memref<8x128xf32, #tpu.memory_space<vmem>>, vector<1x8xf32>,
    } else {
    }
    %gt3A = arith.constant 0 : i32
    %gt3A_44 = arith.cmpi sgt, %arg0, %gt3A : i32
    %convert_element_type3A_45 = arith.extui %gt3A_44 : i1 to i32
    %cond3A_46 = arith.constant 0 : i32
    %cond3A_47 = arith.cmpi ne, %convert_element_type3A_45, %cond3A_46 : i32
    scf.if %cond3A_47 {
      %get3A_53 = arith.constant 0 : index
      %get3A_54 = arith.constant 0 : index
      %get3A_55 = vector.load %arg10[%get3A_53, %get3A_54] : memref<8x128xf32, #tpu.memory_space<vmem>>, vector<1x8xf32>
      %add3A_56 = arith.addf %get3A_55, %broadcast_in_dim3A_41 : vector<1x8xf32>
      %swap3A = arith.constant 0 : index
      %swap3A_57 = arith.constant 0 : index
      %swap3A_58 = vector.load %arg10[%swap3A, %swap3A_57] : memref<8x128xf32, #tpu.memory_space<vmem>>, vector<1x8xf32>
      tpu.vector_store %arg10[%swap3A, %swap3A_57], %add3A_56 {strides = array<i32>} : memref<8x128xf32, #tpu.memory_space<vmem>>, vector<1x8xf32>,
    } else {
    }
    %eq3A_48 = arith.constant 24 : i32
    %eq3A_49 = arith.cmpi eq, %arg0, %eq3A_48 : i32
    %convert_element_type3A_50 = arith.extui %eq3A_49 : i1 to i32
    %cond3A_51 = arith.constant 0 : i32
    %cond3A_52 = arith.cmpi ne, %convert_element_type3A_50, %cond3A_51 : i32
    scf.if %cond3A_52 {
      %get3A_53 = arith.constant 0 : index
      %get3A_54 = arith.constant 0 : index
      %get3A_55 = vector.load %arg10[%get3A_53, %get3A_54] : memref<8x128xf32, #tpu.memory_space<vmem>>, vector<1x8xf32>
      %mul3A_56 = arith.constant 9.99999974E-6 : f32
      %mul3A_57 = vector.broadcast %mul3A_56 : f32 to vector<1x8xf32>
      %mul3A_58 = arith.mulf %get3A_55, %mul3A_57 : vector<1x8xf32>
      %get3A_59 = arith.constant 0 : index
      %get3A_60 = arith.constant 0 : index
      %get3A_61 = vector.load %arg5[%get3A_59, %get3A_60] : memref<8x256xf32, #tpu.memory_space<vmem>>, vector<8x256xf32>
      %dot_general3A = arith.constant dense<0.000000e+00> : vector<1x256xf32>
      %dot_general3A_62 = tpu.matmul %mul3A_58, %get3A_61, %dot_general3A {dimension_numbers = #tpu.dot_dimension_numbers<[1], [0], [0], [1], [0, 0, 1, 1], [], []>, precision = #tpu.contract_precision<fp32>, transpose_lhs_hint = false} : vector<1x8xf32>, vector<8x256xf32>, vector<1x256xf32> -> vector<1x256xf32>
      %get3A_63 = arith.constant 0 : index
      %get3A_64 = arith.constant 0 : index
      %get3A_65 = vector.load %arg6[%get3A_63, %get3A_64] : memref<1x256xf32, #tpu.memory_space<vmem>>, vector<1x256xf32>
      %add3A_66 = arith.addf %dot_general3A_62, %get3A_65 : vector<1x256xf32>
      %max3A = arith.constant 0.000000e+00 : f32
      %max3A_67 = vector.broadcast %max3A : f32 to vector<1x256xf32>
      %max3A_68 = arith.maximumf %add3A_66, %max3A_67 : vector<1x256xf32>
      %get3A_69 = arith.constant 0 : index
      %get3A_70 = arith.constant 0 : index
      %get3A_71 = vector.load %arg7[%get3A_69, %get3A_70] : memref<256x128xf32, #tpu.memory_space<vmem>>, vector<256x128xf32>
      %dot_general3A_72 = arith.constant dense<0.000000e+00> : vector<1x128xf32>
      %dot_general3A_73 = tpu.matmul %max3A_68, %get3A_71, %dot_general3A_72 {dimension_numbers = #tpu.dot_dimension_numbers<[1], [0], [0], [1], [0, 0, 1, 1], [], []>, precision = #tpu.contract_precision<fp32>, transpose_lhs_hint = false} : vector<1x256xf32>, vector<256x128xf32>, vector<1x128xf32> -> vector<1x128xf32>
      %get3A_74 = arith.constant 0 : index
      %get3A_75 = arith.constant 0 : index
      %get3A_76 = vector.load %arg8[%get3A_74, %get3A_75] : memref<1x128xf32, #tpu.memory_space<vmem>>, vector<1x128xf32>
      %add3A_77 = arith.addf %dot_general3A_73, %get3A_76 : vector<1x128xf32>
      %swap3A = arith.constant 0 : index
      %swap3A_78 = arith.constant 0 : index
      %swap3A_79 = vector.load %arg9[%swap3A, %swap3A_78] : memref<1x128xf32, #tpu.memory_space<vmem>>, vector<1x128xf32>
      tpu.vector_store %arg9[%swap3A, %swap3A_78], %add3A_77 {strides = array<i32>} : memref<1x128xf32, #tpu.memory_space<vmem>>, vector<1x128xf32>,
    } else {
    }
    return
  }
  func.func @transform_0(%arg0: i32) -> (i32, i32, i32) {
    %c0_i32 = arith.constant 0 : i32
    %c0_i32_0 = arith.constant 0 : i32
    %c0_i32_1 = arith.constant 0 : i32
    return %c0_i32, %arg0, %c0_i32_0 : i32, i32, i32
  }
  func.func @transform_1(%arg0: i32) -> (i32, i32) {
    %c0_i32 = arith.constant 0 : i32
    %c0_i32_0 = arith.constant 0 : i32
    return %arg0, %c0_i32 : i32, i32
  }
  func.func @transform_2(%arg0: i32) -> (i32, i32, i32) {
    %c0_i32 = arith.constant 0 : i32
    %c0_i32_0 = arith.constant 0 : i32
    %c0_i32_1 = arith.constant 0 : i32
    return %c0_i32, %arg0, %c0_i32_0 : i32, i32, i32
  }
  func.func @transform_3(%arg0: i32) -> (i32, i32) {
    %c0_i32 = arith.constant 0 : i32
    %c0_i32_0 = arith.constant 0 : i32
    %c0_i32_1 = arith.constant 0 : i32
    return %c0_i32, %c0_i32_0 : i32, i32
  }
  func.func @transform_4(%arg0: i32) -> (i32, i32) {
    %c0_i32 = arith.constant 0 : i32
    %c0_i32_0 = arith.constant 0 : i32
    %c0_i32_1 = arith.constant 0 : i32
    return %c0_i32, %c0_i32_0 : i32, i32
  }
  func.func @transform_5(%arg0: i32) -> (i32, i32) {
    %c0_i32 = arith.constant 0 : i32
    %c0_i32_0 = arith.constant 0 : i32
    %c0_i32_1 = arith.constant 0 : i32
    return %c0_i32, %c0_i32_0 : i32, i32
  }
  func.func @transform_6(%arg0: i32) -> (i32, i32) {
    %c0_i32 = arith.constant 0 : i32
    %c0_i32_0 = arith.constant 0 : i32
    %c0_i32_1 = arith.constant 0 : i32
    return %c0_i32, %c0_i32_0 : i32, i32
  }
  func.func @transform_7(%arg0: i32) -> (i32, i32) {
    %c0_i32 = arith.constant 0 : i32
    %c0_i32_0 = arith.constant 0 : i32
    %c0_i32_1 = arith.constant 0 : i32
    return %c0_i32, %c0_i32_0 : i32, i32
  }
  func.func @transform_8(%arg0: i32) -> (i32, i32) {
    %c0_i32 = arith.constant 0 : i32
    %c0_i32_0 = arith.constant 0 : i32
    %c0_i32_1 = arith.constant 0 : i32
    return %c0_i32, %c0_i32_0 : i32, i32
  }
}

</mosaic_0001>

<sc_bundles>
// kernel: kernel.6.cloned.1.call-start
scs
__scs_entry_jumppad:
0x0: {  	(pc) =	sbr.rel $0x88, $3  }
0x1: {  	(tag) =	ssettag $0x0;
	lr =	simm.s32 $0x1  }
0x2: {  	[smem:$0x3F99] =	sst lr;
	_ =	strace $0xD0000000  }
0x3: {  	_ = 	snop  }
0x4: {  	_ = 	snop  }
0x5: {  	_ = 	snop  }
0x6: {  	_ = 	snop  }
0x7: {  	_ = 	snop  }
__scs_overlays_trampoline_lowered:
0x8: {  	[smem:$0x3FA8] =	sst s0  }
0x9: {  	[smem:$0x3FA9] =	sst s1  }
0xa: {  	[smem:$0x3FAA] =	sst s2  }
0xb: {  	[smem:$0x3FAB] =	sst s3  }
0xc: {  	[smem:$0x3FAC] =	sst s4  }
0xd: {  	[smem:$0x3FAD] =	sst s5  }
0xe: {  	[smem:$0x3FAE] =	sst s6  }
0xf: {  	[smem:$0x3FAF] =	sst s7  }
0x10: {  	[smem:$0x3FB0] =	sst s8  }
0x11: {  	[smem:$0x3FB1] =	sst s9;
	s0 =	simm.s32 @!p0 $0x0  }
0x12: {  	s1 =	sld [smem:$0x3F97];
	s0 =	simm.s32 @p0 $0x1  }
0x13: {  	[smem:$0x3FB2] =	sst s0;
	s0 =	simm.s32 @!p1 $0x0  }
0x14: {  	s2 =	sld [smem:$0x3F96];
	s0 =	simm.s32 @p1 $0x1  }
0x15: {  	[smem:$0x3FB3] =	sst s0;
	s0 =	simm.s32 @!p2 $0x0  }
0x16: {  	s3 =	sld [smem:$0x3FDB];
	s0 =	simm.s32 @p2 $0x1  }
0x17: {  	s4 =	simm.s32 $0x1BF5;
	[smem:$0x3FB5] =	sst s0  }
0x18: {  	s0 =	sld [smem:$0x3F98];
	_ =	swait.ge [sflag:s4], $0x0  }
0x19: {  	s7 =	sld [smem:$0x3F99]  }
0x1a: {  	s8 =	sadd.s32 $0xFFFFE003, lr  }
0x1b: {  	s9 =	sadd.s32 $0xFFFFFEF7, lr;
	s5 =	simm.s32 $0xFFFFFFFF;
	p2 =	slt.u32 s8, $0xFFFFF086  }
0x1c: {  	p1 =	slt.u32 s9, $0xF7A;
	s5 =	simm.s32 @!p2 $0x0  }
0x1d: {  	s5 =	simm.s32 @p1 $0x1;
	p0 =	seq.s32 s7, s2  }
0x1e: {  	s7 =	smul.u32 @!p0 $0xF7A, s2;
	p2 =	seq.s32 @!p0 s5, $0x0  }
0x1f: {  	s9 =	smul.u32 $0xF7A, s1;
	s8 =	simm.s32 @!p0 $0x1BF5;
	p2 =	por !p2, p0  }
0x20: {  	[sflag:s8] =	ssyncset.s32 @!p0 $0xFFFFF086;
	s6 =	sadd.s32 @!p0 s3, s7;
	s7 =	simm.s32 @!p0 $0x108  }
0x21: {  	s3 =	sadd.s32 s3, s9;
	s6 =	sadd.s32 @!p0 $0x88, s6;
	s7 =	simm.s32 @p2 $0x1082  }
0x22: {  	[simem:s7], [sflag:s8] =	dma.local @!p0 [hbm:s6], $0xF7A  }
0x23: {  	s9 =	sor.u32 $0xD0000000, s2;
	s6 =	simm.s32 $0x108;
	_ =	swait.ge @!p0 [sflag:s8], $0x0  }
0x24: {  	s3 =	sadd.s32 $0x88, s3;
	s6 =	simm.s32 @!p1 $0x1082;
	[sflag:s4] =	ssyncset.s32 $0xFFFFF086  }
0x25: {  	[simem:s6], [sflag:s4] =	dma.local [hbm:s3], $0xF7A  }
0x26: {  	[smem:$0x3F99] =	sst s1;
	(tag) =	ssettag s2;
	_ =	strace s9  }
0x27: {  	s1 =	sld [smem:$0x3FA9]  }
0x28: {  	s2 =	sld [smem:$0x3FAA]  }
0x29: {  	s4 =	sld [smem:$0x3FAC]  }
0x2a: {  	p0 =	seq.s32 s5, $0x0;
	s5 =	sld [smem:$0x3FAD]  }
0x2b: {  	s6 =	sld [smem:$0x3FAE]  }
0x2c: {  	s7 =	sld [smem:$0x3FAF]  }
0x2d: {  	s3 =	simm.s32 $0x108;
	s8 =	sld [smem:$0x3FB0]  }
0x2e: {  	s3 =	simm.s32 @!p0 $0x1082;
	s9 =	sld [smem:$0x3FB1]  }
0x2f: {  	lr =	sadd.s32 s0, s3;
	s0 =	sld [smem:$0x3FA8]  }
0x30: {  	s3 =	sld [smem:$0x3FAB]  }
0x31: {  	[smem:$0x3FB4] =	sst s10  }
0x32: {  	s10 =	sld [smem:$0x3FB2];
	_ =	sdelay $0x3  }
0x33: {  	p0 =	seq.s32 s10, $0x1;
	s10 =	sld [smem:$0x3FB4];
	_ =	sdelay $0x3  }
0x34: {  	[smem:$0x3FB4] =	sst s10  }
0x35: {  	s10 =	sld [smem:$0x3FB3];
	_ =	sdelay $0x3  }
0x36: {  	p1 =	seq.s32 s10, $0x1;
	s10 =	sld [smem:$0x3FB4];
	_ =	sdelay $0x3  }
0x37: {  	[smem:$0x3FB4] =	sst s10  }
0x38: {  	s10 =	sld [smem:$0x3FB5]  }
0x39: {  	_ = 	snop;
	(pc) =	sbr.ind lr, $3  }
0x3a: {  	_ = 	snop  }
0x3b: {  	_ = 	snop  }
0x3c: {  	p2 =	seq.s32 s10, $0x1;
	s10 =	sld [smem:$0x3FB4]  }
0x3d: {  	_ =	shalt  }
0x3e: {  	_ =	shalt  }
0x3f: {  	_ =	shalt  }
0x40: {  	_ =	shalt  }
0x41: {  	_ =	shalt  }
0x42: {  	_ =	shalt  }
0x43: {  	_ =	shalt  }
0x44: {  	_ =	shalt  }
0x45: {  	_ =	shalt  }
0x46: {  	_ =	shalt  }
0x47: {  	_ =	shalt  }
0x48: {  	_ =	shalt  }
0x49: {  	_ =	shalt  }
0x4a: {  	_ =	shalt  }
0x4b: {  	_ =	shalt  }
0x4c: {  	_ =	shalt  }
0x4d: {  	_ =	shalt  }
0x4e: {  	_ =	shalt  }
0x4f: {  	_ =	shalt  }
0x50: {  	_ =	shalt  }
0x51: {  	_ =	shalt  }
0x52: {  	_ =	shalt  }
0x53: {  	_ =	shalt  }
0x54: {  	_ =	shalt  }
0x55: {  	_ =	shalt  }
0x56: {  	_ =	shalt  }
0x57: {  	_ =	shalt  }
0x58: {  	_ =	shalt  }
0x59: {  	_ =	shalt  }
0x5a: {  	_ =	shalt  }
0x5b: {  	_ =	shalt  }
0x5c: {  	_ =	shalt  }
0x5d: {  	_ =	shalt  }
0x5e: {  	_ =	shalt  }
0x5f: {  	_ =	shalt  }
0x60: {  	_ =	shalt  }
0x61: {  	_ =	shalt  }
0x62: {  	_ =	shalt  }
0x63: {  	_ =	shalt  }
0x64: {  	_ =	shalt  }
0x65: {  	_ =	shalt  }
0x66: {  	_ =	shalt  }
0x67: {  	_ =	shalt  }
0x68: {  	_ =	shalt  }
0x69: {  	_ =	shalt  }
0x6a: {  	_ =	shalt  }
0x6b: {  	_ =	shalt  }
0x6c: {  	_ =	shalt  }
0x6d: {  	_ =	shalt  }
0x6e: {  	_ =	shalt  }
0x6f: {  	_ =	shalt  }
0x70: {  	_ =	shalt  }
0x71: {  	_ =	shalt  }
0x72: {  	_ =	shalt  }
0x73: {  	_ =	shalt  }
0x74: {  	_ =	shalt  }
0x75: {  	_ =	shalt  }
0x76: {  	_ =	shalt  }
0x77: {  	_ =	shalt  }
0x78: {  	_ =	shalt  }
0x79: {  	_ =	shalt  }
0x7a: {  	_ =	shalt  }
0x7b: {  	_ =	shalt  }
0x7c: {  	_ =	shalt  }
0x7d: {  	_ =	shalt  }
0x7e: {  	_ =	shalt  }
0x7f: {  	_ =	shalt  }
0x80: {  	_ =	shalt  }
0x81: {  	_ =	shalt  }
0x82: {  	_ =	shalt  }
0x83: {  	_ =	shalt  }
0x84: {  	_ =	shalt  }
0x85: {  	_ =	shalt  }
0x86: {  	_ =	shalt  }
0x87: {  	_ =	shalt  }
.Lfunc_end0:
.L_simem_size_0:
called_computation.1_lowered:
.L_overlay_start_0:
0x88: {  	s2 =	sld [smem:$0x3FD9]  }
0x89: {  	s3 =	sld [smem:$0x3FFE];
	_ =	sdelay $0x1  }
0x8a: {  	s1 =	srdreg.scid  }
0x8b: {  	s0 =	sand.u32 $0x1, s1  }
0x8c: {  	s16 =	sshll.u32 s0, $0xA;
	s2 =	sadd.s32 s3, s2  }
0x8d: {  	s2 =	sadd.s32 s2, s16  }
0x8e: {  	[smem:$0x3FC0] =	sst s2  }
0x8f: {  	_ = 	snop  }
0x90: {  	(tm) =	ssettm $0x1  }
0x91: {  	s17 =	sld [smem:$0x3FFB];
	_ =	sdelay $0x3  }
0x92: {  	_ =	strace s17  }
0x93: {  	s2 =	sld [smem:$0x3FFC];
	_ =	sdelay $0x3  }
0x94: {  	_ =	strace s2  }
0x95: {  	s2 =	sld [smem:$0x3FFD];
	_ =	sdelay $0x3  }
0x96: {  	_ =	strace s2  }
0x97: {  	_ =	strace $0x8FFFFFFF  }
0x98: {  	s18 =	sld [smem:$0x3FDB];
	_ =	sdelay $0x1  }
0x99: {  	s19 =	simm.s32 $_scs_section_size  }
0x9a: {  	s4 =	simm.s32 $_size__tile_overlayer_lowered;
	s5 =	simm.s32 $_tile_overlayer_lowered  }
0x9b: {  	s22 =	simm.s32 $0x1BFF;
	s21 =	sshll.u32 s5, $0x1;
	s2 =	sadd.s32 s19, s18  }
0x9c: {  	s6 =	simm.s32 $0x0;
	s20 =	sshll.u32 s4, $0x1;
	s4 =	sadd.s32 s21, s2  }
0x9d: {  	[timem:s6], [sflag:s22] =	dma.local [hbm:s4], s20  }
0x9e: {  	_ =	swait.ge [sflag:s22], s20  }
0x9f: {  	s3 =	ssub.s32 $0x0, s20;
	[sflag:s22] =	ssyncset.done $0x0  }
0xa0: {  	[sflag:s22] =	ssyncadd.s32 s3;
	_ =	sdelay $0x1  }
0xa1: {  	s23 =	simm.s32 $0x1B8B  }
0xa2: {  	_ =	swait.ge [sflag:s23], $0x1  }
0xa3: {  	[sflag:s23] =	ssyncset.done $0x0  }
0xa4: {  	s25 =	simm.s32 $0x1B8E;
	s24 =	sld [smem:$0x3FFE];
	[sflag:s23] =	ssyncadd.s32 $0xFFFFFFFF  }
0xa5: {  	s26 =	simm.s32 $execute0_lowered;
	[smem:$0x3FD2] =	sst s25  }
0xa6: {  	s4 =	sshll.u32 s26, $0x1;
	_ =	strace $0x80000049;
	[dreg:$0x1] =	wrdreg $0xFFFFFFFF  }
0xa7: {  	s28 =	simm.s32 $_size_execute0_lowered;
	s2 =	sadd.s32 s2, s4;
	[dreg:$0x0] =	wrdreg $0x0  }
0xa8: {  	s4 =	sshll.u32 s28, $0x1;
	[dreg:$0x2] =	wrdreg s2  }
0xa9: {  	[dreg:$0x3] =	wrdreg s4  }
0xaa: {  	[dreg:$0x4] =	wrdreg $0xC0  }
0xab: {  	_ =	task [dreg:s6], $0x5FFFF  }
0xac: {  	[dreg:$0x1] =	wrdreg $0xFFFFFFFF  }
0xad: {  	[dreg:$0x0] =	wrdreg $0x60  }
0xae: {  	[dreg:$0x2] =	wrdreg s24  }
0xaf: {  	[dreg:$0x3] =	wrdreg $0xC000  }
0xb0: {  	[dreg:$0x4] =	wrdreg $0x9  }
0xb1: {  	_ =	task.clear_ibuf [dreg:s6], $0x5FFFF;
	_ =	strace $0x90000049  }
0xb2: {  	s29 =	simm.s32 $0x9;
	_ =	strace $0x8000004B  }
0xb3: {  	_ =	swait.ge [sflag:s29], $0x1  }
0xb4: {  	[sflag:s29] =	ssyncadd.s32 $0xFFFFFFFF  }
0xb5: {  	_ =	strace $0x9000004B  }
0xb6: {  	_ =	sfence  }
0xb7: {  	s30 =	sld [smem:$0x0];
	_ =	sdelay $0x2  }
0xb8: {  	s31 =	sshll.u32 s1, $0xD;
	s1 =	sshrl.u32 s1, $0x2  }
0xb9: {  	s3 =	sand.u32 $0x4000, s31;
	s1 =	sadd.s32 s1, s30  }
0xba: {  	s0 =	sor.u32 s3, s0;
	s1 =	sshll.u32 s1, $0x11  }
0xbb: {  	s0 =	sor.u32 s1, s0  }
0xbc: {  	s0 =	sadd.s32 $0x8F2B, s0  }
0xbd: {  	[sflag:s0] =	ssyncadd.remote.s32 $0x1  }
0xbe: {  	_ =	sfence.sel $0xFFFF  }
0xbf: {  	[dreg:$0x0] =	wrdreg $0xFFFFFFFF;
	(pc) =	sbr.abs _section_cstart, $3  }
0xc0: {  	[dreg:$0x1] =	wrdreg $0xFFFFFFFF  }
0xc1: {  	_ =	task.clear_ibuf [dreg:s6], $0x2FFFF;
	_ =	strace $0x9FFFFFFF  }
0xc2: {  	(tm) =	ssettm $0x7FFFFFFF  }
0xc3: {  	_ =	shalt  }
tec
execute0_lowered:
.L_overlay_start_1:
0x0: {  	(tag) =	ssettag $0x1  }
0x1: {  	s0 =	rddreg [dreg:$0x0]  }
0x2: {  	s1 =	rddreg [dreg:$0x1]  }
0x3: {  	s2 =	srdreg.scid;
	s11 =	stileid.u32  }
0x4: {  	s12 =	simm.s32 $0x2;
	s13 =	simm.s32 $0x80;
	s14 =	simm.s32 $0x100  }
0x5: {  	s15 =	simm.s32 $0x180;
	s16 =	simm.s32 $0x200;
	s17 =	simm.s32 $0x280  }
0x6: {  	s18 =	simm.s32 $0x300;
	s19 =	simm.s32 $0x380;
	s20 =	simm.s32 $0x400  }
0x7: {  	s28 =	simm.s32 $0x700;
	s29 =	simm.s32 $0x780;
	s30 =	simm.s32 $0x1  }
0x8: {  	s31 =	simm.s32 $0x0;
	s3 =	sand.u32 $0x1, s2;
	s2 =	simm.s32 $0x0  }
0x9: {  	s7 =	smul.u32 $0xC800, s11;
	s5 =	sshll.u32 s11, $0x9;
	s22 =	sadd.s32 $0x188400, s0  }
0xa: {  	s24 =	sshll.u32 s11, $0x1;
	p0 =	sne.s32 s11, $0x0;
	s11 =	simm.s32 $0x800  }
0xb: {  	s4 =	smul.u32 $0xC8000, s3;
	[smem:$0x7FF] =	sst s2;
	s8 =	sadd.s32 s5, s0  }
0xc: {  	s6 =	ssub.s32 $0x2, s3;
	s5 =	sadd.s32 $0x1A1400, s0;
	s26 =	sshll.u32 s3, $0x8  }
0xd: {  	_ =	strace $0x8000004A;
	[dreg:$0x3] =	wrdreg s22;
	s10 =	sshrl.u32 s6, $0x1  }
0xe: {  	s25 =	sadd.s32 s7, s1;
	s22 =	simm.s32 $0x500;
	s21 =	sadd.s32 s7, s4  }
.Ltmp0:
0xf: {  	s23 =	ssub.s32 s6, s10;
	s10 =	sshrl.u32 @!p0 s1, $0x3;
	(pc) =	sbr.rel .LBB2_1-.Ltmp0, $4  }
0x10: {  	s25 =	sshrl.u32 s25, $0x3;
	s9 =	sshrl.u32 s21, $0x3;
	s7 =	smax.u32 s23, $0x1  }
0x11: {  	s21 =	simm.s32 $0x480;
	s23 =	simm.s32 $0x580;
	s0 =	sadd.s32 s9, s0  }
0x12: {  	s9 =	sor.u32 s3, s24;
	s6 =	sadd.s32 $0x1A1600, s0;
	s0 =	sadd.s32 s26, s8  }
0x13: {  	s24 =	simm.s32 $0x600;
	s26 =	simm.s32 $0x680;
	s0 =	sadd.s32 $0xC4F00, s0  }
.LBB2_5:
0x14: {  	s3 =	stileid.u32;
	s31 =	sadd.s32 $0x1, s31  }
0x15: {  	s3 =	sshll.u32 s3, $0x6;
	p1 =	sne.s32 s31, s7  }
.Ltmp1:
0x16: {  	[bflag:$0x0] =	sbarrier.arrive $0xFFFF;
	s3 =	sor.u32 $0x1C02, s3;
	(pc) =	sbr.rel @!p1 .LBB2_6-.Ltmp1, $4  }
0x17: {  	[hbm:s6], [sflag:s3] =	dma.local [spmem:s25], $0x1900  }
0x18: {  	_ =	swait.ge [sflag:s12], $0x1900  }
0x19: {  	[sflag:s12] =	ssyncset.done $0x0  }
0x1a: {  	[sflag:s12] =	ssyncadd.s32 $0xFFFFE700  }
.LBB2_1:
0x1b: {  	s3 =	simm.s32 @!p0 $0x1C02;
	s4 =	rddreg [dreg:$0x3]  }
0x1c: {  	[spmem:s10], [sflag:s3] =	dma.local @!p0 [hbm:s4], $0x19000  }
0x1d: {  	s3 =	simm.s32 @!p0 $0x2  }
0x1e: {  	_ =	swait.ge @!p0 [sflag:s3], $0x19000  }
0x1f: {  	[sflag:s3] =	ssyncset.done @!p0 $0x0  }
0x20: {  	[sflag:s3] =	ssyncadd.s32 @!p0 $0xFFFE7000  }
0x21: {  	[tilespmem:s11], [sflag:$0x2] =	stream.linear.gather [hbm4b:s5+s2], $0x400, $0x38;
	[tilespmem:$0xD400] =	vst v63  }
.Ltmp2:
0x22: {  	_ =	swait.ge [sflag:s12], $0x400;
	(pc) =	sbr.rel .LBB2_2-.Ltmp2, $4  }
0x23: {  	[sflag:s12] =	ssyncset.done $0x0  }
0x24: {  	[sflag:s12] =	ssyncadd.s32 $0xFFFFFC00  }
0x25: {  	[bflag:$0x0] =	sbarrier.arrive $0xFFFF  }
0x26: {  	s8 =	smov.u32 s0;
	s3 =	simm.s32 $0x0  }
.LBB2_4:
0x27: {  	s3 =	sadd.s32 $0x20, s3  }
0x28: {  	p1 =	sne.s32 s3, $0xC40  }
.Ltmp3:
0x29: {  	_ = 	snop;
	(pc) =	sbr.rel @!p1 .LBB2_5-.Ltmp3, $2  }
0x2a: {  	_ =	sdelay $0x2  }
0x2b: {  	s8 =	sadd.s32 $0x2000, s8  }
.LBB2_2:
0x2c: {  	s4 =	sadd.s32 s3, s9  }
0x2d: {  	p1 =	sgt.u32 s4, $0xC34  }
.Ltmp4:
0x2e: {  	_ = 	snop;
	(pc) =	sbr.rel @p1 .LBB2_4-.Ltmp4, $1  }
0x2f: {  	_ =	sdelay $0x3  }
0x30: {  	[tilespmem:s2], [sflag:$0x2] =	stream.linear.gather [hbm4b:s8+s2], $0x800, $0x38;
	[tilespmem:$0xD400] =	vst v63  }
0x31: {  	_ =	swait.ge [sflag:s12], $0x800  }
0x32: {  	[sflag:s12] =	ssyncset.done $0x0  }
0x33: {  	[sflag:s12] =	ssyncadd.s32 $0xFFFFF800  }
0x34: {  	[spmem:s1] =	stream.indirect.scatter.add.f32 [tilespmem:s11], [sflag:$0x1], $0x8, s2, s13, $0xb8;
	[tilespmem:$0xD400] =	vst v63  }
0x35: {  	_ = 	snop  }
0x36: {  	[spmem:s1] =	stream.indirect.scatter.add.f32 [tilespmem:s11], [sflag:$0x1], $0x8, s13, s13, $0xb8;
	[tilespmem:$0xD400] =	vst v63  }
0x37: {  	_ = 	snop  }
0x38: {  	[spmem:s1] =	stream.indirect.scatter.add.f32 [tilespmem:s11], [sflag:$0x1], $0x8, s14, s13, $0xb8;
	[tilespmem:$0xD400] =	vst v63  }
0x39: {  	_ = 	snop  }
0x3a: {  	[spmem:s1] =	stream.indirect.scatter.add.f32 [tilespmem:s11], [sflag:$0x1], $0x8, s15, s13, $0xb8;
	[tilespmem:$0xD400] =	vst v63  }
0x3b: {  	_ = 	snop  }
0x3c: {  	[spmem:s1] =	stream.indirect.scatter.add.f32 [tilespmem:s11], [sflag:$0x1], $0x8, s16, s13, $0xb8;
	[tilespmem:$0xD400] =	vst v63  }
0x3d: {  	_ = 	snop  }
0x3e: {  	[spmem:s1] =	stream.indirect.scatter.add.f32 [tilespmem:s11], [sflag:$0x1], $0x8, s17, s13, $0xb8;
	[tilespmem:$0xD400] =	vst v63  }
0x3f: {  	_ = 	snop  }
0x40: {  	[spmem:s1] =	stream.indirect.scatter.add.f32 [tilespmem:s11], [sflag:$0x1], $0x8, s18, s13, $0xb8;
	[tilespmem:$0xD400] =	vst v63  }
0x41: {  	_ = 	snop  }
0x42: {  	[spmem:s1] =	stream.indirect.scatter.add.f32 [tilespmem:s11], [sflag:$0x1], $0x8, s19, s13, $0xb8;
	[tilespmem:$0xD400] =	vst v63  }
0x43: {  	_ = 	snop  }
0x44: {  	[spmem:s1] =	stream.indirect.scatter.add.f32 [tilespmem:s11], [sflag:$0x1], $0x8, s20, s13, $0xb8;
	[tilespmem:$0xD400] =	vst v63  }
0x45: {  	_ = 	snop  }
0x46: {  	[spmem:s1] =	stream.indirect.scatter.add.f32 [tilespmem:s11], [sflag:$0x1], $0x8, s21, s13, $0xb8;
	[tilespmem:$0xD400] =	vst v63  }
0x47: {  	_ = 	snop  }
0x48: {  	[spmem:s1] =	stream.indirect.scatter.add.f32 [tilespmem:s11], [sflag:$0x1], $0x8, s22, s13, $0xb8;
	[tilespmem:$0xD400] =	vst v63  }
0x49: {  	_ = 	snop  }
0x4a: {  	[spmem:s1] =	stream.indirect.scatter.add.f32 [tilespmem:s11], [sflag:$0x1], $0x8, s23, s13, $0xb8;
	[tilespmem:$0xD400] =	vst v63  }
0x4b: {  	_ = 	snop  }
0x4c: {  	[spmem:s1] =	stream.indirect.scatter.add.f32 [tilespmem:s11], [sflag:$0x1], $0x8, s24, s13, $0xb8;
	[tilespmem:$0xD400] =	vst v63  }
0x4d: {  	_ = 	snop  }
0x4e: {  	[spmem:s1] =	stream.indirect.scatter.add.f32 [tilespmem:s11], [sflag:$0x1], $0x8, s26, s13, $0xb8;
	[tilespmem:$0xD400] =	vst v63  }
0x4f: {  	_ = 	snop  }
0x50: {  	[spmem:s1] =	stream.indirect.scatter.add.f32 [tilespmem:s11], [sflag:$0x1], $0x8, s28, s13, $0xb8;
	[tilespmem:$0xD400] =	vst v63  }
0x51: {  	_ = 	snop  }
0x52: {  	[spmem:s1] =	stream.indirect.scatter.add.f32 [tilespmem:s11], [sflag:$0x1], $0x8, s29, s13, $0xb8;
	[tilespmem:$0xD400] =	vst v63  }
0x53: {  	_ =	swait.ge [sflag:s30], $0x400  }
0x54: {  	[sflag:s30] =	ssyncset.done $0x0  }
0x55: {  	[sflag:s30] =	ssyncadd.s32 $0xFFFFFC00  }
0x56: {  	_ =	swait.ge [sflag:s30], $0x400  }
0x57: {  	[sflag:s30] =	ssyncset.done $0x0  }
0x58: {  	[sflag:s30] =	ssyncadd.s32 $0xFFFFFC00  }
0x59: {  	_ =	swait.ge [sflag:s30], $0x400  }
0x5a: {  	[sflag:s30] =	ssyncset.done $0x0  }
0x5b: {  	[sflag:s30] =	ssyncadd.s32 $0xFFFFFC00  }
0x5c: {  	_ =	swait.ge [sflag:s30], $0x400  }
0x5d: {  	[sflag:s30] =	ssyncset.done $0x0  }
0x5e: {  	[sflag:s30] =	ssyncadd.s32 $0xFFFFFC00  }
0x5f: {  	_ =	swait.ge [sflag:s30], $0x400  }
0x60: {  	[sflag:s30] =	ssyncset.done $0x0  }
0x61: {  	[sflag:s30] =	ssyncadd.s32 $0xFFFFFC00  }
0x62: {  	_ =	swait.ge [sflag:s30], $0x400  }
0x63: {  	[sflag:s30] =	ssyncset.done $0x0  }
0x64: {  	[sflag:s30] =	ssyncadd.s32 $0xFFFFFC00  }
0x65: {  	_ =	swait.ge [sflag:s30], $0x400  }
0x66: {  	[sflag:s30] =	ssyncset.done $0x0  }
0x67: {  	[sflag:s30] =	ssyncadd.s32 $0xFFFFFC00  }
0x68: {  	_ =	swait.ge [sflag:s30], $0x400  }
0x69: {  	[sflag:s30] =	ssyncset.done $0x0  }
0x6a: {  	[sflag:s30] =	ssyncadd.s32 $0xFFFFFC00  }
0x6b: {  	_ =	swait.ge [sflag:s30], $0x400  }
0x6c: {  	[sflag:s30] =	ssyncset.done $0x0  }
0x6d: {  	[sflag:s30] =	ssyncadd.s32 $0xFFFFFC00  }
0x6e: {  	_ =	swait.ge [sflag:s30], $0x400  }
0x6f: {  	[sflag:s30] =	ssyncset.done $0x0  }
0x70: {  	[sflag:s30] =	ssyncadd.s32 $0xFFFFFC00  }
0x71: {  	_ =	swait.ge [sflag:s30], $0x400  }
0x72: {  	[sflag:s30] =	ssyncset.done $0x0  }
0x73: {  	[sflag:s30] =	ssyncadd.s32 $0xFFFFFC00  }
0x74: {  	_ =	swait.ge [sflag:s30], $0x400  }
0x75: {  	[sflag:s30] =	ssyncset.done $0x0  }
0x76: {  	[sflag:s30] =	ssyncadd.s32 $0xFFFFFC00  }
0x77: {  	_ =	swait.ge [sflag:s30], $0x400  }
0x78: {  	[sflag:s30] =	ssyncset.done $0x0  }
0x79: {  	[sflag:s30] =	ssyncadd.s32 $0xFFFFFC00  }
0x7a: {  	_ =	swait.ge [sflag:s30], $0x400  }
0x7b: {  	[sflag:s30] =	ssyncset.done $0x0  }
0x7c: {  	[sflag:s30] =	ssyncadd.s32 $0xFFFFFC00  }
0x7d: {  	_ =	swait.ge [sflag:s30], $0x400  }
.Ltmp5:
0x7e: {  	[sflag:s30] =	ssyncset.done $0x0;
	(pc) =	sbr.rel .LBB2_4-.Ltmp5, $4  }
0x7f: {  	[sflag:s30] =	ssyncadd.s32 $0xFFFFFC00  }
0x80: {  	_ =	swait.ge [sflag:s30], $0x400  }
0x81: {  	[sflag:s30] =	ssyncset.done $0x0  }
0x82: {  	[sflag:s30] =	ssyncadd.s32 $0xFFFFFC00  }
.LBB2_6:
0x83: {  	_ =	sfence.sel $0x180000  }
0x84: {  	[bflag:$0x0] =	sbarrier.arrive $0xFFFF  }
0x85: {  	_ =	strace $0x9000004A  }
0x86: {  	[bflag:$0x2] =	sbarrier.arrive $0xFFFF  }
0x87: {  	s0 =	rddreg [dreg:$0x2]  }
0x88: {  	s0 =	sadd.s32 @!p0 $0x100000, s0  }
0x89: {  	[sflag:s0] =	ssyncadd.tile.s32 @!p0 $0x1;
	_ =	shalt  }
.Lfunc_end2:
_tile_overlayer_lowered:
.L_overlay_start_2:
0x8a: {  	(tag) =	ssettag $0x2  }
0x8b: {  	s0 =	rddreg [dreg:$0x0];
	s2 =	stileid.u32  }
0x8c: {  	s1 =	rddreg [dreg:$0x1];
	p0 =	sne.s32 s2, $0x0  }
0x8d: {  	s3 =	rddreg [dreg:$0x2];
	[bflag:$0x3] =	sbarrier.arrive $0xFFFF;
	s2 =	simm.s32 @!p0 $0x1C02  }
0x8e: {  	[timem:s3], [sflag:s2] =	dma.local @!p0 [hbm:s0], s1  }
0x8f: {  	s0 =	simm.s32 @!p0 $0x2  }
0x90: {  	_ =	swait.ge @!p0 [sflag:s0], s1  }
0x91: {  	s1 =	ssub.s32 @!p0 $0x0, s1;
	[sflag:s0] =	ssyncset.done @!p0 $0x0  }
0x92: {  	[sflag:s0] =	ssyncadd.s32 @!p0 s1  }
0x93: {  	[bflag:$0x3] =	sbarrier.arrive $0xFFFF  }
0x94: {  	_ =	shalt  }

// kernel: kernel.9.cloned.1.call-start
scs
__scs_entry_jumppad:
0x0: {  	(pc) =	sbr.rel $0x88, $3  }
0x1: {  	(tag) =	ssettag $0x0;
	lr =	simm.s32 $0x1  }
0x2: {  	[smem:$0x3F99] =	sst lr;
	_ =	strace $0xD0000000  }
0x3: {  	_ = 	snop  }
0x4: {  	_ = 	snop  }
0x5: {  	_ = 	snop  }
0x6: {  	_ = 	snop  }
0x7: {  	_ = 	snop  }
__scs_overlays_trampoline_lowered:
0x8: {  	[smem:$0x3FA8] =	sst s0  }
0x9: {  	[smem:$0x3FA9] =	sst s1  }
0xa: {  	[smem:$0x3FAA] =	sst s2  }
0xb: {  	[smem:$0x3FAB] =	sst s3  }
0xc: {  	[smem:$0x3FAC] =	sst s4  }
0xd: {  	[smem:$0x3FAD] =	sst s5  }
0xe: {  	[smem:$0x3FAE] =	sst s6  }
0xf: {  	[smem:$0x3FAF] =	sst s7  }
0x10: {  	[smem:$0x3FB0] =	sst s8  }
0x11: {  	[smem:$0x3FB1] =	sst s9;
	s0 =	simm.s32 @!p0 $0x0  }
0x12: {  	s1 =	sld [smem:$0x3F97];
	s0 =	simm.s32 @p0 $0x1  }
0x13: {  	[smem:$0x3FB2] =	sst s0;
	s0 =	simm.s32 @!p1 $0x0  }
0x14: {  	s2 =	sld [smem:$0x3F96];
	s0 =	simm.s32 @p1 $0x1  }
0x15: {  	[smem:$0x3FB3] =	sst s0;
	s0 =	simm.s32 @!p2 $0x0  }
0x16: {  	s3 =	sld [smem:$0x3FDB];
	s0 =	simm.s32 @p2 $0x1  }
0x17: {  	s4 =	simm.s32 $0x1BF5;
	[smem:$0x3FB5] =	sst s0  }
0x18: {  	s0 =	sld [smem:$0x3F98];
	_ =	swait.ge [sflag:s4], $0x0  }
0x19: {  	s7 =	sld [smem:$0x3F99]  }
0x1a: {  	s8 =	sadd.s32 $0xFFFFE003, lr  }
0x1b: {  	s9 =	sadd.s32 $0xFFFFFEF7, lr;
	s5 =	simm.s32 $0xFFFFFFFF;
	p2 =	slt.u32 s8, $0xFFFFF086  }
0x1c: {  	p1 =	slt.u32 s9, $0xF7A;
	s5 =	simm.s32 @!p2 $0x0  }
0x1d: {  	s5 =	simm.s32 @p1 $0x1;
	p0 =	seq.s32 s7, s2  }
0x1e: {  	s7 =	smul.u32 @!p0 $0xF7A, s2;
	p2 =	seq.s32 @!p0 s5, $0x0  }
0x1f: {  	s9 =	smul.u32 $0xF7A, s1;
	s8 =	simm.s32 @!p0 $0x1BF5;
	p2 =	por !p2, p0  }
0x20: {  	[sflag:s8] =	ssyncset.s32 @!p0 $0xFFFFF086;
	s6 =	sadd.s32 @!p0 s3, s7;
	s7 =	simm.s32 @!p0 $0x108  }
0x21: {  	s3 =	sadd.s32 s3, s9;
	s6 =	sadd.s32 @!p0 $0x88, s6;
	s7 =	simm.s32 @p2 $0x1082  }
0x22: {  	[simem:s7], [sflag:s8] =	dma.local @!p0 [hbm:s6], $0xF7A  }
0x23: {  	s9 =	sor.u32 $0xD0000000, s2;
	s6 =	simm.s32 $0x108;
	_ =	swait.ge @!p0 [sflag:s8], $0x0  }
0x24: {  	s3 =	sadd.s32 $0x88, s3;
	s6 =	simm.s32 @!p1 $0x1082;
	[sflag:s4] =	ssyncset.s32 $0xFFFFF086  }
0x25: {  	[simem:s6], [sflag:s4] =	dma.local [hbm:s3], $0xF7A  }
0x26: {  	[smem:$0x3F99] =	sst s1;
	(tag) =	ssettag s2;
	_ =	strace s9  }
0x27: {  	s1 =	sld [smem:$0x3FA9]  }
0x28: {  	s2 =	sld [smem:$0x3FAA]  }
0x29: {  	s4 =	sld [smem:$0x3FAC]  }
0x2a: {  	p0 =	seq.s32 s5, $0x0;
	s5 =	sld [smem:$0x3FAD]  }
0x2b: {  	s6 =	sld [smem:$0x3FAE]  }
0x2c: {  	s7 =	sld [smem:$0x3FAF]  }
0x2d: {  	s3 =	simm.s32 $0x108;
	s8 =	sld [smem:$0x3FB0]  }
0x2e: {  	s3 =	simm.s32 @!p0 $0x1082;
	s9 =	sld [smem:$0x3FB1]  }
0x2f: {  	lr =	sadd.s32 s0, s3;
	s0 =	sld [smem:$0x3FA8]  }
0x30: {  	s3 =	sld [smem:$0x3FAB]  }
0x31: {  	[smem:$0x3FB4] =	sst s10  }
0x32: {  	s10 =	sld [smem:$0x3FB2];
	_ =	sdelay $0x3  }
0x33: {  	p0 =	seq.s32 s10, $0x1;
	s10 =	sld [smem:$0x3FB4];
	_ =	sdelay $0x3  }
0x34: {  	[smem:$0x3FB4] =	sst s10  }
0x35: {  	s10 =	sld [smem:$0x3FB3];
	_ =	sdelay $0x3  }
0x36: {  	p1 =	seq.s32 s10, $0x1;
	s10 =	sld [smem:$0x3FB4];
	_ =	sdelay $0x3  }
0x37: {  	[smem:$0x3FB4] =	sst s10  }
0x38: {  	s10 =	sld [smem:$0x3FB5]  }
0x39: {  	_ = 	snop;
	(pc) =	sbr.ind lr, $3  }
0x3a: {  	_ = 	snop  }
0x3b: {  	_ = 	snop  }
0x3c: {  	p2 =	seq.s32 s10, $0x1;
	s10 =	sld [smem:$0x3FB4]  }
0x3d: {  	_ =	shalt  }
0x3e: {  	_ =	shalt  }
0x3f: {  	_ =	shalt  }
0x40: {  	_ =	shalt  }
0x41: {  	_ =	shalt  }
0x42: {  	_ =	shalt  }
0x43: {  	_ =	shalt  }
0x44: {  	_ =	shalt  }
0x45: {  	_ =	shalt  }
0x46: {  	_ =	shalt  }
0x47: {  	_ =	shalt  }
0x48: {  	_ =	shalt  }
0x49: {  	_ =	shalt  }
0x4a: {  	_ =	shalt  }
0x4b: {  	_ =	shalt  }
0x4c: {  	_ =	shalt  }
0x4d: {  	_ =	shalt  }
0x4e: {  	_ =	shalt  }
0x4f: {  	_ =	shalt  }
0x50: {  	_ =	shalt  }
0x51: {  	_ =	shalt  }
0x52: {  	_ =	shalt  }
0x53: {  	_ =	shalt  }
0x54: {  	_ =	shalt  }
0x55: {  	_ =	shalt  }
0x56: {  	_ =	shalt  }
0x57: {  	_ =	shalt  }
0x58: {  	_ =	shalt  }
0x59: {  	_ =	shalt  }
0x5a: {  	_ =	shalt  }
0x5b: {  	_ =	shalt  }
0x5c: {  	_ =	shalt  }
0x5d: {  	_ =	shalt  }
0x5e: {  	_ =	shalt  }
0x5f: {  	_ =	shalt  }
0x60: {  	_ =	shalt  }
0x61: {  	_ =	shalt  }
0x62: {  	_ =	shalt  }
0x63: {  	_ =	shalt  }
0x64: {  	_ =	shalt  }
0x65: {  	_ =	shalt  }
0x66: {  	_ =	shalt  }
0x67: {  	_ =	shalt  }
0x68: {  	_ =	shalt  }
0x69: {  	_ =	shalt  }
0x6a: {  	_ =	shalt  }
0x6b: {  	_ =	shalt  }
0x6c: {  	_ =	shalt  }
0x6d: {  	_ =	shalt  }
0x6e: {  	_ =	shalt  }
0x6f: {  	_ =	shalt  }
0x70: {  	_ =	shalt  }
0x71: {  	_ =	shalt  }
0x72: {  	_ =	shalt  }
0x73: {  	_ =	shalt  }
0x74: {  	_ =	shalt  }
0x75: {  	_ =	shalt  }
0x76: {  	_ =	shalt  }
0x77: {  	_ =	shalt  }
0x78: {  	_ =	shalt  }
0x79: {  	_ =	shalt  }
0x7a: {  	_ =	shalt  }
0x7b: {  	_ =	shalt  }
0x7c: {  	_ =	shalt  }
0x7d: {  	_ =	shalt  }
0x7e: {  	_ =	shalt  }
0x7f: {  	_ =	shalt  }
0x80: {  	_ =	shalt  }
0x81: {  	_ =	shalt  }
0x82: {  	_ =	shalt  }
0x83: {  	_ =	shalt  }
0x84: {  	_ =	shalt  }
0x85: {  	_ =	shalt  }
0x86: {  	_ =	shalt  }
0x87: {  	_ =	shalt  }
.Lfunc_end0:
.L_simem_size_0:
called_computation.2_lowered:
.L_overlay_start_0:
0x88: {  	s2 =	sld [smem:$0x3FD9]  }
0x89: {  	s3 =	sld [smem:$0x3FFE];
	_ =	sdelay $0x1  }
0x8a: {  	s1 =	srdreg.scid  }
0x8b: {  	s0 =	sand.u32 $0x1, s1  }
0x8c: {  	s16 =	sshll.u32 s0, $0xA;
	s2 =	sadd.s32 s3, s2  }
0x8d: {  	s2 =	sadd.s32 s2, s16  }
0x8e: {  	[smem:$0x3FC0] =	sst s2  }
0x8f: {  	_ = 	snop  }
0x90: {  	(tm) =	ssettm $0x1  }
0x91: {  	s17 =	sld [smem:$0x3FFB];
	_ =	sdelay $0x3  }
0x92: {  	_ =	strace s17  }
0x93: {  	s2 =	sld [smem:$0x3FFC];
	_ =	sdelay $0x3  }
0x94: {  	_ =	strace s2  }
0x95: {  	s2 =	sld [smem:$0x3FFD];
	_ =	sdelay $0x3  }
0x96: {  	_ =	strace s2  }
0x97: {  	_ =	strace $0x8FFFFFFF  }
0x98: {  	s18 =	sld [smem:$0x3FDB];
	_ =	sdelay $0x1  }
0x99: {  	s19 =	simm.s32 $_scs_section_size  }
0x9a: {  	s4 =	simm.s32 $_size__tile_overlayer_lowered;
	s5 =	simm.s32 $_tile_overlayer_lowered  }
0x9b: {  	s22 =	simm.s32 $0x1BFF;
	s21 =	sshll.u32 s5, $0x1;
	s2 =	sadd.s32 s19, s18  }
0x9c: {  	s6 =	simm.s32 $0x0;
	s20 =	sshll.u32 s4, $0x1;
	s4 =	sadd.s32 s21, s2  }
0x9d: {  	[timem:s6], [sflag:s22] =	dma.local [hbm:s4], s20  }
0x9e: {  	_ =	swait.ge [sflag:s22], s20  }
0x9f: {  	s3 =	ssub.s32 $0x0, s20;
	[sflag:s22] =	ssyncset.done $0x0  }
0xa0: {  	[sflag:s22] =	ssyncadd.s32 s3;
	_ =	sdelay $0x1  }
0xa1: {  	s23 =	simm.s32 $0x1B8B  }
0xa2: {  	_ =	swait.ge [sflag:s23], $0x1  }
0xa3: {  	[sflag:s23] =	ssyncset.done $0x0  }
0xa4: {  	s25 =	simm.s32 $0x1B8E;
	s24 =	sld [smem:$0x3FFE];
	[sflag:s23] =	ssyncadd.s32 $0xFFFFFFFF  }
0xa5: {  	s26 =	simm.s32 $execute0_lowered;
	[smem:$0x3FD2] =	sst s25  }
0xa6: {  	s4 =	sshll.u32 s26, $0x1;
	_ =	strace $0x8000004C;
	[dreg:$0x1] =	wrdreg $0xFFFFFFFF  }
0xa7: {  	s28 =	simm.s32 $_size_execute0_lowered;
	s2 =	sadd.s32 s2, s4;
	[dreg:$0x0] =	wrdreg $0x0  }
0xa8: {  	s4 =	sshll.u32 s28, $0x1;
	[dreg:$0x2] =	wrdreg s2  }
0xa9: {  	[dreg:$0x3] =	wrdreg s4  }
0xaa: {  	[dreg:$0x4] =	wrdreg $0xC0  }
0xab: {  	_ =	task [dreg:s6], $0x5FFFF  }
0xac: {  	[dreg:$0x1] =	wrdreg $0xFFFFFFFF  }
0xad: {  	[dreg:$0x0] =	wrdreg $0x60  }
0xae: {  	[dreg:$0x2] =	wrdreg s24  }
0xaf: {  	[dreg:$0x3] =	wrdreg $0x50000  }
0xb0: {  	[dreg:$0x4] =	wrdreg $0x9  }
0xb1: {  	_ =	task.clear_ibuf [dreg:s6], $0x5FFFF;
	_ =	strace $0x9000004C  }
0xb2: {  	s29 =	simm.s32 $0x9;
	_ =	strace $0x8000004E  }
0xb3: {  	_ =	swait.ge [sflag:s29], $0x1  }
0xb4: {  	[sflag:s29] =	ssyncadd.s32 $0xFFFFFFFF  }
0xb5: {  	_ =	strace $0x9000004E  }
0xb6: {  	_ =	sfence  }
0xb7: {  	s30 =	sld [smem:$0x0];
	_ =	sdelay $0x2  }
0xb8: {  	s31 =	sshll.u32 s1, $0xD;
	s1 =	sshrl.u32 s1, $0x2  }
0xb9: {  	s3 =	sand.u32 $0x4000, s31;
	s1 =	sadd.s32 s1, s30  }
0xba: {  	s0 =	sor.u32 s3, s0;
	s1 =	sshll.u32 s1, $0x11  }
0xbb: {  	s0 =	sor.u32 s1, s0  }
0xbc: {  	s0 =	sadd.s32 $0x8F2B, s0  }
0xbd: {  	[sflag:s0] =	ssyncadd.remote.s32 $0x1  }
0xbe: {  	_ =	sfence.sel $0xFFFF  }
0xbf: {  	[dreg:$0x0] =	wrdreg $0xFFFFFFFF;
	(pc) =	sbr.abs _section_cstart, $3  }
0xc0: {  	[dreg:$0x1] =	wrdreg $0xFFFFFFFF  }
0xc1: {  	_ =	task.clear_ibuf [dreg:s6], $0x2FFFF;
	_ =	strace $0x9FFFFFFF  }
0xc2: {  	(tm) =	ssettm $0x7FFFFFFF  }
0xc3: {  	_ =	shalt  }
tec
execute0_lowered:
.L_overlay_start_1:
0x0: {  	(tag) =	ssettag $0x1  }
0x1: {  	s0 =	rddreg [dreg:$0x0];
	s2 =	srdreg.scid  }
0x2: {  	s1 =	rddreg [dreg:$0x1];
	s10 =	stileid.u32  }
0x3: {  	s3 =	simm.s32 $0x0;
	s11 =	simm.s32 $0x12;
	s13 =	simm.s32 $0x80  }
0x4: {  	s17 =	simm.s32 $0xC;
	s19 =	simm.s32 $0xD;
	s21 =	simm.s32 $0xE  }
0x5: {  	s29 =	simm.s32 $0x11;
	s28 =	simm.s32 $0x1C00;
	s30 =	simm.s32 $0x2400  }
0x6: {  	s16 =	simm.s32 $0x3000;
	s20 =	simm.s32 $0x4000;
	s12 =	simm.s32 $0x4400  }
0x7: {  	s14 =	simm.s32 $0x4800;
	s15 =	simm.s32 $0x4C00;
	s2 =	sand.u32 $0x1, s2  }
0x8: {  	s5 =	smul.u32 $0xC800, s10;
	[smem:$0x7FF] =	sst s3;
	s6 =	sshll.u32 s10, $0x9  }
0x9: {  	s9 =	sadd.s32 $0x188400, s0;
	s23 =	sshll.u32 s10, $0x1;
	p0 =	sne.s32 s10, $0x0  }
0xa: {  	s10 =	simm.s32 $0x3800;
	s4 =	smul.u32 $0xC8000, s2;
	_ =	strace $0x8000004D  }
0xb: {  	s6 =	sadd.s32 s6, s0;
	s8 =	ssub.s32 $0x2, s2;
	[dreg:$0x3] =	wrdreg s9  }
0xc: {  	s24 =	sshll.u32 s2, $0x8;
	s9 =	sor.u32 s2, s23;
	s2 =	sshrl.u32 @!p0 s1, $0x3  }
0xd: {  	s23 =	simm.s32 $0xF;
	s22 =	sshrl.u32 s8, $0x1;
	s25 =	sadd.s32 s5, s1  }
0xe: {  	s26 =	sadd.s32 s24, s6;
	[dreg:$0x7] =	wrdreg s2;
	s24 =	simm.s32 $0x3400  }
0xf: {  	s7 =	sadd.s32 s5, s4;
	s4 =	sadd.s32 $0x331400, s0;
	s5 =	sadd.s32 $0xC4F00, s26  }
0x10: {  	s26 =	simm.s32 $0x10;
	s7 =	sshrl.u32 s7, $0x3;
	[dreg:$0x6] =	wrdreg s5  }
.Ltmp0:
0x11: {  	s5 =	simm.s32 $0x3C00;
	s0 =	sadd.s32 s7, s0;
	(pc) =	sbr.rel .LBB2_1-.Ltmp0, $4  }
0x12: {  	s7 =	ssub.s32 s8, s22;
	s8 =	simm.s32 $0x1000;
	s0 =	sadd.s32 $0x34A400, s0  }
0x13: {  	s22 =	simm.s32 $0x1800;
	s31 =	smax.u32 s7, $0x1;
	[dreg:$0x4] =	wrdreg s0  }
0x14: {  	s7 =	simm.s32 $0x2C00;
	[dreg:$0x5] =	wrdreg s31;
	s0 =	sshrl.u32 s25, $0x3  }
0x15: {  	s25 =	simm.s32 $0x1400;
	[dreg:$0x8] =	wrdreg s0;
	s0 =	simm.s32 $0x0  }
.LBB2_5:
0x16: {  	s2 =	stileid.u32;
	[bflag:$0x0] =	sbarrier.arrive $0xFFFF  }
0x17: {  	s2 =	sshll.u32 s2, $0x6;
	s6 =	rddreg [dreg:$0x4]  }
0x18: {  	s3 =	rddreg [dreg:$0x8];
	s2 =	sor.u32 $0x1C12, s2  }
0x19: {  	[hbm:s6], [sflag:s2] =	dma.local [spmem:s3], $0x1900  }
0x1a: {  	_ =	swait.ge [sflag:s11], $0x1900  }
0x1b: {  	s0 =	rddreg [dreg:$0x9]  }
0x1c: {  	s31 =	rddreg [dreg:$0x5];
	s0 =	sadd.s32 $0x1, s0  }
0x1d: {  	p1 =	sne.s32 s0, s31  }
.Ltmp1:
0x1e: {  	_ = 	snop;
	(pc) =	sbr.rel @!p1 .LBB2_6-.Ltmp1, $3  }
0x1f: {  	_ =	sdelay $0x1  }
0x20: {  	[sflag:s11] =	ssyncset.done $0x0  }
0x21: {  	[sflag:s11] =	ssyncadd.s32 $0xFFFFE700  }
.LBB2_1:
0x22: {  	[dreg:$0x9] =	wrdreg s0  }
0x23: {  	s6 =	rddreg [dreg:$0x3]  }
0x24: {  	s2 =	simm.s32 @!p0 $0x1C12;
	s31 =	rddreg [dreg:$0x7]  }
0x25: {  	[spmem:s31], [sflag:s2] =	dma.local @!p0 [hbm:s6], $0x19000  }
0x26: {  	s2 =	simm.s32 @!p0 $0x12  }
.Ltmp2:
0x27: {  	_ =	swait.ge @!p0 [sflag:s2], $0x19000;
	(pc) =	sbr.rel .LBB2_2-.Ltmp2, $4  }
0x28: {  	[sflag:s2] =	ssyncset.done @!p0 $0x0  }
0x29: {  	[sflag:s2] =	ssyncadd.s32 @!p0 $0xFFFE7000  }
0x2a: {  	[bflag:$0x0] =	sbarrier.arrive $0xFFFF  }
0x2b: {  	s2 =	simm.s32 $0x0;
	s31 =	rddreg [dreg:$0x6]  }
.LBB2_4:
0x2c: {  	s2 =	sadd.s32 $0x20, s2  }
0x2d: {  	p1 =	sne.s32 s2, $0xC40  }
.Ltmp3:
0x2e: {  	_ = 	snop;
	(pc) =	sbr.rel @!p1 .LBB2_5-.Ltmp3, $2  }
0x2f: {  	_ =	sdelay $0x2  }
0x30: {  	s31 =	sadd.s32 $0x2000, s31  }
.LBB2_2:
0x31: {  	s6 =	sadd.s32 s2, s9  }
0x32: {  	p1 =	sgt.u32 s6, $0xC34  }
.Ltmp4:
0x33: {  	_ = 	snop;
	(pc) =	sbr.rel @p1 .LBB2_4-.Ltmp4, $1  }
0x34: {  	_ =	sdelay $0x3  }
0x35: {  	s6 =	sadd.s32 $0xFFF3CB00, s31;
	s3 =	simm.s32 $0x0  }
0x36: {  	[tilespmem:s3], [sflag:$0x12] =	stream.linear.gather [hbm4b:s6+s3], $0x800, $0x38;
	[tilespmem:$0x11800] =	vst v63  }
0x37: {  	_ =	swait.ge [sflag:s11], $0x800  }
0x38: {  	[sflag:s11] =	ssyncset.done $0x0  }
0x39: {  	s6 =	simm.s32 $0x800;
	[sflag:s11] =	ssyncadd.s32 $0xFFFFF800  }
0x3a: {  	[tilespmem:s6], [sflag:$0x12] =	stream.linear.gather [hbm4b:s31+s3], $0x800, $0x38;
	[tilespmem:$0x11800] =	vst v63  }
0x3b: {  	_ =	swait.ge [sflag:s11], $0x800  }
0x3c: {  	[sflag:s11] =	ssyncset.done $0x0  }
0x3d: {  	[sflag:s11] =	ssyncadd.s32 $0xFFFFF800  }
0x3e: {  	[tilespmem:s8], [sflag:$0x1] =	stream.indirect.gather [hbm4b:s4+s13], $0x8, s3, s13, $0xb8;
	[tilespmem:$0x11800] =	vst v63  }
0x3f: {  	_ = 	snop  }
0x40: {  	[tilespmem:s25], [sflag:$0x2] =	stream.indirect.gather [hbm4b:s4+s13], $0x8, s13, s13, $0xb8;
	[tilespmem:$0x11800] =	vst v63  }
0x41: {  	s18 =	simm.s32 $0x100  }
0x42: {  	[tilespmem:s22], [sflag:$0x3] =	stream.indirect.gather [hbm4b:s4+s13], $0x8, s18, s13, $0xb8;
	[tilespmem:$0x11800] =	vst v63  }
0x43: {  	s3 =	simm.s32 $0x180  }
0x44: {  	[tilespmem:s28], [sflag:$0x4] =	stream.indirect.gather [hbm4b:s4+s13], $0x8, s3, s13, $0xb8;
	[tilespmem:$0x11800] =	vst v63  }
0x45: {  	s0 =	simm.s32 $0x200;
	s3 =	simm.s32 $0x2000  }
0x46: {  	[tilespmem:s3], [sflag:$0x5] =	stream.indirect.gather [hbm4b:s4+s13], $0x8, s0, s13, $0xb8;
	[tilespmem:$0x11800] =	vst v63  }
0x47: {  	s0 =	simm.s32 $0x280  }
0x48: {  	[tilespmem:s30], [sflag:$0x6] =	stream.indirect.gather [hbm4b:s4+s13], $0x8, s0, s13, $0xb8;
	[tilespmem:$0x11800] =	vst v63  }
0x49: {  	s18 =	simm.s32 $0x300;
	s0 =	simm.s32 $0x2800  }
0x4a: {  	[tilespmem:s0], [sflag:$0x7] =	stream.indirect.gather [hbm4b:s4+s13], $0x8, s18, s13, $0xb8;
	[tilespmem:$0x11800] =	vst v63  }
0x4b: {  	s18 =	simm.s32 $0x380  }
0x4c: {  	[tilespmem:s7], [sflag:$0x8] =	stream.indirect.gather [hbm4b:s4+s13], $0x8, s18, s13, $0xb8;
	[tilespmem:$0x11800] =	vst v63  }
0x4d: {  	s18 =	simm.s32 $0x400  }
0x4e: {  	[tilespmem:s16], [sflag:$0x9] =	stream.indirect.gather [hbm4b:s4+s13], $0x8, s18, s13, $0xb8;
	[tilespmem:$0x11800] =	vst v63  }
0x4f: {  	s18 =	simm.s32 $0x480  }
0x50: {  	[tilespmem:s24], [sflag:$0xA] =	stream.indirect.gather [hbm4b:s4+s13], $0x8, s18, s13, $0xb8;
	[tilespmem:$0x11800] =	vst v63  }
0x51: {  	s18 =	simm.s32 $0x500  }
0x52: {  	[tilespmem:s10], [sflag:$0xB] =	stream.indirect.gather [hbm4b:s4+s13], $0x8, s18, s13, $0xb8;
	[tilespmem:$0x11800] =	vst v63  }
0x53: {  	s18 =	simm.s32 $0x580  }
0x54: {  	[tilespmem:s5], [sflag:$0xC] =	stream.indirect.gather [hbm4b:s4+s13], $0x8, s18, s13, $0xb8;
	[tilespmem:$0x11800] =	vst v63  }
0x55: {  	s18 =	simm.s32 $0x600  }
0x56: {  	[tilespmem:s20], [sflag:$0xD] =	stream.indirect.gather [hbm4b:s4+s13], $0x8, s18, s13, $0xb8;
	[tilespmem:$0x11800] =	vst v63  }
0x57: {  	s18 =	simm.s32 $0x680  }
0x58: {  	[tilespmem:s12], [sflag:$0xE] =	stream.indirect.gather [hbm4b:s4+s13], $0x8, s18, s13, $0xb8;
	[tilespmem:$0x11800] =	vst v63  }
0x59: {  	s18 =	simm.s32 $0x700  }
0x5a: {  	[tilespmem:s14], [sflag:$0xF] =	stream.indirect.gather [hbm4b:s4+s13], $0x8, s18, s13, $0xb8;
	[tilespmem:$0x11800] =	vst v63  }
0x5b: {  	s18 =	simm.s32 $0x780  }
0x5c: {  	[tilespmem:s15], [sflag:$0x10] =	stream.indirect.gather [hbm4b:s4+s13], $0x8, s18, s13, $0xb8;
	[tilespmem:$0x11800] =	vst v63  }
0x5d: {  	s18 =	simm.s32 $0x1  }
0x5e: {  	_ =	swait.ge [sflag:s18], $0x400  }
0x5f: {  	[sflag:s18] =	ssyncset.done $0x0  }
0x60: {  	[sflag:s18] =	ssyncadd.s32 $0xFFFFFC00;
	s18 =	simm.s32 $0x2  }
0x61: {  	[spmem:s1] =	stream.indirect.scatter.add.f32 [tilespmem:s8], [sflag:$0x11], $0x8, s6, s13, $0xb8;
	[tilespmem:$0x11800] =	vst v63  }
0x62: {  	_ =	swait.ge [sflag:s18], $0x400  }
0x63: {  	[sflag:s18] =	ssyncset.done $0x0  }
0x64: {  	[sflag:s18] =	ssyncadd.s32 $0xFFFFFC00;
	s18 =	simm.s32 $0x880  }
0x65: {  	[spmem:s1] =	stream.indirect.scatter.add.f32 [tilespmem:s25], [sflag:$0x11], $0x8, s18, s13, $0xb8;
	[tilespmem:$0x11800] =	vst v63  }
0x66: {  	s18 =	simm.s32 $0x3  }
0x67: {  	_ =	swait.ge [sflag:s18], $0x400  }
0x68: {  	[sflag:s18] =	ssyncset.done $0x0  }
0x69: {  	[sflag:s18] =	ssyncadd.s32 $0xFFFFFC00;
	s18 =	simm.s32 $0x900  }
0x6a: {  	[spmem:s1] =	stream.indirect.scatter.add.f32 [tilespmem:s22], [sflag:$0x11], $0x8, s18, s13, $0xb8;
	[tilespmem:$0x11800] =	vst v63  }
0x6b: {  	s18 =	simm.s32 $0x4  }
0x6c: {  	_ =	swait.ge [sflag:s18], $0x400  }
0x6d: {  	[sflag:s18] =	ssyncset.done $0x0  }
0x6e: {  	[sflag:s18] =	ssyncadd.s32 $0xFFFFFC00;
	s18 =	simm.s32 $0x980  }
0x6f: {  	[spmem:s1] =	stream.indirect.scatter.add.f32 [tilespmem:s28], [sflag:$0x11], $0x8, s18, s13, $0xb8;
	[tilespmem:$0x11800] =	vst v63  }
0x70: {  	s18 =	simm.s32 $0x5  }
0x71: {  	_ =	swait.ge [sflag:s18], $0x400  }
0x72: {  	[sflag:s18] =	ssyncset.done $0x0  }
0x73: {  	[sflag:s18] =	ssyncadd.s32 $0xFFFFFC00;
	s18 =	simm.s32 $0xA00  }
0x74: {  	[spmem:s1] =	stream.indirect.scatter.add.f32 [tilespmem:s3], [sflag:$0x11], $0x8, s18, s13, $0xb8;
	[tilespmem:$0x11800] =	vst v63  }
0x75: {  	s18 =	simm.s32 $0x6  }
0x76: {  	_ =	swait.ge [sflag:s18], $0x400  }
0x77: {  	[sflag:s18] =	ssyncset.done $0x0  }
0x78: {  	s6 =	simm.s32 $0xA80;
	[sflag:s18] =	ssyncadd.s32 $0xFFFFFC00;
	s18 =	simm.s32 $0x7  }
0x79: {  	[spmem:s1] =	stream.indirect.scatter.add.f32 [tilespmem:s30], [sflag:$0x11], $0x8, s6, s13, $0xb8;
	[tilespmem:$0x11800] =	vst v63  }
0x7a: {  	_ =	swait.ge [sflag:s18], $0x400  }
0x7b: {  	[sflag:s18] =	ssyncset.done $0x0  }
0x7c: {  	s6 =	simm.s32 $0xB00;
	[sflag:s18] =	ssyncadd.s32 $0xFFFFFC00;
	s18 =	simm.s32 $0x8  }
0x7d: {  	[spmem:s1] =	stream.indirect.scatter.add.f32 [tilespmem:s0], [sflag:$0x11], $0x8, s6, s13, $0xb8;
	[tilespmem:$0x11800] =	vst v63  }
0x7e: {  	_ =	swait.ge [sflag:s18], $0x400  }
0x7f: {  	[sflag:s18] =	ssyncset.done $0x0  }
0x80: {  	s3 =	simm.s32 $0xB80;
	s6 =	simm.s32 $0x9;
	[sflag:s18] =	ssyncadd.s32 $0xFFFFFC00  }
0x81: {  	[spmem:s1] =	stream.indirect.scatter.add.f32 [tilespmem:s7], [sflag:$0x11], $0x8, s3, s13, $0xb8;
	[tilespmem:$0x11800] =	vst v63  }
0x82: {  	_ =	swait.ge [sflag:s6], $0x400  }
0x83: {  	[sflag:s6] =	ssyncset.done $0x0  }
0x84: {  	s18 =	simm.s32 $0xC00;
	s3 =	simm.s32 $0xA;
	[sflag:s6] =	ssyncadd.s32 $0xFFFFFC00  }
0x85: {  	[spmem:s1] =	stream.indirect.scatter.add.f32 [tilespmem:s16], [sflag:$0x11], $0x8, s18, s13, $0xb8;
	[tilespmem:$0x11800] =	vst v63  }
0x86: {  	_ =	swait.ge [sflag:s3], $0x400  }
0x87: {  	[sflag:s3] =	ssyncset.done $0x0  }
0x88: {  	s6 =	simm.s32 $0xC80;
	s18 =	simm.s32 $0xB;
	[sflag:s3] =	ssyncadd.s32 $0xFFFFFC00  }
0x89: {  	[spmem:s1] =	stream.indirect.scatter.add.f32 [tilespmem:s24], [sflag:$0x11], $0x8, s6, s13, $0xb8;
	[tilespmem:$0x11800] =	vst v63  }
0x8a: {  	_ =	swait.ge [sflag:s18], $0x400  }
0x8b: {  	[sflag:s18] =	ssyncset.done $0x0  }
0x8c: {  	s3 =	simm.s32 $0xD00;
	[sflag:s18] =	ssyncadd.s32 $0xFFFFFC00  }
0x8d: {  	[spmem:s1] =	stream.indirect.scatter.add.f32 [tilespmem:s10], [sflag:$0x11], $0x8, s3, s13, $0xb8;
	[tilespmem:$0x11800] =	vst v63  }
0x8e: {  	_ =	swait.ge [sflag:s17], $0x400  }
0x8f: {  	[sflag:s17] =	ssyncset.done $0x0  }
0x90: {  	s6 =	simm.s32 $0xD80;
	[sflag:s17] =	ssyncadd.s32 $0xFFFFFC00  }
0x91: {  	[spmem:s1] =	stream.indirect.scatter.add.f32 [tilespmem:s5], [sflag:$0x11], $0x8, s6, s13, $0xb8;
	[tilespmem:$0x11800] =	vst v63  }
0x92: {  	_ =	swait.ge [sflag:s19], $0x400  }
0x93: {  	[sflag:s19] =	ssyncset.done $0x0  }
0x94: {  	s18 =	simm.s32 $0xE00;
	[sflag:s19] =	ssyncadd.s32 $0xFFFFFC00  }
0x95: {  	[spmem:s1] =	stream.indirect.scatter.add.f32 [tilespmem:s20], [sflag:$0x11], $0x8, s18, s13, $0xb8;
	[tilespmem:$0x11800] =	vst v63  }
0x96: {  	_ =	swait.ge [sflag:s21], $0x400  }
0x97: {  	[sflag:s21] =	ssyncset.done $0x0  }
0x98: {  	s3 =	simm.s32 $0xE80;
	[sflag:s21] =	ssyncadd.s32 $0xFFFFFC00  }
0x99: {  	[spmem:s1] =	stream.indirect.scatter.add.f32 [tilespmem:s12], [sflag:$0x11], $0x8, s3, s13, $0xb8;
	[tilespmem:$0x11800] =	vst v63  }
0x9a: {  	_ =	swait.ge [sflag:s23], $0x400  }
0x9b: {  	[sflag:s23] =	ssyncset.done $0x0  }
0x9c: {  	s6 =	simm.s32 $0xF00;
	[sflag:s23] =	ssyncadd.s32 $0xFFFFFC00  }
0x9d: {  	[spmem:s1] =	stream.indirect.scatter.add.f32 [tilespmem:s14], [sflag:$0x11], $0x8, s6, s13, $0xb8;
	[tilespmem:$0x11800] =	vst v63  }
0x9e: {  	_ =	swait.ge [sflag:s26], $0x400  }
0x9f: {  	[sflag:s26] =	ssyncset.done $0x0  }
0xa0: {  	s18 =	simm.s32 $0xF80;
	[sflag:s26] =	ssyncadd.s32 $0xFFFFFC00  }
0xa1: {  	[spmem:s1] =	stream.indirect.scatter.add.f32 [tilespmem:s15], [sflag:$0x11], $0x8, s18, s13, $0xb8;
	[tilespmem:$0x11800] =	vst v63  }
0xa2: {  	_ =	swait.ge [sflag:s29], $0x400  }
0xa3: {  	[sflag:s29] =	ssyncset.done $0x0  }
0xa4: {  	[sflag:s29] =	ssyncadd.s32 $0xFFFFFC00  }
0xa5: {  	_ =	swait.ge [sflag:s29], $0x400  }
0xa6: {  	[sflag:s29] =	ssyncset.done $0x0  }
0xa7: {  	[sflag:s29] =	ssyncadd.s32 $0xFFFFFC00  }
0xa8: {  	_ =	swait.ge [sflag:s29], $0x400  }
0xa9: {  	[sflag:s29] =	ssyncset.done $0x0  }
0xaa: {  	[sflag:s29] =	ssyncadd.s32 $0xFFFFFC00  }
0xab: {  	_ =	swait.ge [sflag:s29], $0x400  }
0xac: {  	[sflag:s29] =	ssyncset.done $0x0  }
0xad: {  	[sflag:s29] =	ssyncadd.s32 $0xFFFFFC00  }
0xae: {  	_ =	swait.ge [sflag:s29], $0x400  }
0xaf: {  	[sflag:s29] =	ssyncset.done $0x0  }
0xb0: {  	[sflag:s29] =	ssyncadd.s32 $0xFFFFFC00  }
0xb1: {  	_ =	swait.ge [sflag:s29], $0x400  }
0xb2: {  	[sflag:s29] =	ssyncset.done $0x0  }
0xb3: {  	[sflag:s29] =	ssyncadd.s32 $0xFFFFFC00  }
0xb4: {  	_ =	swait.ge [sflag:s29], $0x400  }
0xb5: {  	[sflag:s29] =	ssyncset.done $0x0  }
0xb6: {  	[sflag:s29] =	ssyncadd.s32 $0xFFFFFC00  }
0xb7: {  	_ =	swait.ge [sflag:s29], $0x400  }
0xb8: {  	[sflag:s29] =	ssyncset.done $0x0  }
0xb9: {  	[sflag:s29] =	ssyncadd.s32 $0xFFFFFC00  }
0xba: {  	_ =	swait.ge [sflag:s29], $0x400  }
0xbb: {  	[sflag:s29] =	ssyncset.done $0x0  }
0xbc: {  	[sflag:s29] =	ssyncadd.s32 $0xFFFFFC00  }
0xbd: {  	_ =	swait.ge [sflag:s29], $0x400  }
0xbe: {  	[sflag:s29] =	ssyncset.done $0x0  }
0xbf: {  	[sflag:s29] =	ssyncadd.s32 $0xFFFFFC00  }
0xc0: {  	_ =	swait.ge [sflag:s29], $0x400  }
0xc1: {  	[sflag:s29] =	ssyncset.done $0x0  }
0xc2: {  	[sflag:s29] =	ssyncadd.s32 $0xFFFFFC00  }
0xc3: {  	_ =	swait.ge [sflag:s29], $0x400  }
0xc4: {  	[sflag:s29] =	ssyncset.done $0x0  }
0xc5: {  	[sflag:s29] =	ssyncadd.s32 $0xFFFFFC00  }
0xc6: {  	_ =	swait.ge [sflag:s29], $0x400  }
0xc7: {  	[sflag:s29] =	ssyncset.done $0x0  }
0xc8: {  	[sflag:s29] =	ssyncadd.s32 $0xFFFFFC00  }
0xc9: {  	_ =	swait.ge [sflag:s29], $0x400  }
0xca: {  	[sflag:s29] =	ssyncset.done $0x0  }
0xcb: {  	[sflag:s29] =	ssyncadd.s32 $0xFFFFFC00  }
0xcc: {  	_ =	swait.ge [sflag:s29], $0x400  }
.Ltmp5:
0xcd: {  	[sflag:s29] =	ssyncset.done $0x0;
	(pc) =	sbr.rel .LBB2_4-.Ltmp5, $4  }
0xce: {  	[sflag:s29] =	ssyncadd.s32 $0xFFFFFC00  }
0xcf: {  	_ =	swait.ge [sflag:s29], $0x400  }
0xd0: {  	[sflag:s29] =	ssyncset.done $0x0  }
0xd1: {  	[sflag:s29] =	ssyncadd.s32 $0xFFFFFC00  }
.LBB2_6:
0xd2: {  	_ =	sfence.sel $0x180000  }
0xd3: {  	[bflag:$0x0] =	sbarrier.arrive $0xFFFF  }
0xd4: {  	_ =	strace $0x9000004D  }
0xd5: {  	[bflag:$0x2] =	sbarrier.arrive $0xFFFF  }
0xd6: {  	s0 =	rddreg [dreg:$0x2]  }
0xd7: {  	s0 =	sadd.s32 @!p0 $0x100000, s0  }
0xd8: {  	[sflag:s0] =	ssyncadd.tile.s32 @!p0 $0x1;
	_ =	shalt  }
.Lfunc_end2:
_tile_overlayer_lowered:
.L_overlay_start_2:
0xd9: {  	(tag) =	ssettag $0x2  }
0xda: {  	s0 =	rddreg [dreg:$0x0];
	s2 =	stileid.u32  }
0xdb: {  	s1 =	rddreg [dreg:$0x1];
	p0 =	sne.s32 s2, $0x0  }
0xdc: {  	s3 =	rddreg [dreg:$0x2];
	[bflag:$0x3] =	sbarrier.arrive $0xFFFF;
	s2 =	simm.s32 @!p0 $0x1C12  }
0xdd: {  	[timem:s3], [sflag:s2] =	dma.local @!p0 [hbm:s0], s1  }
0xde: {  	s0 =	simm.s32 @!p0 $0x12  }
0xdf: {  	_ =	swait.ge @!p0 [sflag:s0], s1  }
0xe0: {  	s1 =	ssub.s32 @!p0 $0x0, s1;
	[sflag:s0] =	ssyncset.done @!p0 $0x0  }
0xe1: {  	[sflag:s0] =	ssyncadd.s32 @!p0 s1  }
0xe2: {  	[bflag:$0x3] =	sbarrier.arrive $0xFFFF  }
0xe3: {  	_ =	shalt  }

// kernel: sparse-core-data-format-call.cloned.1.call-start
scs
called_computation_lowered:
.L_overlay_start_0:
0x0: {  	s2 =	sld [smem:$0x3FD9]  }
0x1: {  	s3 =	sld [smem:$0x3FFE];
	_ =	sdelay $0x1  }
0x2: {  	s1 =	srdreg.scid  }
0x3: {  	s0 =	sand.u32 $0x1, s1  }
0x4: {  	s18 =	sshll.u32 s0, $0xA;
	s2 =	sadd.s32 s3, s2  }
0x5: {  	s2 =	sadd.s32 s2, s18  }
0x6: {  	[smem:$0x3FC0] =	sst s2  }
0x7: {  	_ = 	snop  }
0x8: {  	s2 =	sld [smem:$0x3FC8];
	(tm) =	ssettm $0x1  }
0x9: {  	s19 =	sld [smem:$0x3FFB];
	_ =	sdelay $0x3  }
0xa: {  	_ =	strace s19  }
0xb: {  	s3 =	sld [smem:$0x3FFC];
	_ =	sdelay $0x3  }
0xc: {  	_ =	strace s3  }
0xd: {  	s3 =	sld [smem:$0x3FFD];
	_ =	sdelay $0x3  }
0xe: {  	_ =	strace s3  }
0xf: {  	_ =	strace $0x8FFFFFFF  }
0x10: {  	s20 =	sld [smem:$0x3FDB];
	_ =	sdelay $0x1  }
0x11: {  	s4 =	simm.s32 $_scs_section_size  }
0x12: {  	s5 =	simm.s32 $_size__tile_overlayer_lowered;
	s6 =	simm.s32 $_tile_overlayer_lowered  }
0x13: {  	s23 =	simm.s32 $0x1BFF;
	s22 =	sshll.u32 s6, $0x1;
	s3 =	sadd.s32 s4, s20  }
0x14: {  	s7 =	simm.s32 $0x0;
	s21 =	sshll.u32 s5, $0x1;
	s5 =	sadd.s32 s22, s3  }
0x15: {  	[timem:s7], [sflag:s23] =	dma.local [hbm:s5], s21  }
0x16: {  	_ =	swait.ge [sflag:s23], s21  }
0x17: {  	s4 =	ssub.s32 $0x0, s21;
	[sflag:s23] =	ssyncset.done $0x0  }
0x18: {  	[sflag:s23] =	ssyncadd.s32 s4;
	_ =	sdelay $0x1  }
0x19: {  	s24 =	simm.s32 $0x1B8B  }
0x1a: {  	_ =	swait.ge [sflag:s24], $0x1  }
0x1b: {  	[sflag:s24] =	ssyncset.done $0x0  }
0x1c: {  	s26 =	simm.s32 $0x1B8E;
	s25 =	sld [smem:$0x3FFE];
	[sflag:s24] =	ssyncadd.s32 $0xFFFFFFFF  }
0x1d: {  	s27 =	simm.s32 $execute0_lowered;
	[smem:$0x3FD2] =	sst s26  }
0x1e: {  	s5 =	sshll.u32 s27, $0x1;
	_ =	strace $0x80000046;
	[dreg:$0x1] =	wrdreg $0xFFFFFFFF  }
0x1f: {  	s28 =	simm.s32 $_size_execute0_lowered;
	s3 =	sadd.s32 s3, s5;
	[dreg:$0x0] =	wrdreg $0x0  }
0x20: {  	s5 =	sshll.u32 s28, $0x1;
	[dreg:$0x2] =	wrdreg s3  }
0x21: {  	[dreg:$0x3] =	wrdreg s5  }
0x22: {  	[dreg:$0x4] =	wrdreg $0xC0  }
0x23: {  	_ =	task [dreg:s7], $0x5FFFF  }
0x24: {  	[dreg:$0x1] =	wrdreg $0xFFFFFFFF  }
0x25: {  	[dreg:$0x0] =	wrdreg $0x60  }
0x26: {  	[dreg:$0x2] =	wrdreg s2  }
0x27: {  	[dreg:$0x3] =	wrdreg s25  }
0x28: {  	[dreg:$0x4] =	wrdreg $0x9  }
0x29: {  	_ =	task.clear_ibuf [dreg:s7], $0x5FFFF;
	_ =	strace $0x90000046  }
0x2a: {  	s29 =	simm.s32 $0x9;
	_ =	strace $0x80000048  }
0x2b: {  	_ =	swait.ge [sflag:s29], $0x1  }
0x2c: {  	[sflag:s29] =	ssyncadd.s32 $0xFFFFFFFF  }
0x2d: {  	_ =	strace $0x90000048  }
0x2e: {  	_ =	sfence  }
0x2f: {  	s30 =	sld [smem:$0x0];
	_ =	sdelay $0x2  }
0x30: {  	s31 =	sshll.u32 s1, $0xD;
	s1 =	sshrl.u32 s1, $0x2  }
0x31: {  	s3 =	sand.u32 $0x4000, s31;
	s1 =	sadd.s32 s1, s30  }
0x32: {  	s0 =	sor.u32 s3, s0;
	s1 =	sshll.u32 s1, $0x11  }
0x33: {  	s0 =	sor.u32 s1, s0  }
0x34: {  	s0 =	sadd.s32 $0x8F2B, s0  }
0x35: {  	[sflag:s0] =	ssyncadd.remote.s32 $0x1  }
0x36: {  	_ =	sfence.sel $0xFFFF  }
0x37: {  	[dreg:$0x0] =	wrdreg $0xFFFFFFFF;
	(pc) =	sbr.abs _section_cstart, $3  }
0x38: {  	[dreg:$0x1] =	wrdreg $0xFFFFFFFF  }
0x39: {  	_ =	task.clear_ibuf [dreg:s7], $0x2FFFF;
	_ =	strace $0x9FFFFFFF  }
0x3a: {  	(tm) =	ssettm $0x7FFFFFFF  }
0x3b: {  	_ =	shalt  }
tec
execute0_lowered:
.L_overlay_start_1:
0x0: {  	(tag) =	ssettag $0x1  }
0x1: {  	s0 =	stileid.u32;
	s7 =	rddreg [dreg:$0x0]  }
0x2: {  	s1 =	srdreg.scid;
	s4 =	rddreg [dreg:$0x1]  }
0x3: {  	s30 =	simm.s32 $0x2;
	s10 =	simm.s32 $0x0;
	s14 =	simm.s32 $0x0  }
0x4: {  	s15 =	simm.s32 $0x0;
	s11 =	simm.s32 $0x0;
	s13 =	simm.s32 $0x0  }
0x5: {  	s2 =	sand.u32 $0x1, s1;
	s3 =	sshll.u32 s0, $0x7;
	s1 =	rddreg [dreg:$0x2]  }
0x6: {  	_ =	strace $0x80000047;
	s5 =	ssub.s32 $0xC300, s3;
	s6 =	ssub.s32 $0x2, s2  }
.Ltmp0:
0x7: {  	s5 =	sshrl.u32 s5, $0xB;
	s8 =	sshrl.u32 s6, $0x1;
	(pc) =	sbr.rel .LBB1_1-.Ltmp0, $4  }
0x8: {  	s4 =	sadd.s32 $0x1A00, s4;
	s9 =	sadd.s32 $0x1, s5;
	s6 =	ssub.s32 s6, s8  }
0x9: {  	s31 =	sshll.u32 s2, $0x4;
	s5 =	simm.s32 $0x1;
	s6 =	smul.u32 s9, s6  }
0xa: {  	s12 =	smov.u32 s3;
	s7 =	sadd.s32 s7, s31;
	[sflag:s5] =	ssyncpa.u1 $0x0  }
0xb: {  	s9 =	simm.s32 $0x0;
	[sflag:s30] =	ssyncpa.u1 $0x0;
	s8 =	sadd.s32 $0x1, s6  }
.LBB1_4:
0xc: {  	s21 =	simm.s32 $0x0  }
.LBB1_8:
0xd: {  	_ =	sdelay $0x3  }
0xe: {  	v6 =	vld [tilespmem:s18+$0xFFFFFFC0];
	[tilespmem:v0+s20+$0x30 ss:$0x1] =	vst.idx.msk @p0 $0xffff, v2  }
0xf: {  	v58 =	vld [tilespmem:s18+$0xFFFFFFD0];
	[tilespmem:v0+s20+$0x40 ss:$0x1] =	vst.idx.msk @p0 $0xffff, v3;
	s21 =	sadd.s32 @p0 $0x80, s21  }
0x10: {  	v59 =	vld [tilespmem:s18+$0xFFFFFFE0];
	[tilespmem:v0+s20+$0x50 ss:$0x1] =	vst.idx.msk @p0 $0xffff, v5;
	s19 =	smov.u32 @p0 s21  }
0x11: {  	v60 =	vld [tilespmem:s18+$0xFFFFFFF0];
	[tilespmem:v0+s20+$0x60 ss:$0x1] =	vst.idx.msk @p0 $0xffff, v4;
	s19 =	sand.u32 $0x3F80, s19  }
0x12: {  	v61 =	vld [tilespmem:s18+$0x0];
	[tilespmem:v0+s19+$0x70 ss:$0x1] =	vst.idx.msk $0xffff, v1  }
0x13: {  	v62 =	vld [tilespmem:s18+$0x10];
	[tilespmem:v0+s19+$0x0 ss:$0x1] =	vst.idx.msk $0xffff, v6  }
0x14: {  	v63 =	vld [tilespmem:s18+$0x20];
	[tilespmem:v0+s19+$0x10 ss:$0x1] =	vst.idx.msk $0xffff, v58  }
0x15: {  	[tilespmem:v0+s19+$0x20 ss:$0x1] =	vst.idx.msk $0xffff, v59  }
0x16: {  	[tilespmem:v0+s19+$0x30 ss:$0x1] =	vst.idx.msk $0xffff, v60  }
0x17: {  	[tilespmem:v0+s19+$0x40 ss:$0x1] =	vst.idx.msk $0xffff, v61  }
0x18: {  	[tilespmem:v0+s19+$0x50 ss:$0x1] =	vst.idx.msk $0xffff, v62  }
0x19: {  	[tilespmem:v0+s19+$0x60 ss:$0x1] =	vst.idx.msk $0xffff, v63  }
.LBB1_9:
0x1a: {  	s18 =	sand.u32 $0x1FFFFFF, s11  }
0x1b: {  	s19 =	smulhi.u32 $0x14F8B59, s18;
	_ =	sdelay $0x1  }
0x1c: {  	s19 =	sshrl.u32 s19, $0x8  }
0x1d: {  	s19 =	smul.u32 $0xC350, s19  }
0x1e: {  	s15 =	smul.u32 $0xC3500, s15  }
0x1f: {  	s18 =	ssub.s32 s18, s19  }
0x20: {  	s15 =	sadd.s32 s4, s15;
	s18 =	sshll.u32 s18, $0x4  }
0x21: {  	s15 =	sadd.s32 s18, s15  }
0x22: {  	[hbm4b:s15+s9] =	stream.linear.scatter [tilespmem:s17], [sflag:$0x2], s16, $0x38;
	[tilespmem:$0x10000] =	vst v63  }
.LBB1_10:
0x23: {  	p0 =	slt.u32 s13, $0x2  }
0x24: {  	p1 =	sgt.s32 @!p0 s14, $0xC2D0  }
0x25: {  	s15 =	smov.u32 s14;
	s16 =	sshra.s32 @!p0 s14, $0x1F;
	p1 =	por !p1, p0  }
0x26: {  	s14 =	sand.u32 @!p0 s16, s14;
	s15 =	simm.s32 @p1 $0xC2D0  }
0x27: {  	s14 =	ssub.s32 @!p0 s15, s14  }
0x28: {  	s14 =	sadd.s32 @!p0 $0xFFFF3D30, s14  }
0x29: {  	s15 =	sshll.u32 @!p0 s14, $0x7  }
0x2a: {  	p1 =	sgt.s32 @!p0 s14, $0x7F;
	s14 =	ssub.s32 @!p0 $0x4000, s15  }
0x2b: {  	s16 =	sadd.s32 $0x800, s12;
	p1 =	por !p1, p0;
	s14 =	sand.u32 @!p0 $0x3FFFFF80, s14  }
0x2c: {  	s14 =	simm.s32 @!p1 $0x0;
	p1 =	sgt.s32 s16, $0xC34F  }
0x2d: {  	s16 =	smov.u32 @p1 s3;
	p1 =	sne.s32 s13, s8  }
.Ltmp1:
0x2e: {  	_ = 	snop;
	(pc) =	sbr.rel @!p1 .LBB1_11-.Ltmp1, $4  }
0x2f: {  	s10 =	sadd.s32 $0x4000, s10;
	s15 =	simm.s32 @!p0 $0x2  }
0x30: {  	_ =	swait.ge @!p0 [sflag:s15], s14;
	s17 =	ssub.s32 @!p0 $0x0, s14;
	s14 =	smov.u32 s11  }
0x31: {  	s13 =	sadd.s32 $0x1, s13;
	s11 =	smov.u32 s12;
	[sflag:s15] =	ssyncset.done @!p0 $0x0  }
0x32: {  	s12 =	smov.u32 s16;
	[sflag:s15] =	ssyncadd.s32 @!p0 s17;
	s15 =	smov.u32 s2  }
.LBB1_1:
0x33: {  	p0 =	sge.u32 s13, s6  }
0x34: {  	p1 =	sgt.s32 @!p0 s12, $0xC2D0  }
0x35: {  	s16 =	smov.u32 s12;
	s17 =	sshra.s32 @!p0 s12, $0x1F;
	p1 =	por !p1, p0  }
0x36: {  	s17 =	sand.u32 @!p0 s17, s12;
	s16 =	simm.s32 @p1 $0xC2D0  }
0x37: {  	s16 =	ssub.s32 @!p0 s16, s17  }
0x38: {  	s31 =	sadd.s32 $0xFFFFFFFF, s13;
	s18 =	sxor.u32 @!p0 $0xFFFFFFFF, s13;
	s16 =	sadd.s32 @!p0 $0xFFFF3D30, s16  }
0x39: {  	s19 =	simm.s32 @!p0 $0x80;
	s20 =	simm.s32 @!p0 $0x100;
	s17 =	sshll.u32 @!p0 s16, $0x7  }
0x3a: {  	p1 =	sgt.s32 @!p0 s16, $0x7F;
	s16 =	ssub.s32 @!p0 $0x4000, s17;
	s17 =	sshll.u32 @!p0 s18, $0xE  }
0x3b: {  	p1 =	por !p1, p0;
	s18 =	sshll.u32 @!p0 s12, $0x5;
	s16 =	sand.u32 @!p0 $0x3FFFFF80, s16  }
0x3c: {  	s17 =	sand.u32 @!p0 $0x4000, s17;
	s18 =	sadd.s32 @!p0 s18, s7;
	s16 =	simm.s32 @!p1 $0x0  }
0x3d: {  	[tilespmem:s17], [sflag:$0x1] =	stream.strided.gather @!p0 [hbm4b:s18+s19], s16, s20, s19, $0x38;
	[tilespmem:$0x10000] =	vst v63  }
0x3e: {  	p0 =	sge.u32 s31, s6  }
.Ltmp2:
0x3f: {  	_ = 	snop;
	(pc) =	sbr.rel @p0 .LBB1_10-.Ltmp2, $1  }
0x40: {  	_ =	sdelay $0x3  }
0x41: {  	p0 =	sgt.s32 s11, $0xC2D0;
	s16 =	smov.u32 s11;
	s17 =	sshra.s32 s11, $0x1F  }
0x42: {  	s16 =	simm.s32 @!p0 $0xC2D0;
	s17 =	sand.u32 s17, s11  }
0x43: {  	s16 =	ssub.s32 s16, s17  }
0x44: {  	s16 =	sadd.s32 $0xFFFF3D30, s16  }
0x45: {  	s30 =	sshll.u32 s16, $0x7  }
0x46: {  	s17 =	ssub.s32 $0x4000, s30  }
0x47: {  	p0 =	sgt.s32 s16, $0x7F;
	s16 =	sand.u32 $0x3FFFFF80, s17;
	s17 =	sadd.s32 $0x80, s11  }
0x48: {  	s16 =	simm.s32 @p0 $0x0;
	p0 =	slt.s32 s17, $0xC350  }
0x49: {  	s17 =	simm.s32 @!p0 $0xC350  }
0x4a: {  	s20 =	ssub.s32 s17, s11  }
0x4b: {  	p0 =	slt.s32 s20, $0x1  }
.Ltmp3:
0x4c: {  	_ = 	snop;
	(pc) =	sbr.rel @p0 .LBB1_9-.Ltmp3, $4  }
0x4d: {  	_ = 	snop  }
0x4e: {  	s19 =	sshll.u32 s13, $0xE;
	_ =	swait.ge [sflag:s5], s16  }
0x4f: {  	s31 =	sand.u32 $0x4000, s19;
	s18 =	ssub.s32 $0x0, s16;
	[sflag:s5] =	ssyncset.done $0x0  }
0x50: {  	s17 =	sor.u32 $0x8000, s31;
	[sflag:s5] =	ssyncadd.s32 s18  }
0x51: {  	p1 =	sne.s32 s20, $0x1  }
.Ltmp4:
0x52: {  	v0 =	vmov s17;
	(pc) =	sbr.rel @!p1 .LBB1_4-.Ltmp4, $4  }
0x53: {  	_ = 	snop  }
0x54: {  	s18 =	sand.u32 $0x4000, s10  }
0x55: {  	s18 =	sor.u32 $0x40, s18  }
0x56: {  	s19 =	simm.s32 $0x0;
	s21 =	sadd.s32 $0xFFFFFFFF, s20;
	p0 =	por $0x0, $0x0;
	v1 =	vld [tilespmem:s18+$0x30]  }
0x57: {  	v4 =	vld [tilespmem:s18+$0xFFFFFFC0]  }
0x58: {  	v6 =	vld [tilespmem:s18+$0xFFFFFFD0]  }
0x59: {  	v7 =	vld [tilespmem:s18+$0xFFFFFFE0];
	p1 =	sne.s32 s21, $0x1  }
.Ltmp5:
0x5a: {  	v2 =	vld [tilespmem:s18+$0xFFFFFFF0];
	s20 =	sand.u32 $0x3F80, s19;
	(pc) =	sbr.rel @!p1 .LBB1_6-.Ltmp5, $4  }
0x5b: {  	v3 =	vld [tilespmem:s18+$0x0];
	[tilespmem:v0+s20+$0x70 ss:$0x1] =	vst.idx.msk $0xffff, v1  }
0x5c: {  	v5 =	vld [tilespmem:s18+$0x10];
	[tilespmem:v0+s20+$0x0 ss:$0x1] =	vst.idx.msk $0xffff, v4  }
0x5d: {  	v4 =	vld [tilespmem:s18+$0x20];
	[tilespmem:v0+s20+$0x10 ss:$0x1] =	vst.idx.msk $0xffff, v6;
	s18 =	sadd.s32 $0x80, s18  }
0x5e: {  	s22 =	sadd.s32 $0xFFFFFFFF, s21;
	p0 =	por $0x1, $0x1;
	s21 =	simm.s32 $0x0;
	[tilespmem:v0+s20+$0x20 ss:$0x1] =	vst.idx.msk $0xffff, v7;
	v1 =	vld [tilespmem:s18+$0x30]  }
.LBB1_7:
0x5f: {  	p1 =	sne.s32 s22, $0x1;
	v6 =	vld [tilespmem:s18+$0xFFFFFFC0];
	[tilespmem:v0+s20+$0x30 ss:$0x1] =	vst.idx.msk $0xffff, v2  }
0x60: {  	v7 =	vld [tilespmem:s18+$0xFFFFFFD0];
	[tilespmem:v0+s20+$0x40 ss:$0x1] =	vst.idx.msk $0xffff, v3  }
0x61: {  	s21 =	sadd.s32 $0x80, s21;
	v8 =	vld [tilespmem:s18+$0xFFFFFFE0];
	[tilespmem:v0+s20+$0x50 ss:$0x1] =	vst.idx.msk $0xffff, v5  }
.Ltmp6:
0x62: {  	v2 =	vld [tilespmem:s18+$0xFFFFFFF0];
	[tilespmem:v0+s20+$0x60 ss:$0x1] =	vst.idx.msk $0xffff, v4;
	s20 =	sand.u32 $0x3F80, s21;
	(pc) =	sbr.rel @p1 .LBB1_7-.Ltmp6, $4  }
0x63: {  	v3 =	vld [tilespmem:s18+$0x0];
	[tilespmem:v0+s20+$0x70 ss:$0x1] =	vst.idx.msk $0xffff, v1  }
0x64: {  	[tilespmem:v0+s20+$0x0 ss:$0x1] =	vst.idx.msk $0xffff, v6;
	v5 =	vld [tilespmem:s18+$0x10]  }
0x65: {  	[tilespmem:v0+s20+$0x10 ss:$0x1] =	vst.idx.msk $0xffff, v7;
	v4 =	vld [tilespmem:s18+$0x20];
	s18 =	sadd.s32 $0x80, s18  }
0x66: {  	s22 =	sadd.s32 $0xFFFFFFFF, s22;
	v1 =	vld [tilespmem:s18+$0x30];
	[tilespmem:v0+s20+$0x20 ss:$0x1] =	vst.idx.msk $0xffff, v8  }
.Ltmp7:
0x67: {  	_ = 	snop;
	(pc) =	sbr.rel .LBB1_8-.Ltmp7, $1  }
0x68: {  	_ =	sdelay $0x3  }
.LBB1_6:
.Ltmp8:
0x69: {  	(pc) =	sbr.rel .LBB1_8-.Ltmp8, $2  }
0x6a: {  	_ =	sdelay $0x2  }
0x6b: {  	s21 =	simm.s32 $0x0  }
.LBB1_11:
0x6c: {  	_ =	sfence.sel $0x180000  }
0x6d: {  	s2 =	simm.s32 $0x1;
	[bflag:$0x0] =	sbarrier.arrive $0xFFFF  }
0x6e: {  	s31 =	simm.s32 $0x2;
	[sflag:s2] =	ssyncpa.u1 $0x1  }
0x6f: {  	[sflag:s31] =	ssyncpa.u1 $0x1  }
0x70: {  	p0 =	sne.s32 s0, $0x0;
	_ =	strace $0x90000047  }
0x71: {  	s0 =	sadd.s32 @!p0 $0x100000, s1;
	[bflag:$0x2] =	sbarrier.arrive $0xFFFF  }
0x72: {  	[sflag:s0] =	ssyncadd.tile.s32 @!p0 $0x1;
	_ =	shalt  }
.Lfunc_end1:
_tile_overlayer_lowered:
.L_overlay_start_2:
0x73: {  	(tag) =	ssettag $0x2  }
0x74: {  	s0 =	rddreg [dreg:$0x0];
	s2 =	stileid.u32  }
0x75: {  	s1 =	rddreg [dreg:$0x1];
	p0 =	sne.s32 s2, $0x0  }
0x76: {  	s3 =	rddreg [dreg:$0x2];
	[bflag:$0x3] =	sbarrier.arrive $0xFFFF;
	s2 =	simm.s32 @!p0 $0x1C01  }
0x77: {  	[timem:s3], [sflag:s2] =	dma.local @!p0 [hbm:s0], s1  }
0x78: {  	s0 =	simm.s32 @!p0 $0x1  }
0x79: {  	_ =	swait.ge @!p0 [sflag:s0], s1  }
0x7a: {  	s1 =	ssub.s32 @!p0 $0x0, s1;
	[sflag:s0] =	ssyncset.done @!p0 $0x0  }
0x7b: {  	[sflag:s0] =	ssyncadd.s32 @!p0 s1  }
0x7c: {  	[bflag:$0x3] =	sbarrier.arrive $0xFFFF  }
0x7d: {  	_ =	shalt  }

</sc_bundles>
